<compile_context>
chip_gen: v7x
topology: tpu7x:2x2x1
jax: 0.10.2.dev20260603
libtpu: 0.0.44.dev20260713+nightly
codegen_flags: <defaults>
</compile_context>

<pallas_src>
import functools

import jax
import jax.numpy as jnp
from jax import lax
from jax.experimental import pallas as pl
from jax.experimental.pallas import tpu as pltpu
from jax.experimental.pallas import tpu_sc as plsc

_B = 16384
_C = 1000
_SMOOTH = 0.1
_NEG = _SMOOTH / _C
_POS = 1.0 - _SMOOTH + _NEG

_NC = 2
_NS = 16
_NW = _NC * _NS
_BATCH_W = _B // _NW
_BGROUPS = _BATCH_W // 16
_CHUNK_C = 40
_CHUNK_LIST = [(k * _CHUNK_C, _CHUNK_C) for k in range(_C // _CHUNK_C)]


def _body(target_hbm, out_hbm, tgt_v, buf0, buf1, sem0, sem1):
    wid = lax.axis_index("s") * _NC + lax.axis_index("c")
    bbase = wid * _BATCH_W
    pltpu.sync_copy(target_hbm.at[pl.ds(bbase, _BATCH_W)], tgt_v)

    neg16 = jnp.full((16,), _NEG, jnp.float32)
    pos16 = jnp.full((16,), _POS, jnp.float32)
    lane = lax.iota(jnp.int32, 16)

    def fill(r, carry):
        for g in range(_BGROUPS):
            buf0[r, pl.ds(g * 16, 16)] = neg16
            buf1[r, pl.ds(g * 16, 16)] = neg16
        return carry

    lax.fori_loop(0, _CHUNK_C, fill, 0)

    def scan_pass(buf, new_c, old_c):
        c0, h = new_c

        def one(g, carry):
            col = lane + g * 16
            t = tgt_v[pl.ds(g * 16, 16)]
            if old_c is not None:
                oc0, oh = old_c
                mo = (t >= oc0) & (t < oc0 + oh)
                plsc.store_scatter(buf, [t - oc0, col], neg16, mask=mo)
            m = (t >= c0) & (t < c0 + h)
            plsc.store_scatter(buf, [t - c0, col], pos16, mask=m)
            return carry

        lax.fori_loop(0, _BGROUPS, one, 0)

    bufs = (buf0, buf1)
    sems = (sem0, sem1)
    copies = [None, None]
    for c, (c0, h) in enumerate(_CHUNK_LIST):
        b = c % 2
        buf = bufs[b]
        old_c = None
        if copies[b] is not None:
            copies[b].wait()
            old_c = _CHUNK_LIST[c - 2]
        scan_pass(buf, (c0, h), old_c)
        src = buf if h == _CHUNK_C else buf.at[pl.ds(0, h)]
        cp = pltpu.make_async_copy(
            src,
            out_hbm.at[pl.ds(c0, h), pl.ds(bbase, _BATCH_W)],
            sems[b],
        )
        cp.start()
        copies[b] = cp
    copies[0].wait()
    copies[1].wait()


_sc_call = functools.partial(
    pl.kernel,
    out_type=jax.ShapeDtypeStruct((_C, _B), jnp.float32),
    mesh=plsc.VectorSubcoreMesh(core_axis_name="c", subcore_axis_name="s"),
    compiler_params=pltpu.CompilerParams(
        needs_layout_passes=False,
        disable_bounds_checks=True,
        disable_semaphore_checks=True,
        skip_device_barrier=True,
    ),
    scratch_types=[
        pltpu.VMEM((_BATCH_W,), jnp.int32),
        pltpu.VMEM((_CHUNK_C, _BATCH_W), jnp.float32),
        pltpu.VMEM((_CHUNK_C, _BATCH_W), jnp.float32),
        pltpu.SemaphoreType.DMA,
        pltpu.SemaphoreType.DMA,
    ],
)(_body)


def kernel(target):
    return _sc_call(target).T

# --- scband reference (transcript-rebuilt; emitter-appended) ---
"""Pipeline reference for scband-label-smooth-loss-82927228551913 (READ-ONLY COPY).

The authoritative reference and input builder live on the scoring server;
editing this copy changes nothing except your own understanding.
"""

import jax, jax.numpy as jnp
import numpy as np

NUM_CLASSES = 1000
SMOOTHING = 0.1
NEGATIVE = SMOOTHING / NUM_CLASSES
POSITIVE = 1.0 - SMOOTHING + NEGATIVE


def setup_inputs(seed: int = 0) -> dict:
    key = jax.random.key(seed)
    target = jax.random.randint(key, (16384,), 0, NUM_CLASSES, dtype=jnp.int32)
    return {"target": target}


def reference(target):
    B = target.shape[0]
    true_dist = jnp.full((B, NUM_CLASSES), NEGATIVE, dtype=jnp.float32)
    true_dist = true_dist.at[jnp.arange(B), target].set(POSITIVE)
    return true_dist

if __name__ == "__main__":
    import jax
    _d = setup_inputs()
    print(jax.jit(kernel)(*tuple(_d.values())))

</pallas_src>

<mosaic_0001>
#map = affine_map<(d0, d1) -> (0)>
#map1 = affine_map<(d0, d1) -> (0, 0)>
module attributes {stable_mosaic.version = 14 : i64} {
  func.func @_body(%arg0: i32, %arg1: i32, %arg2: memref<16384xi32, #tpu.memory_space<hbm>>, %arg3: memref<1000x16384xf32, #tpu.memory_space<hbm>>, %arg4: memref<512xi32, #tpu.memory_space<vmem>>, %arg5: memref<40x512xf32, #tpu.memory_space<vmem>>, %arg6: memref<40x512xf32, #tpu.memory_space<vmem>>, %arg7: memref<!tpu.dma_semaphore, #tpu.memory_space<semaphore_mem>>, %arg8: memref<!tpu.dma_semaphore, #tpu.memory_space<semaphore_mem>>) attributes {dimension_semantics = [#tpu.dimension_semantics<core_parallel>, #tpu.dimension_semantics<subcore_parallel>], iteration_bounds = array<i64: 2, 16>, scalar_prefetch = 0 : i64, scratch_operands = 5 : i64, tpu.core_type = #tpu.core_type<sc_vector_subcore>, window_params = [{transform_indices = #map}, {transform_indices = #map1}]} {
    %mul3A = arith.constant 2 : i32
    %mul3A_0 = arith.muli %arg1, %mul3A : i32
    %add3A = arith.addi %mul3A_0, %arg0 : i32
    %mul3A_1 = arith.constant 512 : i32
    %mul3A_2 = arith.muli %add3A, %mul3A_1 : i32
    "tpu.region"() ({
      %run_scoped3A = tpu.sem_alloc : memref<!tpu.dma_semaphore, #tpu.memory_space<semaphore_mem>>
      %dma_start3A_359 = tpu.memref_slice %arg2[%mul3A_2] : memref<16384xi32, #tpu.memory_space<hbm>> -> memref<512xi32, #tpu.memory_space<hbm>>
      %dma_start3A_360 = tpu.memref_slice %arg2[%mul3A_2] : memref<16384xi32, #tpu.memory_space<hbm>> -> memref<512xi32, #tpu.memory_space<hbm>>
      tpu.enqueue_dma source(%dma_start3A_360 : memref<512xi32, #tpu.memory_space<hbm>>) target(%arg4 : memref<512xi32, #tpu.memory_space<vmem>>) target_semaphore(%run_scoped3A : memref<!tpu.dma_semaphore, #tpu.memory_space<semaphore_mem>>)
      %dma_wait3A_361 = tpu.memref_slice %arg2[%mul3A_2] : memref<16384xi32, #tpu.memory_space<hbm>> -> memref<512xi32, #tpu.memory_space<hbm>>
      %dma_wait3A_362 = tpu.memref_slice %arg2[%mul3A_2] : memref<16384xi32, #tpu.memory_space<hbm>> -> memref<512xi32, #tpu.memory_space<hbm>>
      tpu.wait_dma2 semaphore(%run_scoped3A : memref<!tpu.dma_semaphore, #tpu.memory_space<semaphore_mem>>) src(%dma_wait3A_362 : memref<512xi32, #tpu.memory_space<hbm>>) dst(%arg4 : memref<512xi32, #tpu.memory_space<vmem>>)
      tpu.yield
    }) : () -> ()
    %broadcast_in_dim3A = arith.constant 9.99999974E-5 : f32
    %broadcast_in_dim3A_3 = vector.broadcast %broadcast_in_dim3A : f32 to vector<16xf32>
    %broadcast_in_dim3A_4 = arith.constant 9.001000e-01 : f32
    %broadcast_in_dim3A_5 = vector.broadcast %broadcast_in_dim3A_4 : f32 to vector<16xf32>
    %iota3A = tpu.iota {dimensions = array<i32: 0>} : vector<16xi32>
    %scan3A = arith.constant 0 : i32
    %scan3A_6 = arith.constant 0 : i32
    %scan3A_7 = arith.constant 40 : i32
    %scan3A_8 = arith.addi %scan3A_6, %scan3A_7 : i32
    %scan3A_9 = arith.constant 1 : i32
    scf.for %scan3A_359 = %scan3A_6 to %scan3A_8 step %scan3A_9  : i32 {
      %swap3A = arith.index_cast %scan3A_359 : i32 to index
      %swap3A_360 = arith.constant 0 : index
      %swap3A_361 = tpu.vector_load %arg5[%swap3A, %swap3A_360] {strides = array<i32>} : memref<40x512xf32, #tpu.memory_space<vmem>>, vector<16xf32>,
      tpu.vector_store %arg5[%swap3A, %swap3A_360], %broadcast_in_dim3A_3 {strides = array<i32>} : memref<40x512xf32, #tpu.memory_space<vmem>>, vector<16xf32>,
      %swap3A_362 = arith.index_cast %scan3A_359 : i32 to index
      %swap3A_363 = arith.constant 0 : index
      %swap3A_364 = tpu.vector_load %arg6[%swap3A_362, %swap3A_363] {strides = array<i32>} : memref<40x512xf32, #tpu.memory_space<vmem>>, vector<16xf32>,
      tpu.vector_store %arg6[%swap3A_362, %swap3A_363], %broadcast_in_dim3A_3 {strides = array<i32>} : memref<40x512xf32, #tpu.memory_space<vmem>>, vector<16xf32>,
      %swap3A_365 = arith.index_cast %scan3A_359 : i32 to index
      %swap3A_366 = arith.constant 16 : index
      %swap3A_367 = tpu.vector_load %arg5[%swap3A_365, %swap3A_366] {strides = array<i32>} : memref<40x512xf32, #tpu.memory_space<vmem>>, vector<16xf32>,
      tpu.vector_store %arg5[%swap3A_365, %swap3A_366], %broadcast_in_dim3A_3 {strides = array<i32>} : memref<40x512xf32, #tpu.memory_space<vmem>>, vector<16xf32>,
      %swap3A_368 = arith.index_cast %scan3A_359 : i32 to index
      %swap3A_369 = arith.constant 16 : index
      %swap3A_370 = tpu.vector_load %arg6[%swap3A_368, %swap3A_369] {strides = array<i32>} : memref<40x512xf32, #tpu.memory_space<vmem>>, vector<16xf32>,
      tpu.vector_store %arg6[%swap3A_368, %swap3A_369], %broadcast_in_dim3A_3 {strides = array<i32>} : memref<40x512xf32, #tpu.memory_space<vmem>>, vector<16xf32>,
      %swap3A_371 = arith.index_cast %scan3A_359 : i32 to index
      %swap3A_372 = arith.constant 32 : index
      %swap3A_373 = tpu.vector_load %arg5[%swap3A_371, %swap3A_372] {strides = array<i32>} : memref<40x512xf32, #tpu.memory_space<vmem>>, vector<16xf32>,
      tpu.vector_store %arg5[%swap3A_371, %swap3A_372], %broadcast_in_dim3A_3 {strides = array<i32>} : memref<40x512xf32, #tpu.memory_space<vmem>>, vector<16xf32>,
      %swap3A_374 = arith.index_cast %scan3A_359 : i32 to index
      %swap3A_375 = arith.constant 32 : index
      %swap3A_376 = tpu.vector_load %arg6[%swap3A_374, %swap3A_375] {strides = array<i32>} : memref<40x512xf32, #tpu.memory_space<vmem>>, vector<16xf32>,
      tpu.vector_store %arg6[%swap3A_374, %swap3A_375], %broadcast_in_dim3A_3 {strides = array<i32>} : memref<40x512xf32, #tpu.memory_space<vmem>>, vector<16xf32>,
      %swap3A_377 = arith.index_cast %scan3A_359 : i32 to index
      %swap3A_378 = arith.constant 48 : index
      %swap3A_379 = tpu.vector_load %arg5[%swap3A_377, %swap3A_378] {strides = array<i32>} : memref<40x512xf32, #tpu.memory_space<vmem>>, vector<16xf32>,
      tpu.vector_store %arg5[%swap3A_377, %swap3A_378], %broadcast_in_dim3A_3 {strides = array<i32>} : memref<40x512xf32, #tpu.memory_space<vmem>>, vector<16xf32>,
      %swap3A_380 = arith.index_cast %scan3A_359 : i32 to index
      %swap3A_381 = arith.constant 48 : index
      %swap3A_382 = tpu.vector_load %arg6[%swap3A_380, %swap3A_381] {strides = array<i32>} : memref<40x512xf32, #tpu.memory_space<vmem>>, vector<16xf32>,
      tpu.vector_store %arg6[%swap3A_380, %swap3A_381], %broadcast_in_dim3A_3 {strides = array<i32>} : memref<40x512xf32, #tpu.memory_space<vmem>>, vector<16xf32>,
      %swap3A_383 = arith.index_cast %scan3A_359 : i32 to index
      %swap3A_384 = arith.constant 64 : index
      %swap3A_385 = tpu.vector_load %arg5[%swap3A_383, %swap3A_384] {strides = array<i32>} : memref<40x512xf32, #tpu.memory_space<vmem>>, vector<16xf32>,
      tpu.vector_store %arg5[%swap3A_383, %swap3A_384], %broadcast_in_dim3A_3 {strides = array<i32>} : memref<40x512xf32, #tpu.memory_space<vmem>>, vector<16xf32>,
      %swap3A_386 = arith.index_cast %scan3A_359 : i32 to index
      %swap3A_387 = arith.constant 64 : index
      %swap3A_388 = tpu.vector_load %arg6[%swap3A_386, %swap3A_387] {strides = array<i32>} : memref<40x512xf32, #tpu.memory_space<vmem>>, vector<16xf32>,
      tpu.vector_store %arg6[%swap3A_386, %swap3A_387], %broadcast_in_dim3A_3 {strides = array<i32>} : memref<40x512xf32, #tpu.memory_space<vmem>>, vector<16xf32>,
      %swap3A_389 = arith.index_cast %scan3A_359 : i32 to index
      %swap3A_390 = arith.constant 80 : index
      %swap3A_391 = tpu.vector_load %arg5[%swap3A_389, %swap3A_390] {strides = array<i32>} : memref<40x512xf32, #tpu.memory_space<vmem>>, vector<16xf32>,
      tpu.vector_store %arg5[%swap3A_389, %swap3A_390], %broadcast_in_dim3A_3 {strides = array<i32>} : memref<40x512xf32, #tpu.memory_space<vmem>>, vector<16xf32>,
      %swap3A_392 = arith.index_cast %scan3A_359 : i32 to index
      %swap3A_393 = arith.constant 80 : index
      %swap3A_394 = tpu.vector_load %arg6[%swap3A_392, %swap3A_393] {strides = array<i32>} : memref<40x512xf32, #tpu.memory_space<vmem>>, vector<16xf32>,
      tpu.vector_store %arg6[%swap3A_392, %swap3A_393], %broadcast_in_dim3A_3 {strides = array<i32>} : memref<40x512xf32, #tpu.memory_space<vmem>>, vector<16xf32>,
      %swap3A_395 = arith.index_cast %scan3A_359 : i32 to index
      %swap3A_396 = arith.constant 96 : index
      %swap3A_397 = tpu.vector_load %arg5[%swap3A_395, %swap3A_396] {strides = array<i32>} : memref<40x512xf32, #tpu.memory_space<vmem>>, vector<16xf32>,
      tpu.vector_store %arg5[%swap3A_395, %swap3A_396], %broadcast_in_dim3A_3 {strides = array<i32>} : memref<40x512xf32, #tpu.memory_space<vmem>>, vector<16xf32>,
      %swap3A_398 = arith.index_cast %scan3A_359 : i32 to index
      %swap3A_399 = arith.constant 96 : index
      %swap3A_400 = tpu.vector_load %arg6[%swap3A_398, %swap3A_399] {strides = array<i32>} : memref<40x512xf32, #tpu.memory_space<vmem>>, vector<16xf32>,
      tpu.vector_store %arg6[%swap3A_398, %swap3A_399], %broadcast_in_dim3A_3 {strides = array<i32>} : memref<40x512xf32, #tpu.memory_space<vmem>>, vector<16xf32>,
      %swap3A_401 = arith.index_cast %scan3A_359 : i32 to index
      %swap3A_402 = arith.constant 112 : index
      %swap3A_403 = tpu.vector_load %arg5[%swap3A_401, %swap3A_402] {strides = array<i32>} : memref<40x512xf32, #tpu.memory_space<vmem>>, vector<16xf32>,
      tpu.vector_store %arg5[%swap3A_401, %swap3A_402], %broadcast_in_dim3A_3 {strides = array<i32>} : memref<40x512xf32, #tpu.memory_space<vmem>>, vector<16xf32>,
      %swap3A_404 = arith.index_cast %scan3A_359 : i32 to index
      %swap3A_405 = arith.constant 112 : index
      %swap3A_406 = tpu.vector_load %arg6[%swap3A_404, %swap3A_405] {strides = array<i32>} : memref<40x512xf32, #tpu.memory_space<vmem>>, vector<16xf32>,
      tpu.vector_store %arg6[%swap3A_404, %swap3A_405], %broadcast_in_dim3A_3 {strides = array<i32>} : memref<40x512xf32, #tpu.memory_space<vmem>>, vector<16xf32>,
      %swap3A_407 = arith.index_cast %scan3A_359 : i32 to index
      %swap3A_408 = arith.constant 128 : index
      %swap3A_409 = tpu.vector_load %arg5[%swap3A_407, %swap3A_408] {strides = array<i32>} : memref<40x512xf32, #tpu.memory_space<vmem>>, vector<16xf32>,
      tpu.vector_store %arg5[%swap3A_407, %swap3A_408], %broadcast_in_dim3A_3 {strides = array<i32>} : memref<40x512xf32, #tpu.memory_space<vmem>>, vector<16xf32>,
      %swap3A_410 = arith.index_cast %scan3A_359 : i32 to index
      %swap3A_411 = arith.constant 128 : index
      %swap3A_412 = tpu.vector_load %arg6[%swap3A_410, %swap3A_411] {strides = array<i32>} : memref<40x512xf32, #tpu.memory_space<vmem>>, vector<16xf32>,
      tpu.vector_store %arg6[%swap3A_410, %swap3A_411], %broadcast_in_dim3A_3 {strides = array<i32>} : memref<40x512xf32, #tpu.memory_space<vmem>>, vector<16xf32>,
      %swap3A_413 = arith.index_cast %scan3A_359 : i32 to index
      %swap3A_414 = arith.constant 144 : index
      %swap3A_415 = tpu.vector_load %arg5[%swap3A_413, %swap3A_414] {strides = array<i32>} : memref<40x512xf32, #tpu.memory_space<vmem>>, vector<16xf32>,
      tpu.vector_store %arg5[%swap3A_413, %swap3A_414], %broadcast_in_dim3A_3 {strides = array<i32>} : memref<40x512xf32, #tpu.memory_space<vmem>>, vector<16xf32>,
      %swap3A_416 = arith.index_cast %scan3A_359 : i32 to index
      %swap3A_417 = arith.constant 144 : index
      %swap3A_418 = tpu.vector_load %arg6[%swap3A_416, %swap3A_417] {strides = array<i32>} : memref<40x512xf32, #tpu.memory_space<vmem>>, vector<16xf32>,
      tpu.vector_store %arg6[%swap3A_416, %swap3A_417], %broadcast_in_dim3A_3 {strides = array<i32>} : memref<40x512xf32, #tpu.memory_space<vmem>>, vector<16xf32>,
      %swap3A_419 = arith.index_cast %scan3A_359 : i32 to index
      %swap3A_420 = arith.constant 160 : index
      %swap3A_421 = tpu.vector_load %arg5[%swap3A_419, %swap3A_420] {strides = array<i32>} : memref<40x512xf32, #tpu.memory_space<vmem>>, vector<16xf32>,
      tpu.vector_store %arg5[%swap3A_419, %swap3A_420], %broadcast_in_dim3A_3 {strides = array<i32>} : memref<40x512xf32, #tpu.memory_space<vmem>>, vector<16xf32>,
      %swap3A_422 = arith.index_cast %scan3A_359 : i32 to index
      %swap3A_423 = arith.constant 160 : index
      %swap3A_424 = tpu.vector_load %arg6[%swap3A_422, %swap3A_423] {strides = array<i32>} : memref<40x512xf32, #tpu.memory_space<vmem>>, vector<16xf32>,
      tpu.vector_store %arg6[%swap3A_422, %swap3A_423], %broadcast_in_dim3A_3 {strides = array<i32>} : memref<40x512xf32, #tpu.memory_space<vmem>>, vector<16xf32>,
      %swap3A_425 = arith.index_cast %scan3A_359 : i32 to index
      %swap3A_426 = arith.constant 176 : index
      %swap3A_427 = tpu.vector_load %arg5[%swap3A_425, %swap3A_426] {strides = array<i32>} : memref<40x512xf32, #tpu.memory_space<vmem>>, vector<16xf32>,
      tpu.vector_store %arg5[%swap3A_425, %swap3A_426], %broadcast_in_dim3A_3 {strides = array<i32>} : memref<40x512xf32, #tpu.memory_space<vmem>>, vector<16xf32>,
      %swap3A_428 = arith.index_cast %scan3A_359 : i32 to index
      %swap3A_429 = arith.constant 176 : index
      %swap3A_430 = tpu.vector_load %arg6[%swap3A_428, %swap3A_429] {strides = array<i32>} : memref<40x512xf32, #tpu.memory_space<vmem>>, vector<16xf32>,
      tpu.vector_store %arg6[%swap3A_428, %swap3A_429], %broadcast_in_dim3A_3 {strides = array<i32>} : memref<40x512xf32, #tpu.memory_space<vmem>>, vector<16xf32>,
      %swap3A_431 = arith.index_cast %scan3A_359 : i32 to index
      %swap3A_432 = arith.constant 192 : index
      %swap3A_433 = tpu.vector_load %arg5[%swap3A_431, %swap3A_432] {strides = array<i32>} : memref<40x512xf32, #tpu.memory_space<vmem>>, vector<16xf32>,
      tpu.vector_store %arg5[%swap3A_431, %swap3A_432], %broadcast_in_dim3A_3 {strides = array<i32>} : memref<40x512xf32, #tpu.memory_space<vmem>>, vector<16xf32>,
      %swap3A_434 = arith.index_cast %scan3A_359 : i32 to index
      %swap3A_435 = arith.constant 192 : index
      %swap3A_436 = tpu.vector_load %arg6[%swap3A_434, %swap3A_435] {strides = array<i32>} : memref<40x512xf32, #tpu.memory_space<vmem>>, vector<16xf32>,
      tpu.vector_store %arg6[%swap3A_434, %swap3A_435], %broadcast_in_dim3A_3 {strides = array<i32>} : memref<40x512xf32, #tpu.memory_space<vmem>>, vector<16xf32>,
      %swap3A_437 = arith.index_cast %scan3A_359 : i32 to index
      %swap3A_438 = arith.constant 208 : index
      %swap3A_439 = tpu.vector_load %arg5[%swap3A_437, %swap3A_438] {strides = array<i32>} : memref<40x512xf32, #tpu.memory_space<vmem>>, vector<16xf32>,
      tpu.vector_store %arg5[%swap3A_437, %swap3A_438], %broadcast_in_dim3A_3 {strides = array<i32>} : memref<40x512xf32, #tpu.memory_space<vmem>>, vector<16xf32>,
      %swap3A_440 = arith.index_cast %scan3A_359 : i32 to index
      %swap3A_441 = arith.constant 208 : index
      %swap3A_442 = tpu.vector_load %arg6[%swap3A_440, %swap3A_441] {strides = array<i32>} : memref<40x512xf32, #tpu.memory_space<vmem>>, vector<16xf32>,
      tpu.vector_store %arg6[%swap3A_440, %swap3A_441], %broadcast_in_dim3A_3 {strides = array<i32>} : memref<40x512xf32, #tpu.memory_space<vmem>>, vector<16xf32>,
      %swap3A_443 = arith.index_cast %scan3A_359 : i32 to index
      %swap3A_444 = arith.constant 224 : index
      %swap3A_445 = tpu.vector_load %arg5[%swap3A_443, %swap3A_444] {strides = array<i32>} : memref<40x512xf32, #tpu.memory_space<vmem>>, vector<16xf32>,
      tpu.vector_store %arg5[%swap3A_443, %swap3A_444], %broadcast_in_dim3A_3 {strides = array<i32>} : memref<40x512xf32, #tpu.memory_space<vmem>>, vector<16xf32>,
      %swap3A_446 = arith.index_cast %scan3A_359 : i32 to index
      %swap3A_447 = arith.constant 224 : index
      %swap3A_448 = tpu.vector_load %arg6[%swap3A_446, %swap3A_447] {strides = array<i32>} : memref<40x512xf32, #tpu.memory_space<vmem>>, vector<16xf32>,
      tpu.vector_store %arg6[%swap3A_446, %swap3A_447], %broadcast_in_dim3A_3 {strides = array<i32>} : memref<40x512xf32, #tpu.memory_space<vmem>>, vector<16xf32>,
      %swap3A_449 = arith.index_cast %scan3A_359 : i32 to index
      %swap3A_450 = arith.constant 240 : index
      %swap3A_451 = tpu.vector_load %arg5[%swap3A_449, %swap3A_450] {strides = array<i32>} : memref<40x512xf32, #tpu.memory_space<vmem>>, vector<16xf32>,
      tpu.vector_store %arg5[%swap3A_449, %swap3A_450], %broadcast_in_dim3A_3 {strides = array<i32>} : memref<40x512xf32, #tpu.memory_space<vmem>>, vector<16xf32>,
      %swap3A_452 = arith.index_cast %scan3A_359 : i32 to index
      %swap3A_453 = arith.constant 240 : index
      %swap3A_454 = tpu.vector_load %arg6[%swap3A_452, %swap3A_453] {strides = array<i32>} : memref<40x512xf32, #tpu.memory_space<vmem>>, vector<16xf32>,
      tpu.vector_store %arg6[%swap3A_452, %swap3A_453], %broadcast_in_dim3A_3 {strides = array<i32>} : memref<40x512xf32, #tpu.memory_space<vmem>>, vector<16xf32>,
      %swap3A_455 = arith.index_cast %scan3A_359 : i32 to index
      %swap3A_456 = arith.constant 256 : index
      %swap3A_457 = tpu.vector_load %arg5[%swap3A_455, %swap3A_456] {strides = array<i32>} : memref<40x512xf32, #tpu.memory_space<vmem>>, vector<16xf32>,
      tpu.vector_store %arg5[%swap3A_455, %swap3A_456], %broadcast_in_dim3A_3 {strides = array<i32>} : memref<40x512xf32, #tpu.memory_space<vmem>>, vector<16xf32>,
      %swap3A_458 = arith.index_cast %scan3A_359 : i32 to index
      %swap3A_459 = arith.constant 256 : index
      %swap3A_460 = tpu.vector_load %arg6[%swap3A_458, %swap3A_459] {strides = array<i32>} : memref<40x512xf32, #tpu.memory_space<vmem>>, vector<16xf32>,
      tpu.vector_store %arg6[%swap3A_458, %swap3A_459], %broadcast_in_dim3A_3 {strides = array<i32>} : memref<40x512xf32, #tpu.memory_space<vmem>>, vector<16xf32>,
      %swap3A_461 = arith.index_cast %scan3A_359 : i32 to index
      %swap3A_462 = arith.constant 272 : index
      %swap3A_463 = tpu.vector_load %arg5[%swap3A_461, %swap3A_462] {strides = array<i32>} : memref<40x512xf32, #tpu.memory_space<vmem>>, vector<16xf32>,
      tpu.vector_store %arg5[%swap3A_461, %swap3A_462], %broadcast_in_dim3A_3 {strides = array<i32>} : memref<40x512xf32, #tpu.memory_space<vmem>>, vector<16xf32>,
      %swap3A_464 = arith.index_cast %scan3A_359 : i32 to index
      %swap3A_465 = arith.constant 272 : index
      %swap3A_466 = tpu.vector_load %arg6[%swap3A_464, %swap3A_465] {strides = array<i32>} : memref<40x512xf32, #tpu.memory_space<vmem>>, vector<16xf32>,
      tpu.vector_store %arg6[%swap3A_464, %swap3A_465], %broadcast_in_dim3A_3 {strides = array<i32>} : memref<40x512xf32, #tpu.memory_space<vmem>>, vector<16xf32>,
      %swap3A_467 = arith.index_cast %scan3A_359 : i32 to index
      %swap3A_468 = arith.constant 288 : index
      %swap3A_469 = tpu.vector_load %arg5[%swap3A_467, %swap3A_468] {strides = array<i32>} : memref<40x512xf32, #tpu.memory_space<vmem>>, vector<16xf32>,
      tpu.vector_store %arg5[%swap3A_467, %swap3A_468], %broadcast_in_dim3A_3 {strides = array<i32>} : memref<40x512xf32, #tpu.memory_space<vmem>>, vector<16xf32>,
      %swap3A_470 = arith.index_cast %scan3A_359 : i32 to index
      %swap3A_471 = arith.constant 288 : index
      %swap3A_472 = tpu.vector_load %arg6[%swap3A_470, %swap3A_471] {strides = array<i32>} : memref<40x512xf32, #tpu.memory_space<vmem>>, vector<16xf32>,
      tpu.vector_store %arg6[%swap3A_470, %swap3A_471], %broadcast_in_dim3A_3 {strides = array<i32>} : memref<40x512xf32, #tpu.memory_space<vmem>>, vector<16xf32>,
      %swap3A_473 = arith.index_cast %scan3A_359 : i32 to index
      %swap3A_474 = arith.constant 304 : index
      %swap3A_475 = tpu.vector_load %arg5[%swap3A_473, %swap3A_474] {strides = array<i32>} : memref<40x512xf32, #tpu.memory_space<vmem>>, vector<16xf32>,
      tpu.vector_store %arg5[%swap3A_473, %swap3A_474], %broadcast_in_dim3A_3 {strides = array<i32>} : memref<40x512xf32, #tpu.memory_space<vmem>>, vector<16xf32>,
      %swap3A_476 = arith.index_cast %scan3A_359 : i32 to index
      %swap3A_477 = arith.constant 304 : index
      %swap3A_478 = tpu.vector_load %arg6[%swap3A_476, %swap3A_477] {strides = array<i32>} : memref<40x512xf32, #tpu.memory_space<vmem>>, vector<16xf32>,
      tpu.vector_store %arg6[%swap3A_476, %swap3A_477], %broadcast_in_dim3A_3 {strides = array<i32>} : memref<40x512xf32, #tpu.memory_space<vmem>>, vector<16xf32>,
      %swap3A_479 = arith.index_cast %scan3A_359 : i32 to index
      %swap3A_480 = arith.constant 320 : index
      %swap3A_481 = tpu.vector_load %arg5[%swap3A_479, %swap3A_480] {strides = array<i32>} : memref<40x512xf32, #tpu.memory_space<vmem>>, vector<16xf32>,
      tpu.vector_store %arg5[%swap3A_479, %swap3A_480], %broadcast_in_dim3A_3 {strides = array<i32>} : memref<40x512xf32, #tpu.memory_space<vmem>>, vector<16xf32>,
      %swap3A_482 = arith.index_cast %scan3A_359 : i32 to index
      %swap3A_483 = arith.constant 320 : index
      %swap3A_484 = tpu.vector_load %arg6[%swap3A_482, %swap3A_483] {strides = array<i32>} : memref<40x512xf32, #tpu.memory_space<vmem>>, vector<16xf32>,
      tpu.vector_store %arg6[%swap3A_482, %swap3A_483], %broadcast_in_dim3A_3 {strides = array<i32>} : memref<40x512xf32, #tpu.memory_space<vmem>>, vector<16xf32>,
      %swap3A_485 = arith.index_cast %scan3A_359 : i32 to index
      %swap3A_486 = arith.constant 336 : index
      %swap3A_487 = tpu.vector_load %arg5[%swap3A_485, %swap3A_486] {strides = array<i32>} : memref<40x512xf32, #tpu.memory_space<vmem>>, vector<16xf32>,
      tpu.vector_store %arg5[%swap3A_485, %swap3A_486], %broadcast_in_dim3A_3 {strides = array<i32>} : memref<40x512xf32, #tpu.memory_space<vmem>>, vector<16xf32>,
      %swap3A_488 = arith.index_cast %scan3A_359 : i32 to index
      %swap3A_489 = arith.constant 336 : index
      %swap3A_490 = tpu.vector_load %arg6[%swap3A_488, %swap3A_489] {strides = array<i32>} : memref<40x512xf32, #tpu.memory_space<vmem>>, vector<16xf32>,
      tpu.vector_store %arg6[%swap3A_488, %swap3A_489], %broadcast_in_dim3A_3 {strides = array<i32>} : memref<40x512xf32, #tpu.memory_space<vmem>>, vector<16xf32>,
      %swap3A_491 = arith.index_cast %scan3A_359 : i32 to index
      %swap3A_492 = arith.constant 352 : index
      %swap3A_493 = tpu.vector_load %arg5[%swap3A_491, %swap3A_492] {strides = array<i32>} : memref<40x512xf32, #tpu.memory_space<vmem>>, vector<16xf32>,
      tpu.vector_store %arg5[%swap3A_491, %swap3A_492], %broadcast_in_dim3A_3 {strides = array<i32>} : memref<40x512xf32, #tpu.memory_space<vmem>>, vector<16xf32>,
      %swap3A_494 = arith.index_cast %scan3A_359 : i32 to index
      %swap3A_495 = arith.constant 352 : index
      %swap3A_496 = tpu.vector_load %arg6[%swap3A_494, %swap3A_495] {strides = array<i32>} : memref<40x512xf32, #tpu.memory_space<vmem>>, vector<16xf32>,
      tpu.vector_store %arg6[%swap3A_494, %swap3A_495], %broadcast_in_dim3A_3 {strides = array<i32>} : memref<40x512xf32, #tpu.memory_space<vmem>>, vector<16xf32>,
      %swap3A_497 = arith.index_cast %scan3A_359 : i32 to index
      %swap3A_498 = arith.constant 368 : index
      %swap3A_499 = tpu.vector_load %arg5[%swap3A_497, %swap3A_498] {strides = array<i32>} : memref<40x512xf32, #tpu.memory_space<vmem>>, vector<16xf32>,
      tpu.vector_store %arg5[%swap3A_497, %swap3A_498], %broadcast_in_dim3A_3 {strides = array<i32>} : memref<40x512xf32, #tpu.memory_space<vmem>>, vector<16xf32>,
      %swap3A_500 = arith.index_cast %scan3A_359 : i32 to index
      %swap3A_501 = arith.constant 368 : index
      %swap3A_502 = tpu.vector_load %arg6[%swap3A_500, %swap3A_501] {strides = array<i32>} : memref<40x512xf32, #tpu.memory_space<vmem>>, vector<16xf32>,
      tpu.vector_store %arg6[%swap3A_500, %swap3A_501], %broadcast_in_dim3A_3 {strides = array<i32>} : memref<40x512xf32, #tpu.memory_space<vmem>>, vector<16xf32>,
      %swap3A_503 = arith.index_cast %scan3A_359 : i32 to index
      %swap3A_504 = arith.constant 384 : index
      %swap3A_505 = tpu.vector_load %arg5[%swap3A_503, %swap3A_504] {strides = array<i32>} : memref<40x512xf32, #tpu.memory_space<vmem>>, vector<16xf32>,
      tpu.vector_store %arg5[%swap3A_503, %swap3A_504], %broadcast_in_dim3A_3 {strides = array<i32>} : memref<40x512xf32, #tpu.memory_space<vmem>>, vector<16xf32>,
      %swap3A_506 = arith.index_cast %scan3A_359 : i32 to index
      %swap3A_507 = arith.constant 384 : index
      %swap3A_508 = tpu.vector_load %arg6[%swap3A_506, %swap3A_507] {strides = array<i32>} : memref<40x512xf32, #tpu.memory_space<vmem>>, vector<16xf32>,
      tpu.vector_store %arg6[%swap3A_506, %swap3A_507], %broadcast_in_dim3A_3 {strides = array<i32>} : memref<40x512xf32, #tpu.memory_space<vmem>>, vector<16xf32>,
      %swap3A_509 = arith.index_cast %scan3A_359 : i32 to index
      %swap3A_510 = arith.constant 400 : index
      %swap3A_511 = tpu.vector_load %arg5[%swap3A_509, %swap3A_510] {strides = array<i32>} : memref<40x512xf32, #tpu.memory_space<vmem>>, vector<16xf32>,
      tpu.vector_store %arg5[%swap3A_509, %swap3A_510], %broadcast_in_dim3A_3 {strides = array<i32>} : memref<40x512xf32, #tpu.memory_space<vmem>>, vector<16xf32>,
      %swap3A_512 = arith.index_cast %scan3A_359 : i32 to index
      %swap3A_513 = arith.constant 400 : index
      %swap3A_514 = tpu.vector_load %arg6[%swap3A_512, %swap3A_513] {strides = array<i32>} : memref<40x512xf32, #tpu.memory_space<vmem>>, vector<16xf32>,
      tpu.vector_store %arg6[%swap3A_512, %swap3A_513], %broadcast_in_dim3A_3 {strides = array<i32>} : memref<40x512xf32, #tpu.memory_space<vmem>>, vector<16xf32>,
      %swap3A_515 = arith.index_cast %scan3A_359 : i32 to index
      %swap3A_516 = arith.constant 416 : index
      %swap3A_517 = tpu.vector_load %arg5[%swap3A_515, %swap3A_516] {strides = array<i32>} : memref<40x512xf32, #tpu.memory_space<vmem>>, vector<16xf32>,
      tpu.vector_store %arg5[%swap3A_515, %swap3A_516], %broadcast_in_dim3A_3 {strides = array<i32>} : memref<40x512xf32, #tpu.memory_space<vmem>>, vector<16xf32>,
      %swap3A_518 = arith.index_cast %scan3A_359 : i32 to index
      %swap3A_519 = arith.constant 416 : index
      %swap3A_520 = tpu.vector_load %arg6[%swap3A_518, %swap3A_519] {strides = array<i32>} : memref<40x512xf32, #tpu.memory_space<vmem>>, vector<16xf32>,
      tpu.vector_store %arg6[%swap3A_518, %swap3A_519], %broadcast_in_dim3A_3 {strides = array<i32>} : memref<40x512xf32, #tpu.memory_space<vmem>>, vector<16xf32>,
      %swap3A_521 = arith.index_cast %scan3A_359 : i32 to index
      %swap3A_522 = arith.constant 432 : index
      %swap3A_523 = tpu.vector_load %arg5[%swap3A_521, %swap3A_522] {strides = array<i32>} : memref<40x512xf32, #tpu.memory_space<vmem>>, vector<16xf32>,
      tpu.vector_store %arg5[%swap3A_521, %swap3A_522], %broadcast_in_dim3A_3 {strides = array<i32>} : memref<40x512xf32, #tpu.memory_space<vmem>>, vector<16xf32>,
      %swap3A_524 = arith.index_cast %scan3A_359 : i32 to index
      %swap3A_525 = arith.constant 432 : index
      %swap3A_526 = tpu.vector_load %arg6[%swap3A_524, %swap3A_525] {strides = array<i32>} : memref<40x512xf32, #tpu.memory_space<vmem>>, vector<16xf32>,
      tpu.vector_store %arg6[%swap3A_524, %swap3A_525], %broadcast_in_dim3A_3 {strides = array<i32>} : memref<40x512xf32, #tpu.memory_space<vmem>>, vector<16xf32>,
      %swap3A_527 = arith.index_cast %scan3A_359 : i32 to index
      %swap3A_528 = arith.constant 448 : index
      %swap3A_529 = tpu.vector_load %arg5[%swap3A_527, %swap3A_528] {strides = array<i32>} : memref<40x512xf32, #tpu.memory_space<vmem>>, vector<16xf32>,
      tpu.vector_store %arg5[%swap3A_527, %swap3A_528], %broadcast_in_dim3A_3 {strides = array<i32>} : memref<40x512xf32, #tpu.memory_space<vmem>>, vector<16xf32>,
      %swap3A_530 = arith.index_cast %scan3A_359 : i32 to index
      %swap3A_531 = arith.constant 448 : index
      %swap3A_532 = tpu.vector_load %arg6[%swap3A_530, %swap3A_531] {strides = array<i32>} : memref<40x512xf32, #tpu.memory_space<vmem>>, vector<16xf32>,
      tpu.vector_store %arg6[%swap3A_530, %swap3A_531], %broadcast_in_dim3A_3 {strides = array<i32>} : memref<40x512xf32, #tpu.memory_space<vmem>>, vector<16xf32>,
      %swap3A_533 = arith.index_cast %scan3A_359 : i32 to index
      %swap3A_534 = arith.constant 464 : index
      %swap3A_535 = tpu.vector_load %arg5[%swap3A_533, %swap3A_534] {strides = array<i32>} : memref<40x512xf32, #tpu.memory_space<vmem>>, vector<16xf32>,
      tpu.vector_store %arg5[%swap3A_533, %swap3A_534], %broadcast_in_dim3A_3 {strides = array<i32>} : memref<40x512xf32, #tpu.memory_space<vmem>>, vector<16xf32>,
      %swap3A_536 = arith.index_cast %scan3A_359 : i32 to index
      %swap3A_537 = arith.constant 464 : index
      %swap3A_538 = tpu.vector_load %arg6[%swap3A_536, %swap3A_537] {strides = array<i32>} : memref<40x512xf32, #tpu.memory_space<vmem>>, vector<16xf32>,
      tpu.vector_store %arg6[%swap3A_536, %swap3A_537], %broadcast_in_dim3A_3 {strides = array<i32>} : memref<40x512xf32, #tpu.memory_space<vmem>>, vector<16xf32>,
      %swap3A_539 = arith.index_cast %scan3A_359 : i32 to index
      %swap3A_540 = arith.constant 480 : index
      %swap3A_541 = tpu.vector_load %arg5[%swap3A_539, %swap3A_540] {strides = array<i32>} : memref<40x512xf32, #tpu.memory_space<vmem>>, vector<16xf32>,
      tpu.vector_store %arg5[%swap3A_539, %swap3A_540], %broadcast_in_dim3A_3 {strides = array<i32>} : memref<40x512xf32, #tpu.memory_space<vmem>>, vector<16xf32>,
      %swap3A_542 = arith.index_cast %scan3A_359 : i32 to index
      %swap3A_543 = arith.constant 480 : index
      %swap3A_544 = tpu.vector_load %arg6[%swap3A_542, %swap3A_543] {strides = array<i32>} : memref<40x512xf32, #tpu.memory_space<vmem>>, vector<16xf32>,
      tpu.vector_store %arg6[%swap3A_542, %swap3A_543], %broadcast_in_dim3A_3 {strides = array<i32>} : memref<40x512xf32, #tpu.memory_space<vmem>>, vector<16xf32>,
      %swap3A_545 = arith.index_cast %scan3A_359 : i32 to index
      %swap3A_546 = arith.constant 496 : index
      %swap3A_547 = tpu.vector_load %arg5[%swap3A_545, %swap3A_546] {strides = array<i32>} : memref<40x512xf32, #tpu.memory_space<vmem>>, vector<16xf32>,
      tpu.vector_store %arg5[%swap3A_545, %swap3A_546], %broadcast_in_dim3A_3 {strides = array<i32>} : memref<40x512xf32, #tpu.memory_space<vmem>>, vector<16xf32>,
      %swap3A_548 = arith.index_cast %scan3A_359 : i32 to index
      %swap3A_549 = arith.constant 496 : index
      %swap3A_550 = tpu.vector_load %arg6[%swap3A_548, %swap3A_549] {strides = array<i32>} : memref<40x512xf32, #tpu.memory_space<vmem>>, vector<16xf32>,
      tpu.vector_store %arg6[%swap3A_548, %swap3A_549], %broadcast_in_dim3A_3 {strides = array<i32>} : memref<40x512xf32, #tpu.memory_space<vmem>>, vector<16xf32>,
    }
    %scan3A_10 = arith.constant 40 : i32
    %scan3A_11 = arith.constant 0 : i32
    %scan3A_12 = arith.constant 0 : i32
    %scan3A_13 = arith.constant 32 : i32
    %scan3A_14 = arith.addi %scan3A_12, %scan3A_13 : i32
    %scan3A_15 = arith.constant 1 : i32
    scf.for %scan3A_359 = %scan3A_12 to %scan3A_14 step %scan3A_15  : i32 {
      %mul3A_360 = arith.constant 16 : i32
      %mul3A_361 = arith.muli %scan3A_359, %mul3A_360 : i32
      %add3A_362 = vector.broadcast %mul3A_361 : i32 to vector<16xi32>
      %add3A_363 = arith.addi %iota3A, %add3A_362 : vector<16xi32>
      %mul3A_364 = arith.constant 16 : i32
      %mul3A_365 = arith.muli %scan3A_359, %mul3A_364 : i32
      %get3A = arith.index_cast %mul3A_365 : i32 to index
      %get3A_366 = tpu.vector_load %arg4[%get3A] {strides = array<i32>} : memref<512xi32, #tpu.memory_space<vmem>>, vector<16xi32>,
      %ge3A = arith.constant 0 : i32
      %ge3A_367 = vector.broadcast %ge3A : i32 to vector<16xi32>
      %ge3A_368 = arith.cmpi sge, %get3A_366, %ge3A_367 : vector<16xi32>
      %lt3A = arith.constant 40 : i32
      %lt3A_369 = vector.broadcast %lt3A : i32 to vector<16xi32>
      %lt3A_370 = arith.cmpi slt, %get3A_366, %lt3A_369 : vector<16xi32>
      %and3A = arith.andi %ge3A_368, %lt3A_370 : vector<16xi1>
      %sub3A = arith.constant 0 : i32
      %sub3A_371 = vector.broadcast %sub3A : i32 to vector<16xi32>
      %sub3A_372 = arith.subi %get3A_366, %sub3A_371 : vector<16xi32>
      tpu.vector_store_idx %arg5[%sub3A_372, %add3A_363], %broadcast_in_dim3A_5 masked %and3A : memref<40x512xf32, #tpu.memory_space<vmem>>[vector<16xi32>, vector<16xi32>], vector<16xf32>, vector<16xi1>
    }
    %scan3A_16 = arith.constant 32 : i32
    %dma_start3A = arith.constant 0 : i32
    %dma_start3A_17 = tpu.memref_slice %arg3[%dma_start3A, %mul3A_2] : memref<1000x16384xf32, #tpu.memory_space<hbm>> -> memref<40x512xf32, #tpu.memory_space<hbm>>
    %dma_start3A_18 = arith.constant 0 : i32
    %dma_start3A_19 = tpu.memref_slice %arg3[%dma_start3A_18, %mul3A_2] : memref<1000x16384xf32, #tpu.memory_space<hbm>> -> memref<40x512xf32, #tpu.memory_space<hbm>>
    tpu.enqueue_dma source(%arg5 : memref<40x512xf32, #tpu.memory_space<vmem>>) target(%dma_start3A_19 : memref<40x512xf32, #tpu.memory_space<hbm>>) target_semaphore(%arg7 : memref<!tpu.dma_semaphore, #tpu.memory_space<semaphore_mem>>)
    %scan3A_20 = arith.constant 0 : i32
    %scan3A_21 = arith.constant 0 : i32
    %scan3A_22 = arith.constant 32 : i32
    %scan3A_23 = arith.addi %scan3A_21, %scan3A_22 : i32
    %scan3A_24 = arith.constant 1 : i32
    scf.for %scan3A_359 = %scan3A_21 to %scan3A_23 step %scan3A_24  : i32 {
      %mul3A_360 = arith.constant 16 : i32
      %mul3A_361 = arith.muli %scan3A_359, %mul3A_360 : i32
      %add3A_362 = vector.broadcast %mul3A_361 : i32 to vector<16xi32>
      %add3A_363 = arith.addi %iota3A, %add3A_362 : vector<16xi32>
      %mul3A_364 = arith.constant 16 : i32
      %mul3A_365 = arith.muli %scan3A_359, %mul3A_364 : i32
      %get3A = arith.index_cast %mul3A_365 : i32 to index
      %get3A_366 = tpu.vector_load %arg4[%get3A] {strides = array<i32>} : memref<512xi32, #tpu.memory_space<vmem>>, vector<16xi32>,
      %ge3A = arith.constant 40 : i32
      %ge3A_367 = vector.broadcast %ge3A : i32 to vector<16xi32>
      %ge3A_368 = arith.cmpi sge, %get3A_366, %ge3A_367 : vector<16xi32>
      %lt3A = arith.constant 80 : i32
      %lt3A_369 = vector.broadcast %lt3A : i32 to vector<16xi32>
      %lt3A_370 = arith.cmpi slt, %get3A_366, %lt3A_369 : vector<16xi32>
      %and3A = arith.andi %ge3A_368, %lt3A_370 : vector<16xi1>
      %sub3A = arith.constant 40 : i32
      %sub3A_371 = vector.broadcast %sub3A : i32 to vector<16xi32>
      %sub3A_372 = arith.subi %get3A_366, %sub3A_371 : vector<16xi32>
      tpu.vector_store_idx %arg6[%sub3A_372, %add3A_363], %broadcast_in_dim3A_5 masked %and3A : memref<40x512xf32, #tpu.memory_space<vmem>>[vector<16xi32>, vector<16xi32>], vector<16xf32>, vector<16xi1>
    }
    %scan3A_25 = arith.constant 32 : i32
    %dma_start3A_26 = arith.constant 40 : i32
    %dma_start3A_27 = tpu.memref_slice %arg3[%dma_start3A_26, %mul3A_2] : memref<1000x16384xf32, #tpu.memory_space<hbm>> -> memref<40x512xf32, #tpu.memory_space<hbm>>
    %dma_start3A_28 = arith.constant 40 : i32
    %dma_start3A_29 = tpu.memref_slice %arg3[%dma_start3A_28, %mul3A_2] : memref<1000x16384xf32, #tpu.memory_space<hbm>> -> memref<40x512xf32, #tpu.memory_space<hbm>>
    tpu.enqueue_dma source(%arg6 : memref<40x512xf32, #tpu.memory_space<vmem>>) target(%dma_start3A_29 : memref<40x512xf32, #tpu.memory_space<hbm>>) target_semaphore(%arg8 : memref<!tpu.dma_semaphore, #tpu.memory_space<semaphore_mem>>)
    %dma_wait3A = arith.constant 0 : i32
    %dma_wait3A_30 = tpu.memref_slice %arg3[%dma_wait3A, %mul3A_2] : memref<1000x16384xf32, #tpu.memory_space<hbm>> -> memref<40x512xf32, #tpu.memory_space<hbm>>
    %dma_wait3A_31 = arith.constant 0 : i32
    %dma_wait3A_32 = tpu.memref_slice %arg3[%dma_wait3A_31, %mul3A_2] : memref<1000x16384xf32, #tpu.memory_space<hbm>> -> memref<40x512xf32, #tpu.memory_space<hbm>>
    tpu.wait_dma2 semaphore(%arg7 : memref<!tpu.dma_semaphore, #tpu.memory_space<semaphore_mem>>) src(%arg5 : memref<40x512xf32, #tpu.memory_space<vmem>>) dst(%dma_wait3A_32 : memref<40x512xf32, #tpu.memory_space<hbm>>)
    %scan3A_33 = arith.constant 0 : i32
    %scan3A_34 = arith.constant 0 : i32
    %scan3A_35 = arith.constant 32 : i32
    %scan3A_36 = arith.addi %scan3A_34, %scan3A_35 : i32
    %scan3A_37 = arith.constant 1 : i32
    scf.for %scan3A_359 = %scan3A_34 to %scan3A_36 step %scan3A_37  : i32 {
      %mul3A_360 = arith.constant 16 : i32
      %mul3A_361 = arith.muli %scan3A_359, %mul3A_360 : i32
      %add3A_362 = vector.broadcast %mul3A_361 : i32 to vector<16xi32>
      %add3A_363 = arith.addi %iota3A, %add3A_362 : vector<16xi32>
      %mul3A_364 = arith.constant 16 : i32
      %mul3A_365 = arith.muli %scan3A_359, %mul3A_364 : i32
      %get3A = arith.index_cast %mul3A_365 : i32 to index
      %get3A_366 = tpu.vector_load %arg4[%get3A] {strides = array<i32>} : memref<512xi32, #tpu.memory_space<vmem>>, vector<16xi32>,
      %ge3A = arith.constant 0 : i32
      %ge3A_367 = vector.broadcast %ge3A : i32 to vector<16xi32>
      %ge3A_368 = arith.cmpi sge, %get3A_366, %ge3A_367 : vector<16xi32>
      %lt3A = arith.constant 40 : i32
      %lt3A_369 = vector.broadcast %lt3A : i32 to vector<16xi32>
      %lt3A_370 = arith.cmpi slt, %get3A_366, %lt3A_369 : vector<16xi32>
      %and3A = arith.andi %ge3A_368, %lt3A_370 : vector<16xi1>
      %sub3A = arith.constant 0 : i32
      %sub3A_371 = vector.broadcast %sub3A : i32 to vector<16xi32>
      %sub3A_372 = arith.subi %get3A_366, %sub3A_371 : vector<16xi32>
      tpu.vector_store_idx %arg5[%sub3A_372, %add3A_363], %broadcast_in_dim3A_3 masked %and3A : memref<40x512xf32, #tpu.memory_space<vmem>>[vector<16xi32>, vector<16xi32>], vector<16xf32>, vector<16xi1>
      %ge3A_373 = arith.constant 80 : i32
      %ge3A_374 = vector.broadcast %ge3A_373 : i32 to vector<16xi32>
      %ge3A_375 = arith.cmpi sge, %get3A_366, %ge3A_374 : vector<16xi32>
      %lt3A_376 = arith.constant 120 : i32
      %lt3A_377 = vector.broadcast %lt3A_376 : i32 to vector<16xi32>
      %lt3A_378 = arith.cmpi slt, %get3A_366, %lt3A_377 : vector<16xi32>
      %and3A_379 = arith.andi %ge3A_375, %lt3A_378 : vector<16xi1>
      %sub3A_380 = arith.constant 80 : i32
      %sub3A_381 = vector.broadcast %sub3A_380 : i32 to vector<16xi32>
      %sub3A_382 = arith.subi %get3A_366, %sub3A_381 : vector<16xi32>
      tpu.vector_store_idx %arg5[%sub3A_382, %add3A_363], %broadcast_in_dim3A_5 masked %and3A_379 : memref<40x512xf32, #tpu.memory_space<vmem>>[vector<16xi32>, vector<16xi32>], vector<16xf32>, vector<16xi1>
    }
    %scan3A_38 = arith.constant 32 : i32
    %dma_start3A_39 = arith.constant 80 : i32
    %dma_start3A_40 = tpu.memref_slice %arg3[%dma_start3A_39, %mul3A_2] : memref<1000x16384xf32, #tpu.memory_space<hbm>> -> memref<40x512xf32, #tpu.memory_space<hbm>>
    %dma_start3A_41 = arith.constant 80 : i32
    %dma_start3A_42 = tpu.memref_slice %arg3[%dma_start3A_41, %mul3A_2] : memref<1000x16384xf32, #tpu.memory_space<hbm>> -> memref<40x512xf32, #tpu.memory_space<hbm>>
    tpu.enqueue_dma source(%arg5 : memref<40x512xf32, #tpu.memory_space<vmem>>) target(%dma_start3A_42 : memref<40x512xf32, #tpu.memory_space<hbm>>) target_semaphore(%arg7 : memref<!tpu.dma_semaphore, #tpu.memory_space<semaphore_mem>>)
    %dma_wait3A_43 = arith.constant 40 : i32
    %dma_wait3A_44 = tpu.memref_slice %arg3[%dma_wait3A_43, %mul3A_2] : memref<1000x16384xf32, #tpu.memory_space<hbm>> -> memref<40x512xf32, #tpu.memory_space<hbm>>
    %dma_wait3A_45 = arith.constant 40 : i32
    %dma_wait3A_46 = tpu.memref_slice %arg3[%dma_wait3A_45, %mul3A_2] : memref<1000x16384xf32, #tpu.memory_space<hbm>> -> memref<40x512xf32, #tpu.memory_space<hbm>>
    tpu.wait_dma2 semaphore(%arg8 : memref<!tpu.dma_semaphore, #tpu.memory_space<semaphore_mem>>) src(%arg6 : memref<40x512xf32, #tpu.memory_space<vmem>>) dst(%dma_wait3A_46 : memref<40x512xf32, #tpu.memory_space<hbm>>)
    %scan3A_47 = arith.constant 0 : i32
    %scan3A_48 = arith.constant 0 : i32
    %scan3A_49 = arith.constant 32 : i32
    %scan3A_50 = arith.addi %scan3A_48, %scan3A_49 : i32
    %scan3A_51 = arith.constant 1 : i32
    scf.for %scan3A_359 = %scan3A_48 to %scan3A_50 step %scan3A_51  : i32 {
      %mul3A_360 = arith.constant 16 : i32
      %mul3A_361 = arith.muli %scan3A_359, %mul3A_360 : i32
      %add3A_362 = vector.broadcast %mul3A_361 : i32 to vector<16xi32>
      %add3A_363 = arith.addi %iota3A, %add3A_362 : vector<16xi32>
      %mul3A_364 = arith.constant 16 : i32
      %mul3A_365 = arith.muli %scan3A_359, %mul3A_364 : i32
      %get3A = arith.index_cast %mul3A_365 : i32 to index
      %get3A_366 = tpu.vector_load %arg4[%get3A] {strides = array<i32>} : memref<512xi32, #tpu.memory_space<vmem>>, vector<16xi32>,
      %ge3A = arith.constant 40 : i32
      %ge3A_367 = vector.broadcast %ge3A : i32 to vector<16xi32>
      %ge3A_368 = arith.cmpi sge, %get3A_366, %ge3A_367 : vector<16xi32>
      %lt3A = arith.constant 80 : i32
      %lt3A_369 = vector.broadcast %lt3A : i32 to vector<16xi32>
      %lt3A_370 = arith.cmpi slt, %get3A_366, %lt3A_369 : vector<16xi32>
      %and3A = arith.andi %ge3A_368, %lt3A_370 : vector<16xi1>
      %sub3A = arith.constant 40 : i32
      %sub3A_371 = vector.broadcast %sub3A : i32 to vector<16xi32>
      %sub3A_372 = arith.subi %get3A_366, %sub3A_371 : vector<16xi32>
      tpu.vector_store_idx %arg6[%sub3A_372, %add3A_363], %broadcast_in_dim3A_3 masked %and3A : memref<40x512xf32, #tpu.memory_space<vmem>>[vector<16xi32>, vector<16xi32>], vector<16xf32>, vector<16xi1>
      %ge3A_373 = arith.constant 120 : i32
      %ge3A_374 = vector.broadcast %ge3A_373 : i32 to vector<16xi32>
      %ge3A_375 = arith.cmpi sge, %get3A_366, %ge3A_374 : vector<16xi32>
      %lt3A_376 = arith.constant 160 : i32
      %lt3A_377 = vector.broadcast %lt3A_376 : i32 to vector<16xi32>
      %lt3A_378 = arith.cmpi slt, %get3A_366, %lt3A_377 : vector<16xi32>
      %and3A_379 = arith.andi %ge3A_375, %lt3A_378 : vector<16xi1>
      %sub3A_380 = arith.constant 120 : i32
      %sub3A_381 = vector.broadcast %sub3A_380 : i32 to vector<16xi32>
      %sub3A_382 = arith.subi %get3A_366, %sub3A_381 : vector<16xi32>
      tpu.vector_store_idx %arg6[%sub3A_382, %add3A_363], %broadcast_in_dim3A_5 masked %and3A_379 : memref<40x512xf32, #tpu.memory_space<vmem>>[vector<16xi32>, vector<16xi32>], vector<16xf32>, vector<16xi1>
    }
    %scan3A_52 = arith.constant 32 : i32
    %dma_start3A_53 = arith.constant 120 : i32
    %dma_start3A_54 = tpu.memref_slice %arg3[%dma_start3A_53, %mul3A_2] : memref<1000x16384xf32, #tpu.memory_space<hbm>> -> memref<40x512xf32, #tpu.memory_space<hbm>>
    %dma_start3A_55 = arith.constant 120 : i32
    %dma_start3A_56 = tpu.memref_slice %arg3[%dma_start3A_55, %mul3A_2] : memref<1000x16384xf32, #tpu.memory_space<hbm>> -> memref<40x512xf32, #tpu.memory_space<hbm>>
    tpu.enqueue_dma source(%arg6 : memref<40x512xf32, #tpu.memory_space<vmem>>) target(%dma_start3A_56 : memref<40x512xf32, #tpu.memory_space<hbm>>) target_semaphore(%arg8 : memref<!tpu.dma_semaphore, #tpu.memory_space<semaphore_mem>>)
    %dma_wait3A_57 = arith.constant 80 : i32
    %dma_wait3A_58 = tpu.memref_slice %arg3[%dma_wait3A_57, %mul3A_2] : memref<1000x16384xf32, #tpu.memory_space<hbm>> -> memref<40x512xf32, #tpu.memory_space<hbm>>
    %dma_wait3A_59 = arith.constant 80 : i32
    %dma_wait3A_60 = tpu.memref_slice %arg3[%dma_wait3A_59, %mul3A_2] : memref<1000x16384xf32, #tpu.memory_space<hbm>> -> memref<40x512xf32, #tpu.memory_space<hbm>>
    tpu.wait_dma2 semaphore(%arg7 : memref<!tpu.dma_semaphore, #tpu.memory_space<semaphore_mem>>) src(%arg5 : memref<40x512xf32, #tpu.memory_space<vmem>>) dst(%dma_wait3A_60 : memref<40x512xf32, #tpu.memory_space<hbm>>)
    %scan3A_61 = arith.constant 0 : i32
    %scan3A_62 = arith.constant 0 : i32
    %scan3A_63 = arith.constant 32 : i32
    %scan3A_64 = arith.addi %scan3A_62, %scan3A_63 : i32
    %scan3A_65 = arith.constant 1 : i32
    scf.for %scan3A_359 = %scan3A_62 to %scan3A_64 step %scan3A_65  : i32 {
      %mul3A_360 = arith.constant 16 : i32
      %mul3A_361 = arith.muli %scan3A_359, %mul3A_360 : i32
      %add3A_362 = vector.broadcast %mul3A_361 : i32 to vector<16xi32>
      %add3A_363 = arith.addi %iota3A, %add3A_362 : vector<16xi32>
      %mul3A_364 = arith.constant 16 : i32
      %mul3A_365 = arith.muli %scan3A_359, %mul3A_364 : i32
      %get3A = arith.index_cast %mul3A_365 : i32 to index
      %get3A_366 = tpu.vector_load %arg4[%get3A] {strides = array<i32>} : memref<512xi32, #tpu.memory_space<vmem>>, vector<16xi32>,
      %ge3A = arith.constant 80 : i32
      %ge3A_367 = vector.broadcast %ge3A : i32 to vector<16xi32>
      %ge3A_368 = arith.cmpi sge, %get3A_366, %ge3A_367 : vector<16xi32>
      %lt3A = arith.constant 120 : i32
      %lt3A_369 = vector.broadcast %lt3A : i32 to vector<16xi32>
      %lt3A_370 = arith.cmpi slt, %get3A_366, %lt3A_369 : vector<16xi32>
      %and3A = arith.andi %ge3A_368, %lt3A_370 : vector<16xi1>
      %sub3A = arith.constant 80 : i32
      %sub3A_371 = vector.broadcast %sub3A : i32 to vector<16xi32>
      %sub3A_372 = arith.subi %get3A_366, %sub3A_371 : vector<16xi32>
      tpu.vector_store_idx %arg5[%sub3A_372, %add3A_363], %broadcast_in_dim3A_3 masked %and3A : memref<40x512xf32, #tpu.memory_space<vmem>>[vector<16xi32>, vector<16xi32>], vector<16xf32>, vector<16xi1>
      %ge3A_373 = arith.constant 160 : i32
      %ge3A_374 = vector.broadcast %ge3A_373 : i32 to vector<16xi32>
      %ge3A_375 = arith.cmpi sge, %get3A_366, %ge3A_374 : vector<16xi32>
      %lt3A_376 = arith.constant 200 : i32
      %lt3A_377 = vector.broadcast %lt3A_376 : i32 to vector<16xi32>
      %lt3A_378 = arith.cmpi slt, %get3A_366, %lt3A_377 : vector<16xi32>
      %and3A_379 = arith.andi %ge3A_375, %lt3A_378 : vector<16xi1>
      %sub3A_380 = arith.constant 160 : i32
      %sub3A_381 = vector.broadcast %sub3A_380 : i32 to vector<16xi32>
      %sub3A_382 = arith.subi %get3A_366, %sub3A_381 : vector<16xi32>
      tpu.vector_store_idx %arg5[%sub3A_382, %add3A_363], %broadcast_in_dim3A_5 masked %and3A_379 : memref<40x512xf32, #tpu.memory_space<vmem>>[vector<16xi32>, vector<16xi32>], vector<16xf32>, vector<16xi1>
    }
    %scan3A_66 = arith.constant 32 : i32
    %dma_start3A_67 = arith.constant 160 : i32
    %dma_start3A_68 = tpu.memref_slice %arg3[%dma_start3A_67, %mul3A_2] : memref<1000x16384xf32, #tpu.memory_space<hbm>> -> memref<40x512xf32, #tpu.memory_space<hbm>>
    %dma_start3A_69 = arith.constant 160 : i32
    %dma_start3A_70 = tpu.memref_slice %arg3[%dma_start3A_69, %mul3A_2] : memref<1000x16384xf32, #tpu.memory_space<hbm>> -> memref<40x512xf32, #tpu.memory_space<hbm>>
    tpu.enqueue_dma source(%arg5 : memref<40x512xf32, #tpu.memory_space<vmem>>) target(%dma_start3A_70 : memref<40x512xf32, #tpu.memory_space<hbm>>) target_semaphore(%arg7 : memref<!tpu.dma_semaphore, #tpu.memory_space<semaphore_mem>>)
    %dma_wait3A_71 = arith.constant 120 : i32
    %dma_wait3A_72 = tpu.memref_slice %arg3[%dma_wait3A_71, %mul3A_2] : memref<1000x16384xf32, #tpu.memory_space<hbm>> -> memref<40x512xf32, #tpu.memory_space<hbm>>
    %dma_wait3A_73 = arith.constant 120 : i32
    %dma_wait3A_74 = tpu.memref_slice %arg3[%dma_wait3A_73, %mul3A_2] : memref<1000x16384xf32, #tpu.memory_space<hbm>> -> memref<40x512xf32, #tpu.memory_space<hbm>>
    tpu.wait_dma2 semaphore(%arg8 : memref<!tpu.dma_semaphore, #tpu.memory_space<semaphore_mem>>) src(%arg6 : memref<40x512xf32, #tpu.memory_space<vmem>>) dst(%dma_wait3A_74 : memref<40x512xf32, #tpu.memory_space<hbm>>)
    %scan3A_75 = arith.constant 0 : i32
    %scan3A_76 = arith.constant 0 : i32
    %scan3A_77 = arith.constant 32 : i32
    %scan3A_78 = arith.addi %scan3A_76, %scan3A_77 : i32
    %scan3A_79 = arith.constant 1 : i32
    scf.for %scan3A_359 = %scan3A_76 to %scan3A_78 step %scan3A_79  : i32 {
      %mul3A_360 = arith.constant 16 : i32
      %mul3A_361 = arith.muli %scan3A_359, %mul3A_360 : i32
      %add3A_362 = vector.broadcast %mul3A_361 : i32 to vector<16xi32>
      %add3A_363 = arith.addi %iota3A, %add3A_362 : vector<16xi32>
      %mul3A_364 = arith.constant 16 : i32
      %mul3A_365 = arith.muli %scan3A_359, %mul3A_364 : i32
      %get3A = arith.index_cast %mul3A_365 : i32 to index
      %get3A_366 = tpu.vector_load %arg4[%get3A] {strides = array<i32>} : memref<512xi32, #tpu.memory_space<vmem>>, vector<16xi32>,
      %ge3A = arith.constant 120 : i32
      %ge3A_367 = vector.broadcast %ge3A : i32 to vector<16xi32>
      %ge3A_368 = arith.cmpi sge, %get3A_366, %ge3A_367 : vector<16xi32>
      %lt3A = arith.constant 160 : i32
      %lt3A_369 = vector.broadcast %lt3A : i32 to vector<16xi32>
      %lt3A_370 = arith.cmpi slt, %get3A_366, %lt3A_369 : vector<16xi32>
      %and3A = arith.andi %ge3A_368, %lt3A_370 : vector<16xi1>
      %sub3A = arith.constant 120 : i32
      %sub3A_371 = vector.broadcast %sub3A : i32 to vector<16xi32>
      %sub3A_372 = arith.subi %get3A_366, %sub3A_371 : vector<16xi32>
      tpu.vector_store_idx %arg6[%sub3A_372, %add3A_363], %broadcast_in_dim3A_3 masked %and3A : memref<40x512xf32, #tpu.memory_space<vmem>>[vector<16xi32>, vector<16xi32>], vector<16xf32>, vector<16xi1>
      %ge3A_373 = arith.constant 200 : i32
      %ge3A_374 = vector.broadcast %ge3A_373 : i32 to vector<16xi32>
      %ge3A_375 = arith.cmpi sge, %get3A_366, %ge3A_374 : vector<16xi32>
      %lt3A_376 = arith.constant 240 : i32
      %lt3A_377 = vector.broadcast %lt3A_376 : i32 to vector<16xi32>
      %lt3A_378 = arith.cmpi slt, %get3A_366, %lt3A_377 : vector<16xi32>
      %and3A_379 = arith.andi %ge3A_375, %lt3A_378 : vector<16xi1>
      %sub3A_380 = arith.constant 200 : i32
      %sub3A_381 = vector.broadcast %sub3A_380 : i32 to vector<16xi32>
      %sub3A_382 = arith.subi %get3A_366, %sub3A_381 : vector<16xi32>
      tpu.vector_store_idx %arg6[%sub3A_382, %add3A_363], %broadcast_in_dim3A_5 masked %and3A_379 : memref<40x512xf32, #tpu.memory_space<vmem>>[vector<16xi32>, vector<16xi32>], vector<16xf32>, vector<16xi1>
    }
    %scan3A_80 = arith.constant 32 : i32
    %dma_start3A_81 = arith.constant 200 : i32
    %dma_start3A_82 = tpu.memref_slice %arg3[%dma_start3A_81, %mul3A_2] : memref<1000x16384xf32, #tpu.memory_space<hbm>> -> memref<40x512xf32, #tpu.memory_space<hbm>>
    %dma_start3A_83 = arith.constant 200 : i32
    %dma_start3A_84 = tpu.memref_slice %arg3[%dma_start3A_83, %mul3A_2] : memref<1000x16384xf32, #tpu.memory_space<hbm>> -> memref<40x512xf32, #tpu.memory_space<hbm>>
    tpu.enqueue_dma source(%arg6 : memref<40x512xf32, #tpu.memory_space<vmem>>) target(%dma_start3A_84 : memref<40x512xf32, #tpu.memory_space<hbm>>) target_semaphore(%arg8 : memref<!tpu.dma_semaphore, #tpu.memory_space<semaphore_mem>>)
    %dma_wait3A_85 = arith.constant 160 : i32
    %dma_wait3A_86 = tpu.memref_slice %arg3[%dma_wait3A_85, %mul3A_2] : memref<1000x16384xf32, #tpu.memory_space<hbm>> -> memref<40x512xf32, #tpu.memory_space<hbm>>
    %dma_wait3A_87 = arith.constant 160 : i32
    %dma_wait3A_88 = tpu.memref_slice %arg3[%dma_wait3A_87, %mul3A_2] : memref<1000x16384xf32, #tpu.memory_space<hbm>> -> memref<40x512xf32, #tpu.memory_space<hbm>>
    tpu.wait_dma2 semaphore(%arg7 : memref<!tpu.dma_semaphore, #tpu.memory_space<semaphore_mem>>) src(%arg5 : memref<40x512xf32, #tpu.memory_space<vmem>>) dst(%dma_wait3A_88 : memref<40x512xf32, #tpu.memory_space<hbm>>)
    %scan3A_89 = arith.constant 0 : i32
    %scan3A_90 = arith.constant 0 : i32
    %scan3A_91 = arith.constant 32 : i32
    %scan3A_92 = arith.addi %scan3A_90, %scan3A_91 : i32
    %scan3A_93 = arith.constant 1 : i32
    scf.for %scan3A_359 = %scan3A_90 to %scan3A_92 step %scan3A_93  : i32 {
      %mul3A_360 = arith.constant 16 : i32
      %mul3A_361 = arith.muli %scan3A_359, %mul3A_360 : i32
      %add3A_362 = vector.broadcast %mul3A_361 : i32 to vector<16xi32>
      %add3A_363 = arith.addi %iota3A, %add3A_362 : vector<16xi32>
      %mul3A_364 = arith.constant 16 : i32
      %mul3A_365 = arith.muli %scan3A_359, %mul3A_364 : i32
      %get3A = arith.index_cast %mul3A_365 : i32 to index
      %get3A_366 = tpu.vector_load %arg4[%get3A] {strides = array<i32>} : memref<512xi32, #tpu.memory_space<vmem>>, vector<16xi32>,
      %ge3A = arith.constant 160 : i32
      %ge3A_367 = vector.broadcast %ge3A : i32 to vector<16xi32>
      %ge3A_368 = arith.cmpi sge, %get3A_366, %ge3A_367 : vector<16xi32>
      %lt3A = arith.constant 200 : i32
      %lt3A_369 = vector.broadcast %lt3A : i32 to vector<16xi32>
      %lt3A_370 = arith.cmpi slt, %get3A_366, %lt3A_369 : vector<16xi32>
      %and3A = arith.andi %ge3A_368, %lt3A_370 : vector<16xi1>
      %sub3A = arith.constant 160 : i32
      %sub3A_371 = vector.broadcast %sub3A : i32 to vector<16xi32>
      %sub3A_372 = arith.subi %get3A_366, %sub3A_371 : vector<16xi32>
      tpu.vector_store_idx %arg5[%sub3A_372, %add3A_363], %broadcast_in_dim3A_3 masked %and3A : memref<40x512xf32, #tpu.memory_space<vmem>>[vector<16xi32>, vector<16xi32>], vector<16xf32>, vector<16xi1>
      %ge3A_373 = arith.constant 240 : i32
      %ge3A_374 = vector.broadcast %ge3A_373 : i32 to vector<16xi32>
      %ge3A_375 = arith.cmpi sge, %get3A_366, %ge3A_374 : vector<16xi32>
      %lt3A_376 = arith.constant 280 : i32
      %lt3A_377 = vector.broadcast %lt3A_376 : i32 to vector<16xi32>
      %lt3A_378 = arith.cmpi slt, %get3A_366, %lt3A_377 : vector<16xi32>
      %and3A_379 = arith.andi %ge3A_375, %lt3A_378 : vector<16xi1>
      %sub3A_380 = arith.constant 240 : i32
      %sub3A_381 = vector.broadcast %sub3A_380 : i32 to vector<16xi32>
      %sub3A_382 = arith.subi %get3A_366, %sub3A_381 : vector<16xi32>
      tpu.vector_store_idx %arg5[%sub3A_382, %add3A_363], %broadcast_in_dim3A_5 masked %and3A_379 : memref<40x512xf32, #tpu.memory_space<vmem>>[vector<16xi32>, vector<16xi32>], vector<16xf32>, vector<16xi1>
    }
    %scan3A_94 = arith.constant 32 : i32
    %dma_start3A_95 = arith.constant 240 : i32
    %dma_start3A_96 = tpu.memref_slice %arg3[%dma_start3A_95, %mul3A_2] : memref<1000x16384xf32, #tpu.memory_space<hbm>> -> memref<40x512xf32, #tpu.memory_space<hbm>>
    %dma_start3A_97 = arith.constant 240 : i32
    %dma_start3A_98 = tpu.memref_slice %arg3[%dma_start3A_97, %mul3A_2] : memref<1000x16384xf32, #tpu.memory_space<hbm>> -> memref<40x512xf32, #tpu.memory_space<hbm>>
    tpu.enqueue_dma source(%arg5 : memref<40x512xf32, #tpu.memory_space<vmem>>) target(%dma_start3A_98 : memref<40x512xf32, #tpu.memory_space<hbm>>) target_semaphore(%arg7 : memref<!tpu.dma_semaphore, #tpu.memory_space<semaphore_mem>>)
    %dma_wait3A_99 = arith.constant 200 : i32
    %dma_wait3A_100 = tpu.memref_slice %arg3[%dma_wait3A_99, %mul3A_2] : memref<1000x16384xf32, #tpu.memory_space<hbm>> -> memref<40x512xf32, #tpu.memory_space<hbm>>
    %dma_wait3A_101 = arith.constant 200 : i32
    %dma_wait3A_102 = tpu.memref_slice %arg3[%dma_wait3A_101, %mul3A_2] : memref<1000x16384xf32, #tpu.memory_space<hbm>> -> memref<40x512xf32, #tpu.memory_space<hbm>>
    tpu.wait_dma2 semaphore(%arg8 : memref<!tpu.dma_semaphore, #tpu.memory_space<semaphore_mem>>) src(%arg6 : memref<40x512xf32, #tpu.memory_space<vmem>>) dst(%dma_wait3A_102 : memref<40x512xf32, #tpu.memory_space<hbm>>)
    %scan3A_103 = arith.constant 0 : i32
    %scan3A_104 = arith.constant 0 : i32
    %scan3A_105 = arith.constant 32 : i32
    %scan3A_106 = arith.addi %scan3A_104, %scan3A_105 : i32
    %scan3A_107 = arith.constant 1 : i32
    scf.for %scan3A_359 = %scan3A_104 to %scan3A_106 step %scan3A_107  : i32 {
      %mul3A_360 = arith.constant 16 : i32
      %mul3A_361 = arith.muli %scan3A_359, %mul3A_360 : i32
      %add3A_362 = vector.broadcast %mul3A_361 : i32 to vector<16xi32>
      %add3A_363 = arith.addi %iota3A, %add3A_362 : vector<16xi32>
      %mul3A_364 = arith.constant 16 : i32
      %mul3A_365 = arith.muli %scan3A_359, %mul3A_364 : i32
      %get3A = arith.index_cast %mul3A_365 : i32 to index
      %get3A_366 = tpu.vector_load %arg4[%get3A] {strides = array<i32>} : memref<512xi32, #tpu.memory_space<vmem>>, vector<16xi32>,
      %ge3A = arith.constant 200 : i32
      %ge3A_367 = vector.broadcast %ge3A : i32 to vector<16xi32>
      %ge3A_368 = arith.cmpi sge, %get3A_366, %ge3A_367 : vector<16xi32>
      %lt3A = arith.constant 240 : i32
      %lt3A_369 = vector.broadcast %lt3A : i32 to vector<16xi32>
      %lt3A_370 = arith.cmpi slt, %get3A_366, %lt3A_369 : vector<16xi32>
      %and3A = arith.andi %ge3A_368, %lt3A_370 : vector<16xi1>
      %sub3A = arith.constant 200 : i32
      %sub3A_371 = vector.broadcast %sub3A : i32 to vector<16xi32>
      %sub3A_372 = arith.subi %get3A_366, %sub3A_371 : vector<16xi32>
      tpu.vector_store_idx %arg6[%sub3A_372, %add3A_363], %broadcast_in_dim3A_3 masked %and3A : memref<40x512xf32, #tpu.memory_space<vmem>>[vector<16xi32>, vector<16xi32>], vector<16xf32>, vector<16xi1>
      %ge3A_373 = arith.constant 280 : i32
      %ge3A_374 = vector.broadcast %ge3A_373 : i32 to vector<16xi32>
      %ge3A_375 = arith.cmpi sge, %get3A_366, %ge3A_374 : vector<16xi32>
      %lt3A_376 = arith.constant 320 : i32
      %lt3A_377 = vector.broadcast %lt3A_376 : i32 to vector<16xi32>
      %lt3A_378 = arith.cmpi slt, %get3A_366, %lt3A_377 : vector<16xi32>
      %and3A_379 = arith.andi %ge3A_375, %lt3A_378 : vector<16xi1>
      %sub3A_380 = arith.constant 280 : i32
      %sub3A_381 = vector.broadcast %sub3A_380 : i32 to vector<16xi32>
      %sub3A_382 = arith.subi %get3A_366, %sub3A_381 : vector<16xi32>
      tpu.vector_store_idx %arg6[%sub3A_382, %add3A_363], %broadcast_in_dim3A_5 masked %and3A_379 : memref<40x512xf32, #tpu.memory_space<vmem>>[vector<16xi32>, vector<16xi32>], vector<16xf32>, vector<16xi1>
    }
    %scan3A_108 = arith.constant 32 : i32
    %dma_start3A_109 = arith.constant 280 : i32
    %dma_start3A_110 = tpu.memref_slice %arg3[%dma_start3A_109, %mul3A_2] : memref<1000x16384xf32, #tpu.memory_space<hbm>> -> memref<40x512xf32, #tpu.memory_space<hbm>>
    %dma_start3A_111 = arith.constant 280 : i32
    %dma_start3A_112 = tpu.memref_slice %arg3[%dma_start3A_111, %mul3A_2] : memref<1000x16384xf32, #tpu.memory_space<hbm>> -> memref<40x512xf32, #tpu.memory_space<hbm>>
    tpu.enqueue_dma source(%arg6 : memref<40x512xf32, #tpu.memory_space<vmem>>) target(%dma_start3A_112 : memref<40x512xf32, #tpu.memory_space<hbm>>) target_semaphore(%arg8 : memref<!tpu.dma_semaphore, #tpu.memory_space<semaphore_mem>>)
    %dma_wait3A_113 = arith.constant 240 : i32
    %dma_wait3A_114 = tpu.memref_slice %arg3[%dma_wait3A_113, %mul3A_2] : memref<1000x16384xf32, #tpu.memory_space<hbm>> -> memref<40x512xf32, #tpu.memory_space<hbm>>
    %dma_wait3A_115 = arith.constant 240 : i32
    %dma_wait3A_116 = tpu.memref_slice %arg3[%dma_wait3A_115, %mul3A_2] : memref<1000x16384xf32, #tpu.memory_space<hbm>> -> memref<40x512xf32, #tpu.memory_space<hbm>>
    tpu.wait_dma2 semaphore(%arg7 : memref<!tpu.dma_semaphore, #tpu.memory_space<semaphore_mem>>) src(%arg5 : memref<40x512xf32, #tpu.memory_space<vmem>>) dst(%dma_wait3A_116 : memref<40x512xf32, #tpu.memory_space<hbm>>)
    %scan3A_117 = arith.constant 0 : i32
    %scan3A_118 = arith.constant 0 : i32
    %scan3A_119 = arith.constant 32 : i32
    %scan3A_120 = arith.addi %scan3A_118, %scan3A_119 : i32
    %scan3A_121 = arith.constant 1 : i32
    scf.for %scan3A_359 = %scan3A_118 to %scan3A_120 step %scan3A_121  : i32 {
      %mul3A_360 = arith.constant 16 : i32
      %mul3A_361 = arith.muli %scan3A_359, %mul3A_360 : i32
      %add3A_362 = vector.broadcast %mul3A_361 : i32 to vector<16xi32>
      %add3A_363 = arith.addi %iota3A, %add3A_362 : vector<16xi32>
      %mul3A_364 = arith.constant 16 : i32
      %mul3A_365 = arith.muli %scan3A_359, %mul3A_364 : i32
      %get3A = arith.index_cast %mul3A_365 : i32 to index
      %get3A_366 = tpu.vector_load %arg4[%get3A] {strides = array<i32>} : memref<512xi32, #tpu.memory_space<vmem>>, vector<16xi32>,
      %ge3A = arith.constant 240 : i32
      %ge3A_367 = vector.broadcast %ge3A : i32 to vector<16xi32>
      %ge3A_368 = arith.cmpi sge, %get3A_366, %ge3A_367 : vector<16xi32>
      %lt3A = arith.constant 280 : i32
      %lt3A_369 = vector.broadcast %lt3A : i32 to vector<16xi32>
      %lt3A_370 = arith.cmpi slt, %get3A_366, %lt3A_369 : vector<16xi32>
      %and3A = arith.andi %ge3A_368, %lt3A_370 : vector<16xi1>
      %sub3A = arith.constant 240 : i32
      %sub3A_371 = vector.broadcast %sub3A : i32 to vector<16xi32>
      %sub3A_372 = arith.subi %get3A_366, %sub3A_371 : vector<16xi32>
      tpu.vector_store_idx %arg5[%sub3A_372, %add3A_363], %broadcast_in_dim3A_3 masked %and3A : memref<40x512xf32, #tpu.memory_space<vmem>>[vector<16xi32>, vector<16xi32>], vector<16xf32>, vector<16xi1>
      %ge3A_373 = arith.constant 320 : i32
      %ge3A_374 = vector.broadcast %ge3A_373 : i32 to vector<16xi32>
      %ge3A_375 = arith.cmpi sge, %get3A_366, %ge3A_374 : vector<16xi32>
      %lt3A_376 = arith.constant 360 : i32
      %lt3A_377 = vector.broadcast %lt3A_376 : i32 to vector<16xi32>
      %lt3A_378 = arith.cmpi slt, %get3A_366, %lt3A_377 : vector<16xi32>
      %and3A_379 = arith.andi %ge3A_375, %lt3A_378 : vector<16xi1>
      %sub3A_380 = arith.constant 320 : i32
      %sub3A_381 = vector.broadcast %sub3A_380 : i32 to vector<16xi32>
      %sub3A_382 = arith.subi %get3A_366, %sub3A_381 : vector<16xi32>
      tpu.vector_store_idx %arg5[%sub3A_382, %add3A_363], %broadcast_in_dim3A_5 masked %and3A_379 : memref<40x512xf32, #tpu.memory_space<vmem>>[vector<16xi32>, vector<16xi32>], vector<16xf32>, vector<16xi1>
    }
    %scan3A_122 = arith.constant 32 : i32
    %dma_start3A_123 = arith.constant 320 : i32
    %dma_start3A_124 = tpu.memref_slice %arg3[%dma_start3A_123, %mul3A_2] : memref<1000x16384xf32, #tpu.memory_space<hbm>> -> memref<40x512xf32, #tpu.memory_space<hbm>>
    %dma_start3A_125 = arith.constant 320 : i32
    %dma_start3A_126 = tpu.memref_slice %arg3[%dma_start3A_125, %mul3A_2] : memref<1000x16384xf32, #tpu.memory_space<hbm>> -> memref<40x512xf32, #tpu.memory_space<hbm>>
    tpu.enqueue_dma source(%arg5 : memref<40x512xf32, #tpu.memory_space<vmem>>) target(%dma_start3A_126 : memref<40x512xf32, #tpu.memory_space<hbm>>) target_semaphore(%arg7 : memref<!tpu.dma_semaphore, #tpu.memory_space<semaphore_mem>>)
    %dma_wait3A_127 = arith.constant 280 : i32
    %dma_wait3A_128 = tpu.memref_slice %arg3[%dma_wait3A_127, %mul3A_2] : memref<1000x16384xf32, #tpu.memory_space<hbm>> -> memref<40x512xf32, #tpu.memory_space<hbm>>
    %dma_wait3A_129 = arith.constant 280 : i32
    %dma_wait3A_130 = tpu.memref_slice %arg3[%dma_wait3A_129, %mul3A_2] : memref<1000x16384xf32, #tpu.memory_space<hbm>> -> memref<40x512xf32, #tpu.memory_space<hbm>>
    tpu.wait_dma2 semaphore(%arg8 : memref<!tpu.dma_semaphore, #tpu.memory_space<semaphore_mem>>) src(%arg6 : memref<40x512xf32, #tpu.memory_space<vmem>>) dst(%dma_wait3A_130 : memref<40x512xf32, #tpu.memory_space<hbm>>)
    %scan3A_131 = arith.constant 0 : i32
    %scan3A_132 = arith.constant 0 : i32
    %scan3A_133 = arith.constant 32 : i32
    %scan3A_134 = arith.addi %scan3A_132, %scan3A_133 : i32
    %scan3A_135 = arith.constant 1 : i32
    scf.for %scan3A_359 = %scan3A_132 to %scan3A_134 step %scan3A_135  : i32 {
      %mul3A_360 = arith.constant 16 : i32
      %mul3A_361 = arith.muli %scan3A_359, %mul3A_360 : i32
      %add3A_362 = vector.broadcast %mul3A_361 : i32 to vector<16xi32>
      %add3A_363 = arith.addi %iota3A, %add3A_362 : vector<16xi32>
      %mul3A_364 = arith.constant 16 : i32
      %mul3A_365 = arith.muli %scan3A_359, %mul3A_364 : i32
      %get3A = arith.index_cast %mul3A_365 : i32 to index
      %get3A_366 = tpu.vector_load %arg4[%get3A] {strides = array<i32>} : memref<512xi32, #tpu.memory_space<vmem>>, vector<16xi32>,
      %ge3A = arith.constant 280 : i32
      %ge3A_367 = vector.broadcast %ge3A : i32 to vector<16xi32>
      %ge3A_368 = arith.cmpi sge, %get3A_366, %ge3A_367 : vector<16xi32>
      %lt3A = arith.constant 320 : i32
      %lt3A_369 = vector.broadcast %lt3A : i32 to vector<16xi32>
      %lt3A_370 = arith.cmpi slt, %get3A_366, %lt3A_369 : vector<16xi32>
      %and3A = arith.andi %ge3A_368, %lt3A_370 : vector<16xi1>
      %sub3A = arith.constant 280 : i32
      %sub3A_371 = vector.broadcast %sub3A : i32 to vector<16xi32>
      %sub3A_372 = arith.subi %get3A_366, %sub3A_371 : vector<16xi32>
      tpu.vector_store_idx %arg6[%sub3A_372, %add3A_363], %broadcast_in_dim3A_3 masked %and3A : memref<40x512xf32, #tpu.memory_space<vmem>>[vector<16xi32>, vector<16xi32>], vector<16xf32>, vector<16xi1>
      %ge3A_373 = arith.constant 360 : i32
      %ge3A_374 = vector.broadcast %ge3A_373 : i32 to vector<16xi32>
      %ge3A_375 = arith.cmpi sge, %get3A_366, %ge3A_374 : vector<16xi32>
      %lt3A_376 = arith.constant 400 : i32
      %lt3A_377 = vector.broadcast %lt3A_376 : i32 to vector<16xi32>
      %lt3A_378 = arith.cmpi slt, %get3A_366, %lt3A_377 : vector<16xi32>
      %and3A_379 = arith.andi %ge3A_375, %lt3A_378 : vector<16xi1>
      %sub3A_380 = arith.constant 360 : i32
      %sub3A_381 = vector.broadcast %sub3A_380 : i32 to vector<16xi32>
      %sub3A_382 = arith.subi %get3A_366, %sub3A_381 : vector<16xi32>
      tpu.vector_store_idx %arg6[%sub3A_382, %add3A_363], %broadcast_in_dim3A_5 masked %and3A_379 : memref<40x512xf32, #tpu.memory_space<vmem>>[vector<16xi32>, vector<16xi32>], vector<16xf32>, vector<16xi1>
    }
    %scan3A_136 = arith.constant 32 : i32
    %dma_start3A_137 = arith.constant 360 : i32
    %dma_start3A_138 = tpu.memref_slice %arg3[%dma_start3A_137, %mul3A_2] : memref<1000x16384xf32, #tpu.memory_space<hbm>> -> memref<40x512xf32, #tpu.memory_space<hbm>>
    %dma_start3A_139 = arith.constant 360 : i32
    %dma_start3A_140 = tpu.memref_slice %arg3[%dma_start3A_139, %mul3A_2] : memref<1000x16384xf32, #tpu.memory_space<hbm>> -> memref<40x512xf32, #tpu.memory_space<hbm>>
    tpu.enqueue_dma source(%arg6 : memref<40x512xf32, #tpu.memory_space<vmem>>) target(%dma_start3A_140 : memref<40x512xf32, #tpu.memory_space<hbm>>) target_semaphore(%arg8 : memref<!tpu.dma_semaphore, #tpu.memory_space<semaphore_mem>>)
    %dma_wait3A_141 = arith.constant 320 : i32
    %dma_wait3A_142 = tpu.memref_slice %arg3[%dma_wait3A_141, %mul3A_2] : memref<1000x16384xf32, #tpu.memory_space<hbm>> -> memref<40x512xf32, #tpu.memory_space<hbm>>
    %dma_wait3A_143 = arith.constant 320 : i32
    %dma_wait3A_144 = tpu.memref_slice %arg3[%dma_wait3A_143, %mul3A_2] : memref<1000x16384xf32, #tpu.memory_space<hbm>> -> memref<40x512xf32, #tpu.memory_space<hbm>>
    tpu.wait_dma2 semaphore(%arg7 : memref<!tpu.dma_semaphore, #tpu.memory_space<semaphore_mem>>) src(%arg5 : memref<40x512xf32, #tpu.memory_space<vmem>>) dst(%dma_wait3A_144 : memref<40x512xf32, #tpu.memory_space<hbm>>)
    %scan3A_145 = arith.constant 0 : i32
    %scan3A_146 = arith.constant 0 : i32
    %scan3A_147 = arith.constant 32 : i32
    %scan3A_148 = arith.addi %scan3A_146, %scan3A_147 : i32
    %scan3A_149 = arith.constant 1 : i32
    scf.for %scan3A_359 = %scan3A_146 to %scan3A_148 step %scan3A_149  : i32 {
      %mul3A_360 = arith.constant 16 : i32
      %mul3A_361 = arith.muli %scan3A_359, %mul3A_360 : i32
      %add3A_362 = vector.broadcast %mul3A_361 : i32 to vector<16xi32>
      %add3A_363 = arith.addi %iota3A, %add3A_362 : vector<16xi32>
      %mul3A_364 = arith.constant 16 : i32
      %mul3A_365 = arith.muli %scan3A_359, %mul3A_364 : i32
      %get3A = arith.index_cast %mul3A_365 : i32 to index
      %get3A_366 = tpu.vector_load %arg4[%get3A] {strides = array<i32>} : memref<512xi32, #tpu.memory_space<vmem>>, vector<16xi32>,
      %ge3A = arith.constant 320 : i32
      %ge3A_367 = vector.broadcast %ge3A : i32 to vector<16xi32>
      %ge3A_368 = arith.cmpi sge, %get3A_366, %ge3A_367 : vector<16xi32>
      %lt3A = arith.constant 360 : i32
      %lt3A_369 = vector.broadcast %lt3A : i32 to vector<16xi32>
      %lt3A_370 = arith.cmpi slt, %get3A_366, %lt3A_369 : vector<16xi32>
      %and3A = arith.andi %ge3A_368, %lt3A_370 : vector<16xi1>
      %sub3A = arith.constant 320 : i32
      %sub3A_371 = vector.broadcast %sub3A : i32 to vector<16xi32>
      %sub3A_372 = arith.subi %get3A_366, %sub3A_371 : vector<16xi32>
      tpu.vector_store_idx %arg5[%sub3A_372, %add3A_363], %broadcast_in_dim3A_3 masked %and3A : memref<40x512xf32, #tpu.memory_space<vmem>>[vector<16xi32>, vector<16xi32>], vector<16xf32>, vector<16xi1>
      %ge3A_373 = arith.constant 400 : i32
      %ge3A_374 = vector.broadcast %ge3A_373 : i32 to vector<16xi32>
      %ge3A_375 = arith.cmpi sge, %get3A_366, %ge3A_374 : vector<16xi32>
      %lt3A_376 = arith.constant 440 : i32
      %lt3A_377 = vector.broadcast %lt3A_376 : i32 to vector<16xi32>
      %lt3A_378 = arith.cmpi slt, %get3A_366, %lt3A_377 : vector<16xi32>
      %and3A_379 = arith.andi %ge3A_375, %lt3A_378 : vector<16xi1>
      %sub3A_380 = arith.constant 400 : i32
      %sub3A_381 = vector.broadcast %sub3A_380 : i32 to vector<16xi32>
      %sub3A_382 = arith.subi %get3A_366, %sub3A_381 : vector<16xi32>
      tpu.vector_store_idx %arg5[%sub3A_382, %add3A_363], %broadcast_in_dim3A_5 masked %and3A_379 : memref<40x512xf32, #tpu.memory_space<vmem>>[vector<16xi32>, vector<16xi32>], vector<16xf32>, vector<16xi1>
    }
    %scan3A_150 = arith.constant 32 : i32
    %dma_start3A_151 = arith.constant 400 : i32
    %dma_start3A_152 = tpu.memref_slice %arg3[%dma_start3A_151, %mul3A_2] : memref<1000x16384xf32, #tpu.memory_space<hbm>> -> memref<40x512xf32, #tpu.memory_space<hbm>>
    %dma_start3A_153 = arith.constant 400 : i32
    %dma_start3A_154 = tpu.memref_slice %arg3[%dma_start3A_153, %mul3A_2] : memref<1000x16384xf32, #tpu.memory_space<hbm>> -> memref<40x512xf32, #tpu.memory_space<hbm>>
    tpu.enqueue_dma source(%arg5 : memref<40x512xf32, #tpu.memory_space<vmem>>) target(%dma_start3A_154 : memref<40x512xf32, #tpu.memory_space<hbm>>) target_semaphore(%arg7 : memref<!tpu.dma_semaphore, #tpu.memory_space<semaphore_mem>>)
    %dma_wait3A_155 = arith.constant 360 : i32
    %dma_wait3A_156 = tpu.memref_slice %arg3[%dma_wait3A_155, %mul3A_2] : memref<1000x16384xf32, #tpu.memory_space<hbm>> -> memref<40x512xf32, #tpu.memory_space<hbm>>
    %dma_wait3A_157 = arith.constant 360 : i32
    %dma_wait3A_158 = tpu.memref_slice %arg3[%dma_wait3A_157, %mul3A_2] : memref<1000x16384xf32, #tpu.memory_space<hbm>> -> memref<40x512xf32, #tpu.memory_space<hbm>>
    tpu.wait_dma2 semaphore(%arg8 : memref<!tpu.dma_semaphore, #tpu.memory_space<semaphore_mem>>) src(%arg6 : memref<40x512xf32, #tpu.memory_space<vmem>>) dst(%dma_wait3A_158 : memref<40x512xf32, #tpu.memory_space<hbm>>)
    %scan3A_159 = arith.constant 0 : i32
    %scan3A_160 = arith.constant 0 : i32
    %scan3A_161 = arith.constant 32 : i32
    %scan3A_162 = arith.addi %scan3A_160, %scan3A_161 : i32
    %scan3A_163 = arith.constant 1 : i32
    scf.for %scan3A_359 = %scan3A_160 to %scan3A_162 step %scan3A_163  : i32 {
      %mul3A_360 = arith.constant 16 : i32
      %mul3A_361 = arith.muli %scan3A_359, %mul3A_360 : i32
      %add3A_362 = vector.broadcast %mul3A_361 : i32 to vector<16xi32>
      %add3A_363 = arith.addi %iota3A, %add3A_362 : vector<16xi32>
      %mul3A_364 = arith.constant 16 : i32
      %mul3A_365 = arith.muli %scan3A_359, %mul3A_364 : i32
      %get3A = arith.index_cast %mul3A_365 : i32 to index
      %get3A_366 = tpu.vector_load %arg4[%get3A] {strides = array<i32>} : memref<512xi32, #tpu.memory_space<vmem>>, vector<16xi32>,
      %ge3A = arith.constant 360 : i32
      %ge3A_367 = vector.broadcast %ge3A : i32 to vector<16xi32>
      %ge3A_368 = arith.cmpi sge, %get3A_366, %ge3A_367 : vector<16xi32>
      %lt3A = arith.constant 400 : i32
      %lt3A_369 = vector.broadcast %lt3A : i32 to vector<16xi32>
      %lt3A_370 = arith.cmpi slt, %get3A_366, %lt3A_369 : vector<16xi32>
      %and3A = arith.andi %ge3A_368, %lt3A_370 : vector<16xi1>
      %sub3A = arith.constant 360 : i32
      %sub3A_371 = vector.broadcast %sub3A : i32 to vector<16xi32>
      %sub3A_372 = arith.subi %get3A_366, %sub3A_371 : vector<16xi32>
      tpu.vector_store_idx %arg6[%sub3A_372, %add3A_363], %broadcast_in_dim3A_3 masked %and3A : memref<40x512xf32, #tpu.memory_space<vmem>>[vector<16xi32>, vector<16xi32>], vector<16xf32>, vector<16xi1>
      %ge3A_373 = arith.constant 440 : i32
      %ge3A_374 = vector.broadcast %ge3A_373 : i32 to vector<16xi32>
      %ge3A_375 = arith.cmpi sge, %get3A_366, %ge3A_374 : vector<16xi32>
      %lt3A_376 = arith.constant 480 : i32
      %lt3A_377 = vector.broadcast %lt3A_376 : i32 to vector<16xi32>
      %lt3A_378 = arith.cmpi slt, %get3A_366, %lt3A_377 : vector<16xi32>
      %and3A_379 = arith.andi %ge3A_375, %lt3A_378 : vector<16xi1>
      %sub3A_380 = arith.constant 440 : i32
      %sub3A_381 = vector.broadcast %sub3A_380 : i32 to vector<16xi32>
      %sub3A_382 = arith.subi %get3A_366, %sub3A_381 : vector<16xi32>
      tpu.vector_store_idx %arg6[%sub3A_382, %add3A_363], %broadcast_in_dim3A_5 masked %and3A_379 : memref<40x512xf32, #tpu.memory_space<vmem>>[vector<16xi32>, vector<16xi32>], vector<16xf32>, vector<16xi1>
    }
    %scan3A_164 = arith.constant 32 : i32
    %dma_start3A_165 = arith.constant 440 : i32
    %dma_start3A_166 = tpu.memref_slice %arg3[%dma_start3A_165, %mul3A_2] : memref<1000x16384xf32, #tpu.memory_space<hbm>> -> memref<40x512xf32, #tpu.memory_space<hbm>>
    %dma_start3A_167 = arith.constant 440 : i32
    %dma_start3A_168 = tpu.memref_slice %arg3[%dma_start3A_167, %mul3A_2] : memref<1000x16384xf32, #tpu.memory_space<hbm>> -> memref<40x512xf32, #tpu.memory_space<hbm>>
    tpu.enqueue_dma source(%arg6 : memref<40x512xf32, #tpu.memory_space<vmem>>) target(%dma_start3A_168 : memref<40x512xf32, #tpu.memory_space<hbm>>) target_semaphore(%arg8 : memref<!tpu.dma_semaphore, #tpu.memory_space<semaphore_mem>>)
    %dma_wait3A_169 = arith.constant 400 : i32
    %dma_wait3A_170 = tpu.memref_slice %arg3[%dma_wait3A_169, %mul3A_2] : memref<1000x16384xf32, #tpu.memory_space<hbm>> -> memref<40x512xf32, #tpu.memory_space<hbm>>
    %dma_wait3A_171 = arith.constant 400 : i32
    %dma_wait3A_172 = tpu.memref_slice %arg3[%dma_wait3A_171, %mul3A_2] : memref<1000x16384xf32, #tpu.memory_space<hbm>> -> memref<40x512xf32, #tpu.memory_space<hbm>>
    tpu.wait_dma2 semaphore(%arg7 : memref<!tpu.dma_semaphore, #tpu.memory_space<semaphore_mem>>) src(%arg5 : memref<40x512xf32, #tpu.memory_space<vmem>>) dst(%dma_wait3A_172 : memref<40x512xf32, #tpu.memory_space<hbm>>)
    %scan3A_173 = arith.constant 0 : i32
    %scan3A_174 = arith.constant 0 : i32
    %scan3A_175 = arith.constant 32 : i32
    %scan3A_176 = arith.addi %scan3A_174, %scan3A_175 : i32
    %scan3A_177 = arith.constant 1 : i32
    scf.for %scan3A_359 = %scan3A_174 to %scan3A_176 step %scan3A_177  : i32 {
      %mul3A_360 = arith.constant 16 : i32
      %mul3A_361 = arith.muli %scan3A_359, %mul3A_360 : i32
      %add3A_362 = vector.broadcast %mul3A_361 : i32 to vector<16xi32>
      %add3A_363 = arith.addi %iota3A, %add3A_362 : vector<16xi32>
      %mul3A_364 = arith.constant 16 : i32
      %mul3A_365 = arith.muli %scan3A_359, %mul3A_364 : i32
      %get3A = arith.index_cast %mul3A_365 : i32 to index
      %get3A_366 = tpu.vector_load %arg4[%get3A] {strides = array<i32>} : memref<512xi32, #tpu.memory_space<vmem>>, vector<16xi32>,
      %ge3A = arith.constant 400 : i32
      %ge3A_367 = vector.broadcast %ge3A : i32 to vector<16xi32>
      %ge3A_368 = arith.cmpi sge, %get3A_366, %ge3A_367 : vector<16xi32>
      %lt3A = arith.constant 440 : i32
      %lt3A_369 = vector.broadcast %lt3A : i32 to vector<16xi32>
      %lt3A_370 = arith.cmpi slt, %get3A_366, %lt3A_369 : vector<16xi32>
      %and3A = arith.andi %ge3A_368, %lt3A_370 : vector<16xi1>
      %sub3A = arith.constant 400 : i32
      %sub3A_371 = vector.broadcast %sub3A : i32 to vector<16xi32>
      %sub3A_372 = arith.subi %get3A_366, %sub3A_371 : vector<16xi32>
      tpu.vector_store_idx %arg5[%sub3A_372, %add3A_363], %broadcast_in_dim3A_3 masked %and3A : memref<40x512xf32, #tpu.memory_space<vmem>>[vector<16xi32>, vector<16xi32>], vector<16xf32>, vector<16xi1>
      %ge3A_373 = arith.constant 480 : i32
      %ge3A_374 = vector.broadcast %ge3A_373 : i32 to vector<16xi32>
      %ge3A_375 = arith.cmpi sge, %get3A_366, %ge3A_374 : vector<16xi32>
      %lt3A_376 = arith.constant 520 : i32
      %lt3A_377 = vector.broadcast %lt3A_376 : i32 to vector<16xi32>
      %lt3A_378 = arith.cmpi slt, %get3A_366, %lt3A_377 : vector<16xi32>
      %and3A_379 = arith.andi %ge3A_375, %lt3A_378 : vector<16xi1>
      %sub3A_380 = arith.constant 480 : i32
      %sub3A_381 = vector.broadcast %sub3A_380 : i32 to vector<16xi32>
      %sub3A_382 = arith.subi %get3A_366, %sub3A_381 : vector<16xi32>
      tpu.vector_store_idx %arg5[%sub3A_382, %add3A_363], %broadcast_in_dim3A_5 masked %and3A_379 : memref<40x512xf32, #tpu.memory_space<vmem>>[vector<16xi32>, vector<16xi32>], vector<16xf32>, vector<16xi1>
    }
    %scan3A_178 = arith.constant 32 : i32
    %dma_start3A_179 = arith.constant 480 : i32
    %dma_start3A_180 = tpu.memref_slice %arg3[%dma_start3A_179, %mul3A_2] : memref<1000x16384xf32, #tpu.memory_space<hbm>> -> memref<40x512xf32, #tpu.memory_space<hbm>>
    %dma_start3A_181 = arith.constant 480 : i32
    %dma_start3A_182 = tpu.memref_slice %arg3[%dma_start3A_181, %mul3A_2] : memref<1000x16384xf32, #tpu.memory_space<hbm>> -> memref<40x512xf32, #tpu.memory_space<hbm>>
    tpu.enqueue_dma source(%arg5 : memref<40x512xf32, #tpu.memory_space<vmem>>) target(%dma_start3A_182 : memref<40x512xf32, #tpu.memory_space<hbm>>) target_semaphore(%arg7 : memref<!tpu.dma_semaphore, #tpu.memory_space<semaphore_mem>>)
    %dma_wait3A_183 = arith.constant 440 : i32
    %dma_wait3A_184 = tpu.memref_slice %arg3[%dma_wait3A_183, %mul3A_2] : memref<1000x16384xf32, #tpu.memory_space<hbm>> -> memref<40x512xf32, #tpu.memory_space<hbm>>
    %dma_wait3A_185 = arith.constant 440 : i32
    %dma_wait3A_186 = tpu.memref_slice %arg3[%dma_wait3A_185, %mul3A_2] : memref<1000x16384xf32, #tpu.memory_space<hbm>> -> memref<40x512xf32, #tpu.memory_space<hbm>>
    tpu.wait_dma2 semaphore(%arg8 : memref<!tpu.dma_semaphore, #tpu.memory_space<semaphore_mem>>) src(%arg6 : memref<40x512xf32, #tpu.memory_space<vmem>>) dst(%dma_wait3A_186 : memref<40x512xf32, #tpu.memory_space<hbm>>)
    %scan3A_187 = arith.constant 0 : i32
    %scan3A_188 = arith.constant 0 : i32
    %scan3A_189 = arith.constant 32 : i32
    %scan3A_190 = arith.addi %scan3A_188, %scan3A_189 : i32
    %scan3A_191 = arith.constant 1 : i32
    scf.for %scan3A_359 = %scan3A_188 to %scan3A_190 step %scan3A_191  : i32 {
      %mul3A_360 = arith.constant 16 : i32
      %mul3A_361 = arith.muli %scan3A_359, %mul3A_360 : i32
      %add3A_362 = vector.broadcast %mul3A_361 : i32 to vector<16xi32>
      %add3A_363 = arith.addi %iota3A, %add3A_362 : vector<16xi32>
      %mul3A_364 = arith.constant 16 : i32
      %mul3A_365 = arith.muli %scan3A_359, %mul3A_364 : i32
      %get3A = arith.index_cast %mul3A_365 : i32 to index
      %get3A_366 = tpu.vector_load %arg4[%get3A] {strides = array<i32>} : memref<512xi32, #tpu.memory_space<vmem>>, vector<16xi32>,
      %ge3A = arith.constant 440 : i32
      %ge3A_367 = vector.broadcast %ge3A : i32 to vector<16xi32>
      %ge3A_368 = arith.cmpi sge, %get3A_366, %ge3A_367 : vector<16xi32>
      %lt3A = arith.constant 480 : i32
      %lt3A_369 = vector.broadcast %lt3A : i32 to vector<16xi32>
      %lt3A_370 = arith.cmpi slt, %get3A_366, %lt3A_369 : vector<16xi32>
      %and3A = arith.andi %ge3A_368, %lt3A_370 : vector<16xi1>
      %sub3A = arith.constant 440 : i32
      %sub3A_371 = vector.broadcast %sub3A : i32 to vector<16xi32>
      %sub3A_372 = arith.subi %get3A_366, %sub3A_371 : vector<16xi32>
      tpu.vector_store_idx %arg6[%sub3A_372, %add3A_363], %broadcast_in_dim3A_3 masked %and3A : memref<40x512xf32, #tpu.memory_space<vmem>>[vector<16xi32>, vector<16xi32>], vector<16xf32>, vector<16xi1>
      %ge3A_373 = arith.constant 520 : i32
      %ge3A_374 = vector.broadcast %ge3A_373 : i32 to vector<16xi32>
      %ge3A_375 = arith.cmpi sge, %get3A_366, %ge3A_374 : vector<16xi32>
      %lt3A_376 = arith.constant 560 : i32
      %lt3A_377 = vector.broadcast %lt3A_376 : i32 to vector<16xi32>
      %lt3A_378 = arith.cmpi slt, %get3A_366, %lt3A_377 : vector<16xi32>
      %and3A_379 = arith.andi %ge3A_375, %lt3A_378 : vector<16xi1>
      %sub3A_380 = arith.constant 520 : i32
      %sub3A_381 = vector.broadcast %sub3A_380 : i32 to vector<16xi32>
      %sub3A_382 = arith.subi %get3A_366, %sub3A_381 : vector<16xi32>
      tpu.vector_store_idx %arg6[%sub3A_382, %add3A_363], %broadcast_in_dim3A_5 masked %and3A_379 : memref<40x512xf32, #tpu.memory_space<vmem>>[vector<16xi32>, vector<16xi32>], vector<16xf32>, vector<16xi1>
    }
    %scan3A_192 = arith.constant 32 : i32
    %dma_start3A_193 = arith.constant 520 : i32
    %dma_start3A_194 = tpu.memref_slice %arg3[%dma_start3A_193, %mul3A_2] : memref<1000x16384xf32, #tpu.memory_space<hbm>> -> memref<40x512xf32, #tpu.memory_space<hbm>>
    %dma_start3A_195 = arith.constant 520 : i32
    %dma_start3A_196 = tpu.memref_slice %arg3[%dma_start3A_195, %mul3A_2] : memref<1000x16384xf32, #tpu.memory_space<hbm>> -> memref<40x512xf32, #tpu.memory_space<hbm>>
    tpu.enqueue_dma source(%arg6 : memref<40x512xf32, #tpu.memory_space<vmem>>) target(%dma_start3A_196 : memref<40x512xf32, #tpu.memory_space<hbm>>) target_semaphore(%arg8 : memref<!tpu.dma_semaphore, #tpu.memory_space<semaphore_mem>>)
    %dma_wait3A_197 = arith.constant 480 : i32
    %dma_wait3A_198 = tpu.memref_slice %arg3[%dma_wait3A_197, %mul3A_2] : memref<1000x16384xf32, #tpu.memory_space<hbm>> -> memref<40x512xf32, #tpu.memory_space<hbm>>
    %dma_wait3A_199 = arith.constant 480 : i32
    %dma_wait3A_200 = tpu.memref_slice %arg3[%dma_wait3A_199, %mul3A_2] : memref<1000x16384xf32, #tpu.memory_space<hbm>> -> memref<40x512xf32, #tpu.memory_space<hbm>>
    tpu.wait_dma2 semaphore(%arg7 : memref<!tpu.dma_semaphore, #tpu.memory_space<semaphore_mem>>) src(%arg5 : memref<40x512xf32, #tpu.memory_space<vmem>>) dst(%dma_wait3A_200 : memref<40x512xf32, #tpu.memory_space<hbm>>)
    %scan3A_201 = arith.constant 0 : i32
    %scan3A_202 = arith.constant 0 : i32
    %scan3A_203 = arith.constant 32 : i32
    %scan3A_204 = arith.addi %scan3A_202, %scan3A_203 : i32
    %scan3A_205 = arith.constant 1 : i32
    scf.for %scan3A_359 = %scan3A_202 to %scan3A_204 step %scan3A_205  : i32 {
      %mul3A_360 = arith.constant 16 : i32
      %mul3A_361 = arith.muli %scan3A_359, %mul3A_360 : i32
      %add3A_362 = vector.broadcast %mul3A_361 : i32 to vector<16xi32>
      %add3A_363 = arith.addi %iota3A, %add3A_362 : vector<16xi32>
      %mul3A_364 = arith.constant 16 : i32
      %mul3A_365 = arith.muli %scan3A_359, %mul3A_364 : i32
      %get3A = arith.index_cast %mul3A_365 : i32 to index
      %get3A_366 = tpu.vector_load %arg4[%get3A] {strides = array<i32>} : memref<512xi32, #tpu.memory_space<vmem>>, vector<16xi32>,
      %ge3A = arith.constant 480 : i32
      %ge3A_367 = vector.broadcast %ge3A : i32 to vector<16xi32>
      %ge3A_368 = arith.cmpi sge, %get3A_366, %ge3A_367 : vector<16xi32>
      %lt3A = arith.constant 520 : i32
      %lt3A_369 = vector.broadcast %lt3A : i32 to vector<16xi32>
      %lt3A_370 = arith.cmpi slt, %get3A_366, %lt3A_369 : vector<16xi32>
      %and3A = arith.andi %ge3A_368, %lt3A_370 : vector<16xi1>
      %sub3A = arith.constant 480 : i32
      %sub3A_371 = vector.broadcast %sub3A : i32 to vector<16xi32>
      %sub3A_372 = arith.subi %get3A_366, %sub3A_371 : vector<16xi32>
      tpu.vector_store_idx %arg5[%sub3A_372, %add3A_363], %broadcast_in_dim3A_3 masked %and3A : memref<40x512xf32, #tpu.memory_space<vmem>>[vector<16xi32>, vector<16xi32>], vector<16xf32>, vector<16xi1>
      %ge3A_373 = arith.constant 560 : i32
      %ge3A_374 = vector.broadcast %ge3A_373 : i32 to vector<16xi32>
      %ge3A_375 = arith.cmpi sge, %get3A_366, %ge3A_374 : vector<16xi32>
      %lt3A_376 = arith.constant 600 : i32
      %lt3A_377 = vector.broadcast %lt3A_376 : i32 to vector<16xi32>
      %lt3A_378 = arith.cmpi slt, %get3A_366, %lt3A_377 : vector<16xi32>
      %and3A_379 = arith.andi %ge3A_375, %lt3A_378 : vector<16xi1>
      %sub3A_380 = arith.constant 560 : i32
      %sub3A_381 = vector.broadcast %sub3A_380 : i32 to vector<16xi32>
      %sub3A_382 = arith.subi %get3A_366, %sub3A_381 : vector<16xi32>
      tpu.vector_store_idx %arg5[%sub3A_382, %add3A_363], %broadcast_in_dim3A_5 masked %and3A_379 : memref<40x512xf32, #tpu.memory_space<vmem>>[vector<16xi32>, vector<16xi32>], vector<16xf32>, vector<16xi1>
    }
    %scan3A_206 = arith.constant 32 : i32
    %dma_start3A_207 = arith.constant 560 : i32
    %dma_start3A_208 = tpu.memref_slice %arg3[%dma_start3A_207, %mul3A_2] : memref<1000x16384xf32, #tpu.memory_space<hbm>> -> memref<40x512xf32, #tpu.memory_space<hbm>>
    %dma_start3A_209 = arith.constant 560 : i32
    %dma_start3A_210 = tpu.memref_slice %arg3[%dma_start3A_209, %mul3A_2] : memref<1000x16384xf32, #tpu.memory_space<hbm>> -> memref<40x512xf32, #tpu.memory_space<hbm>>
    tpu.enqueue_dma source(%arg5 : memref<40x512xf32, #tpu.memory_space<vmem>>) target(%dma_start3A_210 : memref<40x512xf32, #tpu.memory_space<hbm>>) target_semaphore(%arg7 : memref<!tpu.dma_semaphore, #tpu.memory_space<semaphore_mem>>)
    %dma_wait3A_211 = arith.constant 520 : i32
    %dma_wait3A_212 = tpu.memref_slice %arg3[%dma_wait3A_211, %mul3A_2] : memref<1000x16384xf32, #tpu.memory_space<hbm>> -> memref<40x512xf32, #tpu.memory_space<hbm>>
    %dma_wait3A_213 = arith.constant 520 : i32
    %dma_wait3A_214 = tpu.memref_slice %arg3[%dma_wait3A_213, %mul3A_2] : memref<1000x16384xf32, #tpu.memory_space<hbm>> -> memref<40x512xf32, #tpu.memory_space<hbm>>
    tpu.wait_dma2 semaphore(%arg8 : memref<!tpu.dma_semaphore, #tpu.memory_space<semaphore_mem>>) src(%arg6 : memref<40x512xf32, #tpu.memory_space<vmem>>) dst(%dma_wait3A_214 : memref<40x512xf32, #tpu.memory_space<hbm>>)
    %scan3A_215 = arith.constant 0 : i32
    %scan3A_216 = arith.constant 0 : i32
    %scan3A_217 = arith.constant 32 : i32
    %scan3A_218 = arith.addi %scan3A_216, %scan3A_217 : i32
    %scan3A_219 = arith.constant 1 : i32
    scf.for %scan3A_359 = %scan3A_216 to %scan3A_218 step %scan3A_219  : i32 {
      %mul3A_360 = arith.constant 16 : i32
      %mul3A_361 = arith.muli %scan3A_359, %mul3A_360 : i32
      %add3A_362 = vector.broadcast %mul3A_361 : i32 to vector<16xi32>
      %add3A_363 = arith.addi %iota3A, %add3A_362 : vector<16xi32>
      %mul3A_364 = arith.constant 16 : i32
      %mul3A_365 = arith.muli %scan3A_359, %mul3A_364 : i32
      %get3A = arith.index_cast %mul3A_365 : i32 to index
      %get3A_366 = tpu.vector_load %arg4[%get3A] {strides = array<i32>} : memref<512xi32, #tpu.memory_space<vmem>>, vector<16xi32>,
      %ge3A = arith.constant 520 : i32
      %ge3A_367 = vector.broadcast %ge3A : i32 to vector<16xi32>
      %ge3A_368 = arith.cmpi sge, %get3A_366, %ge3A_367 : vector<16xi32>
      %lt3A = arith.constant 560 : i32
      %lt3A_369 = vector.broadcast %lt3A : i32 to vector<16xi32>
      %lt3A_370 = arith.cmpi slt, %get3A_366, %lt3A_369 : vector<16xi32>
      %and3A = arith.andi %ge3A_368, %lt3A_370 : vector<16xi1>
      %sub3A = arith.constant 520 : i32
      %sub3A_371 = vector.broadcast %sub3A : i32 to vector<16xi32>
      %sub3A_372 = arith.subi %get3A_366, %sub3A_371 : vector<16xi32>
      tpu.vector_store_idx %arg6[%sub3A_372, %add3A_363], %broadcast_in_dim3A_3 masked %and3A : memref<40x512xf32, #tpu.memory_space<vmem>>[vector<16xi32>, vector<16xi32>], vector<16xf32>, vector<16xi1>
      %ge3A_373 = arith.constant 600 : i32
      %ge3A_374 = vector.broadcast %ge3A_373 : i32 to vector<16xi32>
      %ge3A_375 = arith.cmpi sge, %get3A_366, %ge3A_374 : vector<16xi32>
      %lt3A_376 = arith.constant 640 : i32
      %lt3A_377 = vector.broadcast %lt3A_376 : i32 to vector<16xi32>
      %lt3A_378 = arith.cmpi slt, %get3A_366, %lt3A_377 : vector<16xi32>
      %and3A_379 = arith.andi %ge3A_375, %lt3A_378 : vector<16xi1>
      %sub3A_380 = arith.constant 600 : i32
      %sub3A_381 = vector.broadcast %sub3A_380 : i32 to vector<16xi32>
      %sub3A_382 = arith.subi %get3A_366, %sub3A_381 : vector<16xi32>
      tpu.vector_store_idx %arg6[%sub3A_382, %add3A_363], %broadcast_in_dim3A_5 masked %and3A_379 : memref<40x512xf32, #tpu.memory_space<vmem>>[vector<16xi32>, vector<16xi32>], vector<16xf32>, vector<16xi1>
    }
    %scan3A_220 = arith.constant 32 : i32
    %dma_start3A_221 = arith.constant 600 : i32
    %dma_start3A_222 = tpu.memref_slice %arg3[%dma_start3A_221, %mul3A_2] : memref<1000x16384xf32, #tpu.memory_space<hbm>> -> memref<40x512xf32, #tpu.memory_space<hbm>>
    %dma_start3A_223 = arith.constant 600 : i32
    %dma_start3A_224 = tpu.memref_slice %arg3[%dma_start3A_223, %mul3A_2] : memref<1000x16384xf32, #tpu.memory_space<hbm>> -> memref<40x512xf32, #tpu.memory_space<hbm>>
    tpu.enqueue_dma source(%arg6 : memref<40x512xf32, #tpu.memory_space<vmem>>) target(%dma_start3A_224 : memref<40x512xf32, #tpu.memory_space<hbm>>) target_semaphore(%arg8 : memref<!tpu.dma_semaphore, #tpu.memory_space<semaphore_mem>>)
    %dma_wait3A_225 = arith.constant 560 : i32
    %dma_wait3A_226 = tpu.memref_slice %arg3[%dma_wait3A_225, %mul3A_2] : memref<1000x16384xf32, #tpu.memory_space<hbm>> -> memref<40x512xf32, #tpu.memory_space<hbm>>
    %dma_wait3A_227 = arith.constant 560 : i32
    %dma_wait3A_228 = tpu.memref_slice %arg3[%dma_wait3A_227, %mul3A_2] : memref<1000x16384xf32, #tpu.memory_space<hbm>> -> memref<40x512xf32, #tpu.memory_space<hbm>>
    tpu.wait_dma2 semaphore(%arg7 : memref<!tpu.dma_semaphore, #tpu.memory_space<semaphore_mem>>) src(%arg5 : memref<40x512xf32, #tpu.memory_space<vmem>>) dst(%dma_wait3A_228 : memref<40x512xf32, #tpu.memory_space<hbm>>)
    %scan3A_229 = arith.constant 0 : i32
    %scan3A_230 = arith.constant 0 : i32
    %scan3A_231 = arith.constant 32 : i32
    %scan3A_232 = arith.addi %scan3A_230, %scan3A_231 : i32
    %scan3A_233 = arith.constant 1 : i32
    scf.for %scan3A_359 = %scan3A_230 to %scan3A_232 step %scan3A_233  : i32 {
      %mul3A_360 = arith.constant 16 : i32
      %mul3A_361 = arith.muli %scan3A_359, %mul3A_360 : i32
      %add3A_362 = vector.broadcast %mul3A_361 : i32 to vector<16xi32>
      %add3A_363 = arith.addi %iota3A, %add3A_362 : vector<16xi32>
      %mul3A_364 = arith.constant 16 : i32
      %mul3A_365 = arith.muli %scan3A_359, %mul3A_364 : i32
      %get3A = arith.index_cast %mul3A_365 : i32 to index
      %get3A_366 = tpu.vector_load %arg4[%get3A] {strides = array<i32>} : memref<512xi32, #tpu.memory_space<vmem>>, vector<16xi32>,
      %ge3A = arith.constant 560 : i32
      %ge3A_367 = vector.broadcast %ge3A : i32 to vector<16xi32>
      %ge3A_368 = arith.cmpi sge, %get3A_366, %ge3A_367 : vector<16xi32>
      %lt3A = arith.constant 600 : i32
      %lt3A_369 = vector.broadcast %lt3A : i32 to vector<16xi32>
      %lt3A_370 = arith.cmpi slt, %get3A_366, %lt3A_369 : vector<16xi32>
      %and3A = arith.andi %ge3A_368, %lt3A_370 : vector<16xi1>
      %sub3A = arith.constant 560 : i32
      %sub3A_371 = vector.broadcast %sub3A : i32 to vector<16xi32>
      %sub3A_372 = arith.subi %get3A_366, %sub3A_371 : vector<16xi32>
      tpu.vector_store_idx %arg5[%sub3A_372, %add3A_363], %broadcast_in_dim3A_3 masked %and3A : memref<40x512xf32, #tpu.memory_space<vmem>>[vector<16xi32>, vector<16xi32>], vector<16xf32>, vector<16xi1>
      %ge3A_373 = arith.constant 640 : i32
      %ge3A_374 = vector.broadcast %ge3A_373 : i32 to vector<16xi32>
      %ge3A_375 = arith.cmpi sge, %get3A_366, %ge3A_374 : vector<16xi32>
      %lt3A_376 = arith.constant 680 : i32
      %lt3A_377 = vector.broadcast %lt3A_376 : i32 to vector<16xi32>
      %lt3A_378 = arith.cmpi slt, %get3A_366, %lt3A_377 : vector<16xi32>
      %and3A_379 = arith.andi %ge3A_375, %lt3A_378 : vector<16xi1>
      %sub3A_380 = arith.constant 640 : i32
      %sub3A_381 = vector.broadcast %sub3A_380 : i32 to vector<16xi32>
      %sub3A_382 = arith.subi %get3A_366, %sub3A_381 : vector<16xi32>
      tpu.vector_store_idx %arg5[%sub3A_382, %add3A_363], %broadcast_in_dim3A_5 masked %and3A_379 : memref<40x512xf32, #tpu.memory_space<vmem>>[vector<16xi32>, vector<16xi32>], vector<16xf32>, vector<16xi1>
    }
    %scan3A_234 = arith.constant 32 : i32
    %dma_start3A_235 = arith.constant 640 : i32
    %dma_start3A_236 = tpu.memref_slice %arg3[%dma_start3A_235, %mul3A_2] : memref<1000x16384xf32, #tpu.memory_space<hbm>> -> memref<40x512xf32, #tpu.memory_space<hbm>>
    %dma_start3A_237 = arith.constant 640 : i32
    %dma_start3A_238 = tpu.memref_slice %arg3[%dma_start3A_237, %mul3A_2] : memref<1000x16384xf32, #tpu.memory_space<hbm>> -> memref<40x512xf32, #tpu.memory_space<hbm>>
    tpu.enqueue_dma source(%arg5 : memref<40x512xf32, #tpu.memory_space<vmem>>) target(%dma_start3A_238 : memref<40x512xf32, #tpu.memory_space<hbm>>) target_semaphore(%arg7 : memref<!tpu.dma_semaphore, #tpu.memory_space<semaphore_mem>>)
    %dma_wait3A_239 = arith.constant 600 : i32
    %dma_wait3A_240 = tpu.memref_slice %arg3[%dma_wait3A_239, %mul3A_2] : memref<1000x16384xf32, #tpu.memory_space<hbm>> -> memref<40x512xf32, #tpu.memory_space<hbm>>
    %dma_wait3A_241 = arith.constant 600 : i32
    %dma_wait3A_242 = tpu.memref_slice %arg3[%dma_wait3A_241, %mul3A_2] : memref<1000x16384xf32, #tpu.memory_space<hbm>> -> memref<40x512xf32, #tpu.memory_space<hbm>>
    tpu.wait_dma2 semaphore(%arg8 : memref<!tpu.dma_semaphore, #tpu.memory_space<semaphore_mem>>) src(%arg6 : memref<40x512xf32, #tpu.memory_space<vmem>>) dst(%dma_wait3A_242 : memref<40x512xf32, #tpu.memory_space<hbm>>)
    %scan3A_243 = arith.constant 0 : i32
    %scan3A_244 = arith.constant 0 : i32
    %scan3A_245 = arith.constant 32 : i32
    %scan3A_246 = arith.addi %scan3A_244, %scan3A_245 : i32
    %scan3A_247 = arith.constant 1 : i32
    scf.for %scan3A_359 = %scan3A_244 to %scan3A_246 step %scan3A_247  : i32 {
      %mul3A_360 = arith.constant 16 : i32
      %mul3A_361 = arith.muli %scan3A_359, %mul3A_360 : i32
      %add3A_362 = vector.broadcast %mul3A_361 : i32 to vector<16xi32>
      %add3A_363 = arith.addi %iota3A, %add3A_362 : vector<16xi32>
      %mul3A_364 = arith.constant 16 : i32
      %mul3A_365 = arith.muli %scan3A_359, %mul3A_364 : i32
      %get3A = arith.index_cast %mul3A_365 : i32 to index
      %get3A_366 = tpu.vector_load %arg4[%get3A] {strides = array<i32>} : memref<512xi32, #tpu.memory_space<vmem>>, vector<16xi32>,
      %ge3A = arith.constant 600 : i32
      %ge3A_367 = vector.broadcast %ge3A : i32 to vector<16xi32>
      %ge3A_368 = arith.cmpi sge, %get3A_366, %ge3A_367 : vector<16xi32>
      %lt3A = arith.constant 640 : i32
      %lt3A_369 = vector.broadcast %lt3A : i32 to vector<16xi32>
      %lt3A_370 = arith.cmpi slt, %get3A_366, %lt3A_369 : vector<16xi32>
      %and3A = arith.andi %ge3A_368, %lt3A_370 : vector<16xi1>
      %sub3A = arith.constant 600 : i32
      %sub3A_371 = vector.broadcast %sub3A : i32 to vector<16xi32>
      %sub3A_372 = arith.subi %get3A_366, %sub3A_371 : vector<16xi32>
      tpu.vector_store_idx %arg6[%sub3A_372, %add3A_363], %broadcast_in_dim3A_3 masked %and3A : memref<40x512xf32, #tpu.memory_space<vmem>>[vector<16xi32>, vector<16xi32>], vector<16xf32>, vector<16xi1>
      %ge3A_373 = arith.constant 680 : i32
      %ge3A_374 = vector.broadcast %ge3A_373 : i32 to vector<16xi32>
      %ge3A_375 = arith.cmpi sge, %get3A_366, %ge3A_374 : vector<16xi32>
      %lt3A_376 = arith.constant 720 : i32
      %lt3A_377 = vector.broadcast %lt3A_376 : i32 to vector<16xi32>
      %lt3A_378 = arith.cmpi slt, %get3A_366, %lt3A_377 : vector<16xi32>
      %and3A_379 = arith.andi %ge3A_375, %lt3A_378 : vector<16xi1>
      %sub3A_380 = arith.constant 680 : i32
      %sub3A_381 = vector.broadcast %sub3A_380 : i32 to vector<16xi32>
      %sub3A_382 = arith.subi %get3A_366, %sub3A_381 : vector<16xi32>
      tpu.vector_store_idx %arg6[%sub3A_382, %add3A_363], %broadcast_in_dim3A_5 masked %and3A_379 : memref<40x512xf32, #tpu.memory_space<vmem>>[vector<16xi32>, vector<16xi32>], vector<16xf32>, vector<16xi1>
    }
    %scan3A_248 = arith.constant 32 : i32
    %dma_start3A_249 = arith.constant 680 : i32
    %dma_start3A_250 = tpu.memref_slice %arg3[%dma_start3A_249, %mul3A_2] : memref<1000x16384xf32, #tpu.memory_space<hbm>> -> memref<40x512xf32, #tpu.memory_space<hbm>>
    %dma_start3A_251 = arith.constant 680 : i32
    %dma_start3A_252 = tpu.memref_slice %arg3[%dma_start3A_251, %mul3A_2] : memref<1000x16384xf32, #tpu.memory_space<hbm>> -> memref<40x512xf32, #tpu.memory_space<hbm>>
    tpu.enqueue_dma source(%arg6 : memref<40x512xf32, #tpu.memory_space<vmem>>) target(%dma_start3A_252 : memref<40x512xf32, #tpu.memory_space<hbm>>) target_semaphore(%arg8 : memref<!tpu.dma_semaphore, #tpu.memory_space<semaphore_mem>>)
    %dma_wait3A_253 = arith.constant 640 : i32
    %dma_wait3A_254 = tpu.memref_slice %arg3[%dma_wait3A_253, %mul3A_2] : memref<1000x16384xf32, #tpu.memory_space<hbm>> -> memref<40x512xf32, #tpu.memory_space<hbm>>
    %dma_wait3A_255 = arith.constant 640 : i32
    %dma_wait3A_256 = tpu.memref_slice %arg3[%dma_wait3A_255, %mul3A_2] : memref<1000x16384xf32, #tpu.memory_space<hbm>> -> memref<40x512xf32, #tpu.memory_space<hbm>>
    tpu.wait_dma2 semaphore(%arg7 : memref<!tpu.dma_semaphore, #tpu.memory_space<semaphore_mem>>) src(%arg5 : memref<40x512xf32, #tpu.memory_space<vmem>>) dst(%dma_wait3A_256 : memref<40x512xf32, #tpu.memory_space<hbm>>)
    %scan3A_257 = arith.constant 0 : i32
    %scan3A_258 = arith.constant 0 : i32
    %scan3A_259 = arith.constant 32 : i32
    %scan3A_260 = arith.addi %scan3A_258, %scan3A_259 : i32
    %scan3A_261 = arith.constant 1 : i32
    scf.for %scan3A_359 = %scan3A_258 to %scan3A_260 step %scan3A_261  : i32 {
      %mul3A_360 = arith.constant 16 : i32
      %mul3A_361 = arith.muli %scan3A_359, %mul3A_360 : i32
      %add3A_362 = vector.broadcast %mul3A_361 : i32 to vector<16xi32>
      %add3A_363 = arith.addi %iota3A, %add3A_362 : vector<16xi32>
      %mul3A_364 = arith.constant 16 : i32
      %mul3A_365 = arith.muli %scan3A_359, %mul3A_364 : i32
      %get3A = arith.index_cast %mul3A_365 : i32 to index
      %get3A_366 = tpu.vector_load %arg4[%get3A] {strides = array<i32>} : memref<512xi32, #tpu.memory_space<vmem>>, vector<16xi32>,
      %ge3A = arith.constant 640 : i32
      %ge3A_367 = vector.broadcast %ge3A : i32 to vector<16xi32>
      %ge3A_368 = arith.cmpi sge, %get3A_366, %ge3A_367 : vector<16xi32>
      %lt3A = arith.constant 680 : i32
      %lt3A_369 = vector.broadcast %lt3A : i32 to vector<16xi32>
      %lt3A_370 = arith.cmpi slt, %get3A_366, %lt3A_369 : vector<16xi32>
      %and3A = arith.andi %ge3A_368, %lt3A_370 : vector<16xi1>
      %sub3A = arith.constant 640 : i32
      %sub3A_371 = vector.broadcast %sub3A : i32 to vector<16xi32>
      %sub3A_372 = arith.subi %get3A_366, %sub3A_371 : vector<16xi32>
      tpu.vector_store_idx %arg5[%sub3A_372, %add3A_363], %broadcast_in_dim3A_3 masked %and3A : memref<40x512xf32, #tpu.memory_space<vmem>>[vector<16xi32>, vector<16xi32>], vector<16xf32>, vector<16xi1>
      %ge3A_373 = arith.constant 720 : i32
      %ge3A_374 = vector.broadcast %ge3A_373 : i32 to vector<16xi32>
      %ge3A_375 = arith.cmpi sge, %get3A_366, %ge3A_374 : vector<16xi32>
      %lt3A_376 = arith.constant 760 : i32
      %lt3A_377 = vector.broadcast %lt3A_376 : i32 to vector<16xi32>
      %lt3A_378 = arith.cmpi slt, %get3A_366, %lt3A_377 : vector<16xi32>
      %and3A_379 = arith.andi %ge3A_375, %lt3A_378 : vector<16xi1>
      %sub3A_380 = arith.constant 720 : i32
      %sub3A_381 = vector.broadcast %sub3A_380 : i32 to vector<16xi32>
      %sub3A_382 = arith.subi %get3A_366, %sub3A_381 : vector<16xi32>
      tpu.vector_store_idx %arg5[%sub3A_382, %add3A_363], %broadcast_in_dim3A_5 masked %and3A_379 : memref<40x512xf32, #tpu.memory_space<vmem>>[vector<16xi32>, vector<16xi32>], vector<16xf32>, vector<16xi1>
    }
    %scan3A_262 = arith.constant 32 : i32
    %dma_start3A_263 = arith.constant 720 : i32
    %dma_start3A_264 = tpu.memref_slice %arg3[%dma_start3A_263, %mul3A_2] : memref<1000x16384xf32, #tpu.memory_space<hbm>> -> memref<40x512xf32, #tpu.memory_space<hbm>>
    %dma_start3A_265 = arith.constant 720 : i32
    %dma_start3A_266 = tpu.memref_slice %arg3[%dma_start3A_265, %mul3A_2] : memref<1000x16384xf32, #tpu.memory_space<hbm>> -> memref<40x512xf32, #tpu.memory_space<hbm>>
    tpu.enqueue_dma source(%arg5 : memref<40x512xf32, #tpu.memory_space<vmem>>) target(%dma_start3A_266 : memref<40x512xf32, #tpu.memory_space<hbm>>) target_semaphore(%arg7 : memref<!tpu.dma_semaphore, #tpu.memory_space<semaphore_mem>>)
    %dma_wait3A_267 = arith.constant 680 : i32
    %dma_wait3A_268 = tpu.memref_slice %arg3[%dma_wait3A_267, %mul3A_2] : memref<1000x16384xf32, #tpu.memory_space<hbm>> -> memref<40x512xf32, #tpu.memory_space<hbm>>
    %dma_wait3A_269 = arith.constant 680 : i32
    %dma_wait3A_270 = tpu.memref_slice %arg3[%dma_wait3A_269, %mul3A_2] : memref<1000x16384xf32, #tpu.memory_space<hbm>> -> memref<40x512xf32, #tpu.memory_space<hbm>>
    tpu.wait_dma2 semaphore(%arg8 : memref<!tpu.dma_semaphore, #tpu.memory_space<semaphore_mem>>) src(%arg6 : memref<40x512xf32, #tpu.memory_space<vmem>>) dst(%dma_wait3A_270 : memref<40x512xf32, #tpu.memory_space<hbm>>)
    %scan3A_271 = arith.constant 0 : i32
    %scan3A_272 = arith.constant 0 : i32
    %scan3A_273 = arith.constant 32 : i32
    %scan3A_274 = arith.addi %scan3A_272, %scan3A_273 : i32
    %scan3A_275 = arith.constant 1 : i32
    scf.for %scan3A_359 = %scan3A_272 to %scan3A_274 step %scan3A_275  : i32 {
      %mul3A_360 = arith.constant 16 : i32
      %mul3A_361 = arith.muli %scan3A_359, %mul3A_360 : i32
      %add3A_362 = vector.broadcast %mul3A_361 : i32 to vector<16xi32>
      %add3A_363 = arith.addi %iota3A, %add3A_362 : vector<16xi32>
      %mul3A_364 = arith.constant 16 : i32
      %mul3A_365 = arith.muli %scan3A_359, %mul3A_364 : i32
      %get3A = arith.index_cast %mul3A_365 : i32 to index
      %get3A_366 = tpu.vector_load %arg4[%get3A] {strides = array<i32>} : memref<512xi32, #tpu.memory_space<vmem>>, vector<16xi32>,
      %ge3A = arith.constant 680 : i32
      %ge3A_367 = vector.broadcast %ge3A : i32 to vector<16xi32>
      %ge3A_368 = arith.cmpi sge, %get3A_366, %ge3A_367 : vector<16xi32>
      %lt3A = arith.constant 720 : i32
      %lt3A_369 = vector.broadcast %lt3A : i32 to vector<16xi32>
      %lt3A_370 = arith.cmpi slt, %get3A_366, %lt3A_369 : vector<16xi32>
      %and3A = arith.andi %ge3A_368, %lt3A_370 : vector<16xi1>
      %sub3A = arith.constant 680 : i32
      %sub3A_371 = vector.broadcast %sub3A : i32 to vector<16xi32>
      %sub3A_372 = arith.subi %get3A_366, %sub3A_371 : vector<16xi32>
      tpu.vector_store_idx %arg6[%sub3A_372, %add3A_363], %broadcast_in_dim3A_3 masked %and3A : memref<40x512xf32, #tpu.memory_space<vmem>>[vector<16xi32>, vector<16xi32>], vector<16xf32>, vector<16xi1>
      %ge3A_373 = arith.constant 760 : i32
      %ge3A_374 = vector.broadcast %ge3A_373 : i32 to vector<16xi32>
      %ge3A_375 = arith.cmpi sge, %get3A_366, %ge3A_374 : vector<16xi32>
      %lt3A_376 = arith.constant 800 : i32
      %lt3A_377 = vector.broadcast %lt3A_376 : i32 to vector<16xi32>
      %lt3A_378 = arith.cmpi slt, %get3A_366, %lt3A_377 : vector<16xi32>
      %and3A_379 = arith.andi %ge3A_375, %lt3A_378 : vector<16xi1>
      %sub3A_380 = arith.constant 760 : i32
      %sub3A_381 = vector.broadcast %sub3A_380 : i32 to vector<16xi32>
      %sub3A_382 = arith.subi %get3A_366, %sub3A_381 : vector<16xi32>
      tpu.vector_store_idx %arg6[%sub3A_382, %add3A_363], %broadcast_in_dim3A_5 masked %and3A_379 : memref<40x512xf32, #tpu.memory_space<vmem>>[vector<16xi32>, vector<16xi32>], vector<16xf32>, vector<16xi1>
    }
    %scan3A_276 = arith.constant 32 : i32
    %dma_start3A_277 = arith.constant 760 : i32
    %dma_start3A_278 = tpu.memref_slice %arg3[%dma_start3A_277, %mul3A_2] : memref<1000x16384xf32, #tpu.memory_space<hbm>> -> memref<40x512xf32, #tpu.memory_space<hbm>>
    %dma_start3A_279 = arith.constant 760 : i32
    %dma_start3A_280 = tpu.memref_slice %arg3[%dma_start3A_279, %mul3A_2] : memref<1000x16384xf32, #tpu.memory_space<hbm>> -> memref<40x512xf32, #tpu.memory_space<hbm>>
    tpu.enqueue_dma source(%arg6 : memref<40x512xf32, #tpu.memory_space<vmem>>) target(%dma_start3A_280 : memref<40x512xf32, #tpu.memory_space<hbm>>) target_semaphore(%arg8 : memref<!tpu.dma_semaphore, #tpu.memory_space<semaphore_mem>>)
    %dma_wait3A_281 = arith.constant 720 : i32
    %dma_wait3A_282 = tpu.memref_slice %arg3[%dma_wait3A_281, %mul3A_2] : memref<1000x16384xf32, #tpu.memory_space<hbm>> -> memref<40x512xf32, #tpu.memory_space<hbm>>
    %dma_wait3A_283 = arith.constant 720 : i32
    %dma_wait3A_284 = tpu.memref_slice %arg3[%dma_wait3A_283, %mul3A_2] : memref<1000x16384xf32, #tpu.memory_space<hbm>> -> memref<40x512xf32, #tpu.memory_space<hbm>>
    tpu.wait_dma2 semaphore(%arg7 : memref<!tpu.dma_semaphore, #tpu.memory_space<semaphore_mem>>) src(%arg5 : memref<40x512xf32, #tpu.memory_space<vmem>>) dst(%dma_wait3A_284 : memref<40x512xf32, #tpu.memory_space<hbm>>)
    %scan3A_285 = arith.constant 0 : i32
    %scan3A_286 = arith.constant 0 : i32
    %scan3A_287 = arith.constant 32 : i32
    %scan3A_288 = arith.addi %scan3A_286, %scan3A_287 : i32
    %scan3A_289 = arith.constant 1 : i32
    scf.for %scan3A_359 = %scan3A_286 to %scan3A_288 step %scan3A_289  : i32 {
      %mul3A_360 = arith.constant 16 : i32
      %mul3A_361 = arith.muli %scan3A_359, %mul3A_360 : i32
      %add3A_362 = vector.broadcast %mul3A_361 : i32 to vector<16xi32>
      %add3A_363 = arith.addi %iota3A, %add3A_362 : vector<16xi32>
      %mul3A_364 = arith.constant 16 : i32
      %mul3A_365 = arith.muli %scan3A_359, %mul3A_364 : i32
      %get3A = arith.index_cast %mul3A_365 : i32 to index
      %get3A_366 = tpu.vector_load %arg4[%get3A] {strides = array<i32>} : memref<512xi32, #tpu.memory_space<vmem>>, vector<16xi32>,
      %ge3A = arith.constant 720 : i32
      %ge3A_367 = vector.broadcast %ge3A : i32 to vector<16xi32>
      %ge3A_368 = arith.cmpi sge, %get3A_366, %ge3A_367 : vector<16xi32>
      %lt3A = arith.constant 760 : i32
      %lt3A_369 = vector.broadcast %lt3A : i32 to vector<16xi32>
      %lt3A_370 = arith.cmpi slt, %get3A_366, %lt3A_369 : vector<16xi32>
      %and3A = arith.andi %ge3A_368, %lt3A_370 : vector<16xi1>
      %sub3A = arith.constant 720 : i32
      %sub3A_371 = vector.broadcast %sub3A : i32 to vector<16xi32>
      %sub3A_372 = arith.subi %get3A_366, %sub3A_371 : vector<16xi32>
      tpu.vector_store_idx %arg5[%sub3A_372, %add3A_363], %broadcast_in_dim3A_3 masked %and3A : memref<40x512xf32, #tpu.memory_space<vmem>>[vector<16xi32>, vector<16xi32>], vector<16xf32>, vector<16xi1>
      %ge3A_373 = arith.constant 800 : i32
      %ge3A_374 = vector.broadcast %ge3A_373 : i32 to vector<16xi32>
      %ge3A_375 = arith.cmpi sge, %get3A_366, %ge3A_374 : vector<16xi32>
      %lt3A_376 = arith.constant 840 : i32
      %lt3A_377 = vector.broadcast %lt3A_376 : i32 to vector<16xi32>
      %lt3A_378 = arith.cmpi slt, %get3A_366, %lt3A_377 : vector<16xi32>
      %and3A_379 = arith.andi %ge3A_375, %lt3A_378 : vector<16xi1>
      %sub3A_380 = arith.constant 800 : i32
      %sub3A_381 = vector.broadcast %sub3A_380 : i32 to vector<16xi32>
      %sub3A_382 = arith.subi %get3A_366, %sub3A_381 : vector<16xi32>
      tpu.vector_store_idx %arg5[%sub3A_382, %add3A_363], %broadcast_in_dim3A_5 masked %and3A_379 : memref<40x512xf32, #tpu.memory_space<vmem>>[vector<16xi32>, vector<16xi32>], vector<16xf32>, vector<16xi1>
    }
    %scan3A_290 = arith.constant 32 : i32
    %dma_start3A_291 = arith.constant 800 : i32
    %dma_start3A_292 = tpu.memref_slice %arg3[%dma_start3A_291, %mul3A_2] : memref<1000x16384xf32, #tpu.memory_space<hbm>> -> memref<40x512xf32, #tpu.memory_space<hbm>>
    %dma_start3A_293 = arith.constant 800 : i32
    %dma_start3A_294 = tpu.memref_slice %arg3[%dma_start3A_293, %mul3A_2] : memref<1000x16384xf32, #tpu.memory_space<hbm>> -> memref<40x512xf32, #tpu.memory_space<hbm>>
    tpu.enqueue_dma source(%arg5 : memref<40x512xf32, #tpu.memory_space<vmem>>) target(%dma_start3A_294 : memref<40x512xf32, #tpu.memory_space<hbm>>) target_semaphore(%arg7 : memref<!tpu.dma_semaphore, #tpu.memory_space<semaphore_mem>>)
    %dma_wait3A_295 = arith.constant 760 : i32
    %dma_wait3A_296 = tpu.memref_slice %arg3[%dma_wait3A_295, %mul3A_2] : memref<1000x16384xf32, #tpu.memory_space<hbm>> -> memref<40x512xf32, #tpu.memory_space<hbm>>
    %dma_wait3A_297 = arith.constant 760 : i32
    %dma_wait3A_298 = tpu.memref_slice %arg3[%dma_wait3A_297, %mul3A_2] : memref<1000x16384xf32, #tpu.memory_space<hbm>> -> memref<40x512xf32, #tpu.memory_space<hbm>>
    tpu.wait_dma2 semaphore(%arg8 : memref<!tpu.dma_semaphore, #tpu.memory_space<semaphore_mem>>) src(%arg6 : memref<40x512xf32, #tpu.memory_space<vmem>>) dst(%dma_wait3A_298 : memref<40x512xf32, #tpu.memory_space<hbm>>)
    %scan3A_299 = arith.constant 0 : i32
    %scan3A_300 = arith.constant 0 : i32
    %scan3A_301 = arith.constant 32 : i32
    %scan3A_302 = arith.addi %scan3A_300, %scan3A_301 : i32
    %scan3A_303 = arith.constant 1 : i32
    scf.for %scan3A_359 = %scan3A_300 to %scan3A_302 step %scan3A_303  : i32 {
      %mul3A_360 = arith.constant 16 : i32
      %mul3A_361 = arith.muli %scan3A_359, %mul3A_360 : i32
      %add3A_362 = vector.broadcast %mul3A_361 : i32 to vector<16xi32>
      %add3A_363 = arith.addi %iota3A, %add3A_362 : vector<16xi32>
      %mul3A_364 = arith.constant 16 : i32
      %mul3A_365 = arith.muli %scan3A_359, %mul3A_364 : i32
      %get3A = arith.index_cast %mul3A_365 : i32 to index
      %get3A_366 = tpu.vector_load %arg4[%get3A] {strides = array<i32>} : memref<512xi32, #tpu.memory_space<vmem>>, vector<16xi32>,
      %ge3A = arith.constant 760 : i32
      %ge3A_367 = vector.broadcast %ge3A : i32 to vector<16xi32>
      %ge3A_368 = arith.cmpi sge, %get3A_366, %ge3A_367 : vector<16xi32>
      %lt3A = arith.constant 800 : i32
      %lt3A_369 = vector.broadcast %lt3A : i32 to vector<16xi32>
      %lt3A_370 = arith.cmpi slt, %get3A_366, %lt3A_369 : vector<16xi32>
      %and3A = arith.andi %ge3A_368, %lt3A_370 : vector<16xi1>
      %sub3A = arith.constant 760 : i32
      %sub3A_371 = vector.broadcast %sub3A : i32 to vector<16xi32>
      %sub3A_372 = arith.subi %get3A_366, %sub3A_371 : vector<16xi32>
      tpu.vector_store_idx %arg6[%sub3A_372, %add3A_363], %broadcast_in_dim3A_3 masked %and3A : memref<40x512xf32, #tpu.memory_space<vmem>>[vector<16xi32>, vector<16xi32>], vector<16xf32>, vector<16xi1>
      %ge3A_373 = arith.constant 840 : i32
      %ge3A_374 = vector.broadcast %ge3A_373 : i32 to vector<16xi32>
      %ge3A_375 = arith.cmpi sge, %get3A_366, %ge3A_374 : vector<16xi32>
      %lt3A_376 = arith.constant 880 : i32
      %lt3A_377 = vector.broadcast %lt3A_376 : i32 to vector<16xi32>
      %lt3A_378 = arith.cmpi slt, %get3A_366, %lt3A_377 : vector<16xi32>
      %and3A_379 = arith.andi %ge3A_375, %lt3A_378 : vector<16xi1>
      %sub3A_380 = arith.constant 840 : i32
      %sub3A_381 = vector.broadcast %sub3A_380 : i32 to vector<16xi32>
      %sub3A_382 = arith.subi %get3A_366, %sub3A_381 : vector<16xi32>
      tpu.vector_store_idx %arg6[%sub3A_382, %add3A_363], %broadcast_in_dim3A_5 masked %and3A_379 : memref<40x512xf32, #tpu.memory_space<vmem>>[vector<16xi32>, vector<16xi32>], vector<16xf32>, vector<16xi1>
    }
    %scan3A_304 = arith.constant 32 : i32
    %dma_start3A_305 = arith.constant 840 : i32
    %dma_start3A_306 = tpu.memref_slice %arg3[%dma_start3A_305, %mul3A_2] : memref<1000x16384xf32, #tpu.memory_space<hbm>> -> memref<40x512xf32, #tpu.memory_space<hbm>>
    %dma_start3A_307 = arith.constant 840 : i32
    %dma_start3A_308 = tpu.memref_slice %arg3[%dma_start3A_307, %mul3A_2] : memref<1000x16384xf32, #tpu.memory_space<hbm>> -> memref<40x512xf32, #tpu.memory_space<hbm>>
    tpu.enqueue_dma source(%arg6 : memref<40x512xf32, #tpu.memory_space<vmem>>) target(%dma_start3A_308 : memref<40x512xf32, #tpu.memory_space<hbm>>) target_semaphore(%arg8 : memref<!tpu.dma_semaphore, #tpu.memory_space<semaphore_mem>>)
    %dma_wait3A_309 = arith.constant 800 : i32
    %dma_wait3A_310 = tpu.memref_slice %arg3[%dma_wait3A_309, %mul3A_2] : memref<1000x16384xf32, #tpu.memory_space<hbm>> -> memref<40x512xf32, #tpu.memory_space<hbm>>
    %dma_wait3A_311 = arith.constant 800 : i32
    %dma_wait3A_312 = tpu.memref_slice %arg3[%dma_wait3A_311, %mul3A_2] : memref<1000x16384xf32, #tpu.memory_space<hbm>> -> memref<40x512xf32, #tpu.memory_space<hbm>>
    tpu.wait_dma2 semaphore(%arg7 : memref<!tpu.dma_semaphore, #tpu.memory_space<semaphore_mem>>) src(%arg5 : memref<40x512xf32, #tpu.memory_space<vmem>>) dst(%dma_wait3A_312 : memref<40x512xf32, #tpu.memory_space<hbm>>)
    %scan3A_313 = arith.constant 0 : i32
    %scan3A_314 = arith.constant 0 : i32
    %scan3A_315 = arith.constant 32 : i32
    %scan3A_316 = arith.addi %scan3A_314, %scan3A_315 : i32
    %scan3A_317 = arith.constant 1 : i32
    scf.for %scan3A_359 = %scan3A_314 to %scan3A_316 step %scan3A_317  : i32 {
      %mul3A_360 = arith.constant 16 : i32
      %mul3A_361 = arith.muli %scan3A_359, %mul3A_360 : i32
      %add3A_362 = vector.broadcast %mul3A_361 : i32 to vector<16xi32>
      %add3A_363 = arith.addi %iota3A, %add3A_362 : vector<16xi32>
      %mul3A_364 = arith.constant 16 : i32
      %mul3A_365 = arith.muli %scan3A_359, %mul3A_364 : i32
      %get3A = arith.index_cast %mul3A_365 : i32 to index
      %get3A_366 = tpu.vector_load %arg4[%get3A] {strides = array<i32>} : memref<512xi32, #tpu.memory_space<vmem>>, vector<16xi32>,
      %ge3A = arith.constant 800 : i32
      %ge3A_367 = vector.broadcast %ge3A : i32 to vector<16xi32>
      %ge3A_368 = arith.cmpi sge, %get3A_366, %ge3A_367 : vector<16xi32>
      %lt3A = arith.constant 840 : i32
      %lt3A_369 = vector.broadcast %lt3A : i32 to vector<16xi32>
      %lt3A_370 = arith.cmpi slt, %get3A_366, %lt3A_369 : vector<16xi32>
      %and3A = arith.andi %ge3A_368, %lt3A_370 : vector<16xi1>
      %sub3A = arith.constant 800 : i32
      %sub3A_371 = vector.broadcast %sub3A : i32 to vector<16xi32>
      %sub3A_372 = arith.subi %get3A_366, %sub3A_371 : vector<16xi32>
      tpu.vector_store_idx %arg5[%sub3A_372, %add3A_363], %broadcast_in_dim3A_3 masked %and3A : memref<40x512xf32, #tpu.memory_space<vmem>>[vector<16xi32>, vector<16xi32>], vector<16xf32>, vector<16xi1>
      %ge3A_373 = arith.constant 880 : i32
      %ge3A_374 = vector.broadcast %ge3A_373 : i32 to vector<16xi32>
      %ge3A_375 = arith.cmpi sge, %get3A_366, %ge3A_374 : vector<16xi32>
      %lt3A_376 = arith.constant 920 : i32
      %lt3A_377 = vector.broadcast %lt3A_376 : i32 to vector<16xi32>
      %lt3A_378 = arith.cmpi slt, %get3A_366, %lt3A_377 : vector<16xi32>
      %and3A_379 = arith.andi %ge3A_375, %lt3A_378 : vector<16xi1>
      %sub3A_380 = arith.constant 880 : i32
      %sub3A_381 = vector.broadcast %sub3A_380 : i32 to vector<16xi32>
      %sub3A_382 = arith.subi %get3A_366, %sub3A_381 : vector<16xi32>
      tpu.vector_store_idx %arg5[%sub3A_382, %add3A_363], %broadcast_in_dim3A_5 masked %and3A_379 : memref<40x512xf32, #tpu.memory_space<vmem>>[vector<16xi32>, vector<16xi32>], vector<16xf32>, vector<16xi1>
    }
    %scan3A_318 = arith.constant 32 : i32
    %dma_start3A_319 = arith.constant 880 : i32
    %dma_start3A_320 = tpu.memref_slice %arg3[%dma_start3A_319, %mul3A_2] : memref<1000x16384xf32, #tpu.memory_space<hbm>> -> memref<40x512xf32, #tpu.memory_space<hbm>>
    %dma_start3A_321 = arith.constant 880 : i32
    %dma_start3A_322 = tpu.memref_slice %arg3[%dma_start3A_321, %mul3A_2] : memref<1000x16384xf32, #tpu.memory_space<hbm>> -> memref<40x512xf32, #tpu.memory_space<hbm>>
    tpu.enqueue_dma source(%arg5 : memref<40x512xf32, #tpu.memory_space<vmem>>) target(%dma_start3A_322 : memref<40x512xf32, #tpu.memory_space<hbm>>) target_semaphore(%arg7 : memref<!tpu.dma_semaphore, #tpu.memory_space<semaphore_mem>>)
    %dma_wait3A_323 = arith.constant 840 : i32
    %dma_wait3A_324 = tpu.memref_slice %arg3[%dma_wait3A_323, %mul3A_2] : memref<1000x16384xf32, #tpu.memory_space<hbm>> -> memref<40x512xf32, #tpu.memory_space<hbm>>
    %dma_wait3A_325 = arith.constant 840 : i32
    %dma_wait3A_326 = tpu.memref_slice %arg3[%dma_wait3A_325, %mul3A_2] : memref<1000x16384xf32, #tpu.memory_space<hbm>> -> memref<40x512xf32, #tpu.memory_space<hbm>>
    tpu.wait_dma2 semaphore(%arg8 : memref<!tpu.dma_semaphore, #tpu.memory_space<semaphore_mem>>) src(%arg6 : memref<40x512xf32, #tpu.memory_space<vmem>>) dst(%dma_wait3A_326 : memref<40x512xf32, #tpu.memory_space<hbm>>)
    %scan3A_327 = arith.constant 0 : i32
    %scan3A_328 = arith.constant 0 : i32
    %scan3A_329 = arith.constant 32 : i32
    %scan3A_330 = arith.addi %scan3A_328, %scan3A_329 : i32
    %scan3A_331 = arith.constant 1 : i32
    scf.for %scan3A_359 = %scan3A_328 to %scan3A_330 step %scan3A_331  : i32 {
      %mul3A_360 = arith.constant 16 : i32
      %mul3A_361 = arith.muli %scan3A_359, %mul3A_360 : i32
      %add3A_362 = vector.broadcast %mul3A_361 : i32 to vector<16xi32>
      %add3A_363 = arith.addi %iota3A, %add3A_362 : vector<16xi32>
      %mul3A_364 = arith.constant 16 : i32
      %mul3A_365 = arith.muli %scan3A_359, %mul3A_364 : i32
      %get3A = arith.index_cast %mul3A_365 : i32 to index
      %get3A_366 = tpu.vector_load %arg4[%get3A] {strides = array<i32>} : memref<512xi32, #tpu.memory_space<vmem>>, vector<16xi32>,
      %ge3A = arith.constant 840 : i32
      %ge3A_367 = vector.broadcast %ge3A : i32 to vector<16xi32>
      %ge3A_368 = arith.cmpi sge, %get3A_366, %ge3A_367 : vector<16xi32>
      %lt3A = arith.constant 880 : i32
      %lt3A_369 = vector.broadcast %lt3A : i32 to vector<16xi32>
      %lt3A_370 = arith.cmpi slt, %get3A_366, %lt3A_369 : vector<16xi32>
      %and3A = arith.andi %ge3A_368, %lt3A_370 : vector<16xi1>
      %sub3A = arith.constant 840 : i32
      %sub3A_371 = vector.broadcast %sub3A : i32 to vector<16xi32>
      %sub3A_372 = arith.subi %get3A_366, %sub3A_371 : vector<16xi32>
      tpu.vector_store_idx %arg6[%sub3A_372, %add3A_363], %broadcast_in_dim3A_3 masked %and3A : memref<40x512xf32, #tpu.memory_space<vmem>>[vector<16xi32>, vector<16xi32>], vector<16xf32>, vector<16xi1>
      %ge3A_373 = arith.constant 920 : i32
      %ge3A_374 = vector.broadcast %ge3A_373 : i32 to vector<16xi32>
      %ge3A_375 = arith.cmpi sge, %get3A_366, %ge3A_374 : vector<16xi32>
      %lt3A_376 = arith.constant 960 : i32
      %lt3A_377 = vector.broadcast %lt3A_376 : i32 to vector<16xi32>
      %lt3A_378 = arith.cmpi slt, %get3A_366, %lt3A_377 : vector<16xi32>
      %and3A_379 = arith.andi %ge3A_375, %lt3A_378 : vector<16xi1>
      %sub3A_380 = arith.constant 920 : i32
      %sub3A_381 = vector.broadcast %sub3A_380 : i32 to vector<16xi32>
      %sub3A_382 = arith.subi %get3A_366, %sub3A_381 : vector<16xi32>
      tpu.vector_store_idx %arg6[%sub3A_382, %add3A_363], %broadcast_in_dim3A_5 masked %and3A_379 : memref<40x512xf32, #tpu.memory_space<vmem>>[vector<16xi32>, vector<16xi32>], vector<16xf32>, vector<16xi1>
    }
    %scan3A_332 = arith.constant 32 : i32
    %dma_start3A_333 = arith.constant 920 : i32
    %dma_start3A_334 = tpu.memref_slice %arg3[%dma_start3A_333, %mul3A_2] : memref<1000x16384xf32, #tpu.memory_space<hbm>> -> memref<40x512xf32, #tpu.memory_space<hbm>>
    %dma_start3A_335 = arith.constant 920 : i32
    %dma_start3A_336 = tpu.memref_slice %arg3[%dma_start3A_335, %mul3A_2] : memref<1000x16384xf32, #tpu.memory_space<hbm>> -> memref<40x512xf32, #tpu.memory_space<hbm>>
    tpu.enqueue_dma source(%arg6 : memref<40x512xf32, #tpu.memory_space<vmem>>) target(%dma_start3A_336 : memref<40x512xf32, #tpu.memory_space<hbm>>) target_semaphore(%arg8 : memref<!tpu.dma_semaphore, #tpu.memory_space<semaphore_mem>>)
    %dma_wait3A_337 = arith.constant 880 : i32
    %dma_wait3A_338 = tpu.memref_slice %arg3[%dma_wait3A_337, %mul3A_2] : memref<1000x16384xf32, #tpu.memory_space<hbm>> -> memref<40x512xf32, #tpu.memory_space<hbm>>
    %dma_wait3A_339 = arith.constant 880 : i32
    %dma_wait3A_340 = tpu.memref_slice %arg3[%dma_wait3A_339, %mul3A_2] : memref<1000x16384xf32, #tpu.memory_space<hbm>> -> memref<40x512xf32, #tpu.memory_space<hbm>>
    tpu.wait_dma2 semaphore(%arg7 : memref<!tpu.dma_semaphore, #tpu.memory_space<semaphore_mem>>) src(%arg5 : memref<40x512xf32, #tpu.memory_space<vmem>>) dst(%dma_wait3A_340 : memref<40x512xf32, #tpu.memory_space<hbm>>)
    %scan3A_341 = arith.constant 0 : i32
    %scan3A_342 = arith.constant 0 : i32
    %scan3A_343 = arith.constant 32 : i32
    %scan3A_344 = arith.addi %scan3A_342, %scan3A_343 : i32
    %scan3A_345 = arith.constant 1 : i32
    scf.for %scan3A_359 = %scan3A_342 to %scan3A_344 step %scan3A_345  : i32 {
      %mul3A_360 = arith.constant 16 : i32
      %mul3A_361 = arith.muli %scan3A_359, %mul3A_360 : i32
      %add3A_362 = vector.broadcast %mul3A_361 : i32 to vector<16xi32>
      %add3A_363 = arith.addi %iota3A, %add3A_362 : vector<16xi32>
      %mul3A_364 = arith.constant 16 : i32
      %mul3A_365 = arith.muli %scan3A_359, %mul3A_364 : i32
      %get3A = arith.index_cast %mul3A_365 : i32 to index
      %get3A_366 = tpu.vector_load %arg4[%get3A] {strides = array<i32>} : memref<512xi32, #tpu.memory_space<vmem>>, vector<16xi32>,
      %ge3A = arith.constant 880 : i32
      %ge3A_367 = vector.broadcast %ge3A : i32 to vector<16xi32>
      %ge3A_368 = arith.cmpi sge, %get3A_366, %ge3A_367 : vector<16xi32>
      %lt3A = arith.constant 920 : i32
      %lt3A_369 = vector.broadcast %lt3A : i32 to vector<16xi32>
      %lt3A_370 = arith.cmpi slt, %get3A_366, %lt3A_369 : vector<16xi32>
      %and3A = arith.andi %ge3A_368, %lt3A_370 : vector<16xi1>
      %sub3A = arith.constant 880 : i32
      %sub3A_371 = vector.broadcast %sub3A : i32 to vector<16xi32>
      %sub3A_372 = arith.subi %get3A_366, %sub3A_371 : vector<16xi32>
      tpu.vector_store_idx %arg5[%sub3A_372, %add3A_363], %broadcast_in_dim3A_3 masked %and3A : memref<40x512xf32, #tpu.memory_space<vmem>>[vector<16xi32>, vector<16xi32>], vector<16xf32>, vector<16xi1>
      %ge3A_373 = arith.constant 960 : i32
      %ge3A_374 = vector.broadcast %ge3A_373 : i32 to vector<16xi32>
      %ge3A_375 = arith.cmpi sge, %get3A_366, %ge3A_374 : vector<16xi32>
      %lt3A_376 = arith.constant 1000 : i32
      %lt3A_377 = vector.broadcast %lt3A_376 : i32 to vector<16xi32>
      %lt3A_378 = arith.cmpi slt, %get3A_366, %lt3A_377 : vector<16xi32>
      %and3A_379 = arith.andi %ge3A_375, %lt3A_378 : vector<16xi1>
      %sub3A_380 = arith.constant 960 : i32
      %sub3A_381 = vector.broadcast %sub3A_380 : i32 to vector<16xi32>
      %sub3A_382 = arith.subi %get3A_366, %sub3A_381 : vector<16xi32>
      tpu.vector_store_idx %arg5[%sub3A_382, %add3A_363], %broadcast_in_dim3A_5 masked %and3A_379 : memref<40x512xf32, #tpu.memory_space<vmem>>[vector<16xi32>, vector<16xi32>], vector<16xf32>, vector<16xi1>
    }
    %scan3A_346 = arith.constant 32 : i32
    %dma_start3A_347 = arith.constant 960 : i32
    %dma_start3A_348 = tpu.memref_slice %arg3[%dma_start3A_347, %mul3A_2] : memref<1000x16384xf32, #tpu.memory_space<hbm>> -> memref<40x512xf32, #tpu.memory_space<hbm>>
    %dma_start3A_349 = arith.constant 960 : i32
    %dma_start3A_350 = tpu.memref_slice %arg3[%dma_start3A_349, %mul3A_2] : memref<1000x16384xf32, #tpu.memory_space<hbm>> -> memref<40x512xf32, #tpu.memory_space<hbm>>
    tpu.enqueue_dma source(%arg5 : memref<40x512xf32, #tpu.memory_space<vmem>>) target(%dma_start3A_350 : memref<40x512xf32, #tpu.memory_space<hbm>>) target_semaphore(%arg7 : memref<!tpu.dma_semaphore, #tpu.memory_space<semaphore_mem>>)
    %dma_wait3A_351 = arith.constant 960 : i32
    %dma_wait3A_352 = tpu.memref_slice %arg3[%dma_wait3A_351, %mul3A_2] : memref<1000x16384xf32, #tpu.memory_space<hbm>> -> memref<40x512xf32, #tpu.memory_space<hbm>>
    %dma_wait3A_353 = arith.constant 960 : i32
    %dma_wait3A_354 = tpu.memref_slice %arg3[%dma_wait3A_353, %mul3A_2] : memref<1000x16384xf32, #tpu.memory_space<hbm>> -> memref<40x512xf32, #tpu.memory_space<hbm>>
    tpu.wait_dma2 semaphore(%arg7 : memref<!tpu.dma_semaphore, #tpu.memory_space<semaphore_mem>>) src(%arg5 : memref<40x512xf32, #tpu.memory_space<vmem>>) dst(%dma_wait3A_354 : memref<40x512xf32, #tpu.memory_space<hbm>>)
    %dma_wait3A_355 = arith.constant 920 : i32
    %dma_wait3A_356 = tpu.memref_slice %arg3[%dma_wait3A_355, %mul3A_2] : memref<1000x16384xf32, #tpu.memory_space<hbm>> -> memref<40x512xf32, #tpu.memory_space<hbm>>
    %dma_wait3A_357 = arith.constant 920 : i32
    %dma_wait3A_358 = tpu.memref_slice %arg3[%dma_wait3A_357, %mul3A_2] : memref<1000x16384xf32, #tpu.memory_space<hbm>> -> memref<40x512xf32, #tpu.memory_space<hbm>>
    tpu.wait_dma2 semaphore(%arg8 : memref<!tpu.dma_semaphore, #tpu.memory_space<semaphore_mem>>) src(%arg6 : memref<40x512xf32, #tpu.memory_space<vmem>>) dst(%dma_wait3A_358 : memref<40x512xf32, #tpu.memory_space<hbm>>)
    return
  }
}

</mosaic_0001>

<sc_bundles>
// kernel: kernel.3.cloned.1.call-start
scs
__scs_entry_jumppad:
0x0: {  	(pc) =	sbr.rel $0x88, $3  }
0x1: {  	(tag) =	ssettag $0x0;
	lr =	simm.s32 $0x1  }
0x2: {  	[smem:$0x3FA0] =	sst lr;
	_ =	strace $0xD0000000  }
0x3: {  	_ = 	snop  }
0x4: {  	_ = 	snop  }
0x5: {  	_ = 	snop  }
0x6: {  	_ = 	snop  }
0x7: {  	_ = 	snop  }
__scs_overlays_trampoline_lowered:
0x8: {  	[smem:$0x3FAF] =	sst s0  }
0x9: {  	[smem:$0x3FB0] =	sst s1  }
0xa: {  	[smem:$0x3FB1] =	sst s2  }
0xb: {  	[smem:$0x3FB2] =	sst s3  }
0xc: {  	[smem:$0x3FB3] =	sst s4  }
0xd: {  	[smem:$0x3FB4] =	sst s5  }
0xe: {  	[smem:$0x3FB5] =	sst s6  }
0xf: {  	[smem:$0x3FB6] =	sst s7  }
0x10: {  	[smem:$0x3FB7] =	sst s8  }
0x11: {  	[smem:$0x3FB8] =	sst s9;
	s0 =	simm.s32 @!p0 $0x0  }
0x12: {  	s1 =	sld [smem:$0x3F9E];
	s0 =	simm.s32 @p0 $0x1  }
0x13: {  	[smem:$0x3FB9] =	sst s0;
	s0 =	simm.s32 @!p1 $0x0  }
0x14: {  	s2 =	sld [smem:$0x3F9D];
	s0 =	simm.s32 @p1 $0x1  }
0x15: {  	[smem:$0x3FBA] =	sst s0;
	s0 =	simm.s32 @!p2 $0x0  }
0x16: {  	s3 =	sld [smem:$0x3FDB];
	s0 =	simm.s32 @p2 $0x1  }
0x17: {  	s4 =	simm.s32 $0x1BF5;
	[smem:$0x3FBC] =	sst s0  }
0x18: {  	s0 =	sld [smem:$0x3F9F];
	_ =	swait.ge [sflag:s4], $0x0  }
0x19: {  	s7 =	sld [smem:$0x3FA0]  }
0x1a: {  	s8 =	sadd.s32 $0xFFFFE003, lr  }
0x1b: {  	s9 =	sadd.s32 $0xFFFFFEF7, lr;
	s5 =	simm.s32 $0xFFFFFFFF;
	p2 =	slt.u32 s8, $0xFFFFF086  }
0x1c: {  	p1 =	slt.u32 s9, $0xF7A;
	s5 =	simm.s32 @!p2 $0x0  }
0x1d: {  	s5 =	simm.s32 @p1 $0x1;
	p0 =	seq.s32 s7, s2  }
0x1e: {  	s7 =	smul.u32 @!p0 $0xF7A, s2;
	p2 =	seq.s32 @!p0 s5, $0x0  }
0x1f: {  	s9 =	smul.u32 $0xF7A, s1;
	s8 =	simm.s32 @!p0 $0x1BF5;
	p2 =	por !p2, p0  }
0x20: {  	[sflag:s8] =	ssyncset.s32 @!p0 $0xFFFFF086;
	s6 =	sadd.s32 @!p0 s3, s7;
	s7 =	simm.s32 @!p0 $0x108  }
0x21: {  	s3 =	sadd.s32 s3, s9;
	s6 =	sadd.s32 @!p0 $0x88, s6;
	s7 =	simm.s32 @p2 $0x1082  }
0x22: {  	[simem:s7], [sflag:s8] =	dma.local @!p0 [hbm:s6], $0xF7A  }
0x23: {  	s9 =	sor.u32 $0xD0000000, s2;
	s6 =	simm.s32 $0x108;
	_ =	swait.ge @!p0 [sflag:s8], $0x0  }
0x24: {  	s3 =	sadd.s32 $0x88, s3;
	s6 =	simm.s32 @!p1 $0x1082;
	[sflag:s4] =	ssyncset.s32 $0xFFFFF086  }
0x25: {  	[simem:s6], [sflag:s4] =	dma.local [hbm:s3], $0xF7A  }
0x26: {  	[smem:$0x3FA0] =	sst s1;
	(tag) =	ssettag s2;
	_ =	strace s9  }
0x27: {  	s1 =	sld [smem:$0x3FB0]  }
0x28: {  	s2 =	sld [smem:$0x3FB1]  }
0x29: {  	s4 =	sld [smem:$0x3FB3]  }
0x2a: {  	p0 =	seq.s32 s5, $0x0;
	s5 =	sld [smem:$0x3FB4]  }
0x2b: {  	s6 =	sld [smem:$0x3FB5]  }
0x2c: {  	s7 =	sld [smem:$0x3FB6]  }
0x2d: {  	s3 =	simm.s32 $0x108;
	s8 =	sld [smem:$0x3FB7]  }
0x2e: {  	s3 =	simm.s32 @!p0 $0x1082;
	s9 =	sld [smem:$0x3FB8]  }
0x2f: {  	lr =	sadd.s32 s0, s3;
	s0 =	sld [smem:$0x3FAF]  }
0x30: {  	s3 =	sld [smem:$0x3FB2]  }
0x31: {  	[smem:$0x3FBB] =	sst s10  }
0x32: {  	s10 =	sld [smem:$0x3FB9];
	_ =	sdelay $0x3  }
0x33: {  	p0 =	seq.s32 s10, $0x1;
	s10 =	sld [smem:$0x3FBB];
	_ =	sdelay $0x3  }
0x34: {  	[smem:$0x3FBB] =	sst s10  }
0x35: {  	s10 =	sld [smem:$0x3FBA];
	_ =	sdelay $0x3  }
0x36: {  	p1 =	seq.s32 s10, $0x1;
	s10 =	sld [smem:$0x3FBB];
	_ =	sdelay $0x3  }
0x37: {  	[smem:$0x3FBB] =	sst s10  }
0x38: {  	s10 =	sld [smem:$0x3FBC]  }
0x39: {  	_ = 	snop;
	(pc) =	sbr.ind lr, $3  }
0x3a: {  	_ = 	snop  }
0x3b: {  	_ = 	snop  }
0x3c: {  	p2 =	seq.s32 s10, $0x1;
	s10 =	sld [smem:$0x3FBB]  }
0x3d: {  	_ =	shalt  }
0x3e: {  	_ =	shalt  }
0x3f: {  	_ =	shalt  }
0x40: {  	_ =	shalt  }
0x41: {  	_ =	shalt  }
0x42: {  	_ =	shalt  }
0x43: {  	_ =	shalt  }
0x44: {  	_ =	shalt  }
0x45: {  	_ =	shalt  }
0x46: {  	_ =	shalt  }
0x47: {  	_ =	shalt  }
0x48: {  	_ =	shalt  }
0x49: {  	_ =	shalt  }
0x4a: {  	_ =	shalt  }
0x4b: {  	_ =	shalt  }
0x4c: {  	_ =	shalt  }
0x4d: {  	_ =	shalt  }
0x4e: {  	_ =	shalt  }
0x4f: {  	_ =	shalt  }
0x50: {  	_ =	shalt  }
0x51: {  	_ =	shalt  }
0x52: {  	_ =	shalt  }
0x53: {  	_ =	shalt  }
0x54: {  	_ =	shalt  }
0x55: {  	_ =	shalt  }
0x56: {  	_ =	shalt  }
0x57: {  	_ =	shalt  }
0x58: {  	_ =	shalt  }
0x59: {  	_ =	shalt  }
0x5a: {  	_ =	shalt  }
0x5b: {  	_ =	shalt  }
0x5c: {  	_ =	shalt  }
0x5d: {  	_ =	shalt  }
0x5e: {  	_ =	shalt  }
0x5f: {  	_ =	shalt  }
0x60: {  	_ =	shalt  }
0x61: {  	_ =	shalt  }
0x62: {  	_ =	shalt  }
0x63: {  	_ =	shalt  }
0x64: {  	_ =	shalt  }
0x65: {  	_ =	shalt  }
0x66: {  	_ =	shalt  }
0x67: {  	_ =	shalt  }
0x68: {  	_ =	shalt  }
0x69: {  	_ =	shalt  }
0x6a: {  	_ =	shalt  }
0x6b: {  	_ =	shalt  }
0x6c: {  	_ =	shalt  }
0x6d: {  	_ =	shalt  }
0x6e: {  	_ =	shalt  }
0x6f: {  	_ =	shalt  }
0x70: {  	_ =	shalt  }
0x71: {  	_ =	shalt  }
0x72: {  	_ =	shalt  }
0x73: {  	_ =	shalt  }
0x74: {  	_ =	shalt  }
0x75: {  	_ =	shalt  }
0x76: {  	_ =	shalt  }
0x77: {  	_ =	shalt  }
0x78: {  	_ =	shalt  }
0x79: {  	_ =	shalt  }
0x7a: {  	_ =	shalt  }
0x7b: {  	_ =	shalt  }
0x7c: {  	_ =	shalt  }
0x7d: {  	_ =	shalt  }
0x7e: {  	_ =	shalt  }
0x7f: {  	_ =	shalt  }
0x80: {  	_ =	shalt  }
0x81: {  	_ =	shalt  }
0x82: {  	_ =	shalt  }
0x83: {  	_ =	shalt  }
0x84: {  	_ =	shalt  }
0x85: {  	_ =	shalt  }
0x86: {  	_ =	shalt  }
0x87: {  	_ =	shalt  }
.Lfunc_end0:
.L_simem_size_0:
called_computation_lowered:
.L_overlay_start_0:
0x88: {  	s2 =	sld [smem:$0x3FD9]  }
0x89: {  	s3 =	sld [smem:$0x3FFE];
	_ =	sdelay $0x1  }
0x8a: {  	s1 =	srdreg.scid  }
0x8b: {  	s0 =	sand.u32 $0x1, s1  }
0x8c: {  	s18 =	sshll.u32 s0, $0xA;
	s2 =	sadd.s32 s3, s2  }
0x8d: {  	s2 =	sadd.s32 s2, s18  }
0x8e: {  	[smem:$0x3FC7] =	sst s2  }
0x8f: {  	_ = 	snop  }
0x90: {  	s2 =	sld [smem:$0x3FC9]  }
0x91: {  	s19 =	sld [smem:$0x3FD0];
	(tm) =	ssettm $0x1  }
0x92: {  	s4 =	sld [smem:$0x3FFB];
	_ =	sdelay $0x3  }
0x93: {  	_ =	strace s4  }
0x94: {  	s4 =	sld [smem:$0x3FFC];
	_ =	sdelay $0x3  }
0x95: {  	_ =	strace s4  }
0x96: {  	s4 =	sld [smem:$0x3FFD];
	_ =	sdelay $0x3  }
0x97: {  	_ =	strace s4  }
0x98: {  	_ =	strace $0x8FFFFFFF  }
0x99: {  	s20 =	sld [smem:$0x3FDB];
	_ =	sdelay $0x1  }
0x9a: {  	s5 =	simm.s32 $_scs_section_size  }
0x9b: {  	s6 =	simm.s32 $_size__tile_overlayer_lowered;
	s7 =	simm.s32 $_tile_overlayer_lowered  }
0x9c: {  	s23 =	simm.s32 $0x1BFF;
	s22 =	sshll.u32 s7, $0x1;
	s4 =	sadd.s32 s5, s20  }
0x9d: {  	s8 =	simm.s32 $0x0;
	s21 =	sshll.u32 s6, $0x1;
	s6 =	sadd.s32 s22, s4  }
0x9e: {  	[timem:s8], [sflag:s23] =	dma.local [hbm:s6], s21  }
0x9f: {  	_ =	swait.ge [sflag:s23], s21  }
0xa0: {  	s5 =	ssub.s32 $0x0, s21;
	[sflag:s23] =	ssyncset.done $0x0  }
0xa1: {  	[sflag:s23] =	ssyncadd.s32 s5;
	_ =	sdelay $0x1  }
0xa2: {  	s24 =	simm.s32 $0x1B8B  }
0xa3: {  	_ =	swait.ge [sflag:s24], $0x1  }
0xa4: {  	[sflag:s24] =	ssyncset.done $0x0  }
0xa5: {  	s25 =	simm.s32 $0x1B8E;
	[sflag:s24] =	ssyncadd.s32 $0xFFFFFFFF  }
0xa6: {  	s26 =	simm.s32 $execute0_lowered;
	[smem:$0x3FD2] =	sst s25  }
0xa7: {  	s5 =	sshll.u32 s26, $0x1;
	_ =	strace $0x80000046;
	[dreg:$0x1] =	wrdreg $0xFFFFFFFF  }
0xa8: {  	s28 =	simm.s32 $_size_execute0_lowered;
	s4 =	sadd.s32 s4, s5;
	[dreg:$0x0] =	wrdreg $0x0  }
0xa9: {  	s5 =	sshll.u32 s28, $0x1;
	[dreg:$0x2] =	wrdreg s4  }
0xaa: {  	[dreg:$0x3] =	wrdreg s5  }
0xab: {  	[dreg:$0x4] =	wrdreg $0xC0  }
0xac: {  	_ =	task [dreg:s8], $0x5FFFF  }
0xad: {  	[dreg:$0x1] =	wrdreg $0xFFFFFFFF  }
0xae: {  	[dreg:$0x0] =	wrdreg $0x60  }
0xaf: {  	[dreg:$0x2] =	wrdreg s2  }
0xb0: {  	[dreg:$0x3] =	wrdreg s19  }
0xb1: {  	[dreg:$0x4] =	wrdreg $0x9  }
0xb2: {  	_ =	task.clear_ibuf [dreg:s8], $0x5FFFF;
	_ =	strace $0x90000046  }
0xb3: {  	s29 =	simm.s32 $0x9;
	_ =	strace $0x80000048  }
0xb4: {  	_ =	swait.ge [sflag:s29], $0x1  }
0xb5: {  	[sflag:s29] =	ssyncadd.s32 $0xFFFFFFFF  }
0xb6: {  	_ =	strace $0x90000048  }
0xb7: {  	_ =	sfence  }
0xb8: {  	s30 =	sld [smem:$0x0];
	_ =	sdelay $0x2  }
0xb9: {  	s31 =	sshll.u32 s1, $0xD;
	s1 =	sshrl.u32 s1, $0x2  }
0xba: {  	s3 =	sand.u32 $0x4000, s31;
	s1 =	sadd.s32 s1, s30  }
0xbb: {  	s0 =	sor.u32 s3, s0;
	s1 =	sshll.u32 s1, $0x11  }
0xbc: {  	s0 =	sor.u32 s1, s0  }
0xbd: {  	s0 =	sadd.s32 $0x8F2B, s0  }
0xbe: {  	[sflag:s0] =	ssyncadd.remote.s32 $0x1  }
0xbf: {  	_ =	sfence.sel $0xFFFF  }
0xc0: {  	[dreg:$0x0] =	wrdreg $0xFFFFFFFF;
	(pc) =	sbr.abs _section_cstart, $3  }
0xc1: {  	[dreg:$0x1] =	wrdreg $0xFFFFFFFF  }
0xc2: {  	_ =	task.clear_ibuf [dreg:s8], $0x2FFFF;
	_ =	strace $0x9FFFFFFF  }
0xc3: {  	(tm) =	ssettm $0x7FFFFFFF  }
tec
execute0_lowered:
.L_overlay_start_1:
0x0: {  	(tag) =	ssettag $0x1  }
0x1: {  	s0 =	rddreg [dreg:$0x0]  }
0x2: {  	s1 =	rddreg [dreg:$0x1];
	s2 =	srdreg.scid  }
0x3: {  	s4 =	stileid.u32;
	s31 =	simm.s32 $0x3;
	s7 =	simm.s32 $0x2  }
0x4: {  	s8 =	simm.s32 $0x0;
	s3 =	sand.u32 $0x1, s2;
	s2 =	simm.s32 $0x0  }
0x5: {  	s4 =	sshll.u32 s4, $0xA;
	s5 =	sshll.u32 s3, $0x9;
	[smem:$0x7FF] =	sst s2  }
0x6: {  	s3 =	ssub.s32 $0x2, s3;
	s4 =	sor.u32 s5, s4;
	_ =	strace $0x80000047  }
0x7: {  	s17 =	sshrl.u32 s3, $0x1;
	s5 =	simm.s32 $0x5200;
	s6 =	sshrl.u32 s4, $0x3  }
0x8: {  	s3 =	ssub.s32 s3, s17;
	s4 =	sadd.s32 s1, s4;
	s0 =	sadd.s32 s0, s6  }
0x9: {  	s1 =	simm.s32 $0x1000;
	s18 =	sadd.s32 $0x14000, s4;
	[dreg:$0x3] =	wrdreg s0  }
0xa: {  	s19 =	sadd.s32 $0x28000, s4;
	s20 =	sadd.s32 $0x3C000, s4;
	[dreg:$0x4] =	wrdreg s18  }
0xb: {  	s21 =	sadd.s32 $0x50000, s4;
	s22 =	sadd.s32 $0x64000, s4;
	[dreg:$0x5] =	wrdreg s19  }
0xc: {  	s23 =	sadd.s32 $0x78000, s4;
	s24 =	sadd.s32 $0x8C000, s4;
	[dreg:$0x6] =	wrdreg s20  }
0xd: {  	s25 =	sadd.s32 $0xA0000, s4;
	s26 =	sadd.s32 $0xB4000, s4;
	[dreg:$0x7] =	wrdreg s21  }
0xe: {  	s14 =	sadd.s32 $0xC8000, s4;
	s15 =	sadd.s32 $0xDC000, s4;
	[dreg:$0x8] =	wrdreg s22  }
0xf: {  	s16 =	sadd.s32 $0xF0000, s4;
	s17 =	sadd.s32 $0x104000, s4;
	[dreg:$0x9] =	wrdreg s23  }
0x10: {  	s28 =	sadd.s32 $0x1B8000, s4;
	s29 =	sadd.s32 $0x1CC000, s4;
	[dreg:$0xa] =	wrdreg s24  }
0x11: {  	s30 =	sadd.s32 $0x1E0000, s4;
	s6 =	simm.s32 $0x1;
	[dreg:$0xb] =	wrdreg s25  }
0x12: {  	[dreg:$0xc] =	wrdreg s26;
	s18 =	sadd.s32 $0x118000, s4;
	s19 =	sadd.s32 $0x12C000, s4  }
0x13: {  	s20 =	sadd.s32 $0x140000, s4;
	s21 =	sadd.s32 $0x154000, s4;
	s22 =	sadd.s32 $0x168000, s4  }
0x14: {  	v0 =	vimm.f32 $9.999999740e-05;
	s23 =	sadd.s32 $0x17C000, s4;
	s24 =	sadd.s32 $0x190000, s4;
	s25 =	smax.u32 s3, $0x1  }
0x15: {  	v1 =	vlaneseq.u32;
	v2 =	vimm.f32 $9.000999930e-01;
	s26 =	sadd.s32 $0x1A4000, s4;
	s0 =	simm.s32 $0x200;
	s3 =	simm.s32 $0x20000  }
.LBB2_1:
0x16: {  	s9 =	rddreg [dreg:$0x3]  }
0x17: {  	[tilespmem:s2], [sflag:$0x3] =	stream.linear.gather [hbm4b:s9+s2], $0x200, $0x38;
	[tilespmem:$0xA200] =	vst v63  }
0x18: {  	_ =	swait.ge [sflag:s31], $0x200  }
0x19: {  	s13 =	sand.u32 $0x7000, s2;
	s10 =	sand.u32 $0x380, s2;
	[sflag:s31] =	ssyncset.done $0x0  }
0x1a: {  	s9 =	sor.u32 s10, s13;
	[sflag:s31] =	ssyncadd.s32 $0xFFFFFE00  }
0x1b: {  	[tilespmem:s9+$0x5E70] =	vst v0  }
0x1c: {  	[tilespmem:s9+$0x200] =	vst v0  }
0x1d: {  	[tilespmem:s9+$0x5200] =	vst v0  }
0x1e: {  	[tilespmem:s9+$0x210] =	vst v0  }
0x1f: {  	[tilespmem:s9+$0x5210] =	vst v0  }
0x20: {  	[tilespmem:s9+$0x220] =	vst v0  }
0x21: {  	[tilespmem:s9+$0x5220] =	vst v0  }
0x22: {  	[tilespmem:s9+$0x230] =	vst v0  }
0x23: {  	[tilespmem:s9+$0x5230] =	vst v0  }
0x24: {  	[tilespmem:s9+$0x240] =	vst v0  }
0x25: {  	[tilespmem:s9+$0x5240] =	vst v0  }
0x26: {  	[tilespmem:s9+$0x250] =	vst v0  }
0x27: {  	[tilespmem:s9+$0x5250] =	vst v0  }
0x28: {  	[tilespmem:s9+$0x260] =	vst v0  }
0x29: {  	[tilespmem:s9+$0x5260] =	vst v0  }
0x2a: {  	[tilespmem:s9+$0x270] =	vst v0  }
0x2b: {  	[tilespmem:s9+$0x5270] =	vst v0  }
0x2c: {  	[tilespmem:s9+$0x600] =	vst v0  }
0x2d: {  	[tilespmem:s9+$0x5600] =	vst v0  }
0x2e: {  	[tilespmem:s9+$0x610] =	vst v0  }
0x2f: {  	[tilespmem:s9+$0x5610] =	vst v0  }
0x30: {  	[tilespmem:s9+$0x620] =	vst v0  }
0x31: {  	[tilespmem:s9+$0x5620] =	vst v0  }
0x32: {  	[tilespmem:s9+$0x630] =	vst v0  }
0x33: {  	[tilespmem:s9+$0x5630] =	vst v0  }
0x34: {  	[tilespmem:s9+$0x640] =	vst v0  }
0x35: {  	[tilespmem:s9+$0x5640] =	vst v0  }
0x36: {  	[tilespmem:s9+$0x650] =	vst v0  }
0x37: {  	[tilespmem:s9+$0x5650] =	vst v0  }
0x38: {  	[tilespmem:s9+$0x660] =	vst v0  }
0x39: {  	[tilespmem:s9+$0x5660] =	vst v0  }
0x3a: {  	[tilespmem:s9+$0x670] =	vst v0  }
0x3b: {  	[tilespmem:s9+$0x5670] =	vst v0  }
0x3c: {  	[tilespmem:s9+$0xA00] =	vst v0  }
0x3d: {  	[tilespmem:s9+$0x5A00] =	vst v0  }
0x3e: {  	[tilespmem:s9+$0xA10] =	vst v0  }
0x3f: {  	[tilespmem:s9+$0x5A10] =	vst v0  }
0x40: {  	[tilespmem:s9+$0xA20] =	vst v0  }
0x41: {  	[tilespmem:s9+$0x5A20] =	vst v0  }
0x42: {  	[tilespmem:s9+$0xA30] =	vst v0  }
0x43: {  	[tilespmem:s9+$0x5A30] =	vst v0  }
0x44: {  	[tilespmem:s9+$0xA40] =	vst v0  }
0x45: {  	[tilespmem:s9+$0x5A40] =	vst v0  }
0x46: {  	[tilespmem:s9+$0xA50] =	vst v0  }
0x47: {  	[tilespmem:s9+$0x5A50] =	vst v0  }
0x48: {  	[tilespmem:s9+$0xA60] =	vst v0  }
0x49: {  	[tilespmem:s9+$0x5A60] =	vst v0  }
0x4a: {  	[tilespmem:s9+$0xA70] =	vst v0  }
0x4b: {  	[tilespmem:s9+$0x5A70] =	vst v0  }
0x4c: {  	[tilespmem:s9+$0xE00] =	vst v0  }
0x4d: {  	[tilespmem:s9+$0x5E00] =	vst v0  }
0x4e: {  	[tilespmem:s9+$0xE10] =	vst v0  }
0x4f: {  	[tilespmem:s9+$0x5E10] =	vst v0  }
0x50: {  	[tilespmem:s9+$0xE20] =	vst v0  }
0x51: {  	[tilespmem:s9+$0x5E20] =	vst v0  }
0x52: {  	[tilespmem:s9+$0xE30] =	vst v0  }
0x53: {  	[tilespmem:s9+$0x5E30] =	vst v0  }
0x54: {  	[tilespmem:s9+$0xE40] =	vst v0  }
0x55: {  	[tilespmem:s9+$0x5E40] =	vst v0  }
0x56: {  	[tilespmem:s9+$0xE50] =	vst v0  }
0x57: {  	[tilespmem:s9+$0x5E50] =	vst v0  }
0x58: {  	s11 =	simm.s32 $0x200;
	s10 =	simm.s32 $0x80;
	[tilespmem:s9+$0xE60] =	vst v0  }
0x59: {  	s12 =	sand.u32 $0x7000, s11;
	s11 =	simm.s32 $0x400;
	s13 =	sand.u32 $0x380, s10;
	[tilespmem:s9+$0x5E60] =	vst v0  }
.LBB2_2:
0x5a: {  	p0 =	sne.s32 s11, $0x4E00;
	[tilespmem:s9+$0xE70] =	vst v0;
	s9 =	sor.u32 s13, s12  }
0x5b: {  	[tilespmem:s9+$0x5E70] =	vst v0  }
0x5c: {  	[tilespmem:s9+$0x200] =	vst v0  }
0x5d: {  	[tilespmem:s9+$0x5200] =	vst v0  }
0x5e: {  	[tilespmem:s9+$0x210] =	vst v0  }
0x5f: {  	[tilespmem:s9+$0x5210] =	vst v0  }
0x60: {  	[tilespmem:s9+$0x220] =	vst v0  }
0x61: {  	[tilespmem:s9+$0x5220] =	vst v0  }
0x62: {  	[tilespmem:s9+$0x230] =	vst v0  }
0x63: {  	[tilespmem:s9+$0x5230] =	vst v0  }
0x64: {  	[tilespmem:s9+$0x240] =	vst v0  }
0x65: {  	[tilespmem:s9+$0x5240] =	vst v0  }
0x66: {  	[tilespmem:s9+$0x250] =	vst v0  }
0x67: {  	[tilespmem:s9+$0x5250] =	vst v0  }
0x68: {  	[tilespmem:s9+$0x260] =	vst v0  }
0x69: {  	[tilespmem:s9+$0x5260] =	vst v0  }
0x6a: {  	[tilespmem:s9+$0x270] =	vst v0  }
0x6b: {  	[tilespmem:s9+$0x5270] =	vst v0  }
0x6c: {  	[tilespmem:s9+$0x600] =	vst v0  }
0x6d: {  	[tilespmem:s9+$0x5600] =	vst v0  }
0x6e: {  	[tilespmem:s9+$0x610] =	vst v0  }
0x6f: {  	[tilespmem:s9+$0x5610] =	vst v0  }
0x70: {  	[tilespmem:s9+$0x620] =	vst v0  }
0x71: {  	[tilespmem:s9+$0x5620] =	vst v0  }
0x72: {  	[tilespmem:s9+$0x630] =	vst v0  }
0x73: {  	[tilespmem:s9+$0x5630] =	vst v0  }
0x74: {  	[tilespmem:s9+$0x640] =	vst v0  }
0x75: {  	[tilespmem:s9+$0x5640] =	vst v0  }
0x76: {  	[tilespmem:s9+$0x650] =	vst v0  }
0x77: {  	[tilespmem:s9+$0x5650] =	vst v0  }
0x78: {  	[tilespmem:s9+$0x660] =	vst v0  }
0x79: {  	[tilespmem:s9+$0x5660] =	vst v0  }
0x7a: {  	[tilespmem:s9+$0x670] =	vst v0  }
0x7b: {  	[tilespmem:s9+$0x5670] =	vst v0  }
0x7c: {  	[tilespmem:s9+$0xA00] =	vst v0  }
0x7d: {  	[tilespmem:s9+$0x5A00] =	vst v0  }
0x7e: {  	[tilespmem:s9+$0xA10] =	vst v0  }
0x7f: {  	[tilespmem:s9+$0x5A10] =	vst v0  }
0x80: {  	[tilespmem:s9+$0xA20] =	vst v0  }
0x81: {  	[tilespmem:s9+$0x5A20] =	vst v0  }
0x82: {  	[tilespmem:s9+$0xA30] =	vst v0  }
0x83: {  	[tilespmem:s9+$0x5A30] =	vst v0  }
0x84: {  	[tilespmem:s9+$0xA40] =	vst v0  }
0x85: {  	[tilespmem:s9+$0x5A40] =	vst v0  }
0x86: {  	[tilespmem:s9+$0xA50] =	vst v0  }
0x87: {  	[tilespmem:s9+$0x5A50] =	vst v0  }
0x88: {  	[tilespmem:s9+$0xA60] =	vst v0  }
0x89: {  	[tilespmem:s9+$0x5A60] =	vst v0  }
0x8a: {  	[tilespmem:s9+$0xA70] =	vst v0  }
0x8b: {  	[tilespmem:s9+$0x5A70] =	vst v0  }
0x8c: {  	[tilespmem:s9+$0xE00] =	vst v0  }
0x8d: {  	[tilespmem:s9+$0x5E00] =	vst v0  }
0x8e: {  	[tilespmem:s9+$0xE10] =	vst v0  }
0x8f: {  	[tilespmem:s9+$0x5E10] =	vst v0  }
0x90: {  	[tilespmem:s9+$0xE20] =	vst v0  }
0x91: {  	[tilespmem:s9+$0x5E20] =	vst v0  }
0x92: {  	[tilespmem:s9+$0xE30] =	vst v0  }
0x93: {  	[tilespmem:s9+$0x5E30] =	vst v0  }
0x94: {  	[tilespmem:s9+$0xE40] =	vst v0  }
.Ltmp0:
0x95: {  	[tilespmem:s9+$0x5E40] =	vst v0;
	(pc) =	sbr.rel @p0 .LBB2_2-.Ltmp0, $4  }
0x96: {  	[tilespmem:s9+$0xE50] =	vst v0  }
0x97: {  	[tilespmem:s9+$0x5E50] =	vst v0  }
0x98: {  	s10 =	sadd.s32 $0x80, s10;
	[tilespmem:s9+$0xE60] =	vst v0  }
0x99: {  	s12 =	sand.u32 $0x7000, s11;
	s11 =	sadd.s32 $0x200, s11;
	s13 =	sand.u32 $0x380, s10;
	[tilespmem:s9+$0x5E60] =	vst v0  }
0x9a: {  	s10 =	sor.u32 s13, s12;
	[tilespmem:s9+$0xE70] =	vst v0  }
0x9b: {  	[tilespmem:s10+$0x5E70] =	vst v0  }
0x9c: {  	[tilespmem:s10+$0x200] =	vst v0  }
0x9d: {  	[tilespmem:s10+$0x5200] =	vst v0  }
0x9e: {  	[tilespmem:s10+$0x210] =	vst v0  }
0x9f: {  	[tilespmem:s10+$0x5210] =	vst v0  }
0xa0: {  	[tilespmem:s10+$0x220] =	vst v0  }
0xa1: {  	[tilespmem:s10+$0x5220] =	vst v0  }
0xa2: {  	[tilespmem:s10+$0x230] =	vst v0  }
0xa3: {  	[tilespmem:s10+$0x5230] =	vst v0  }
0xa4: {  	[tilespmem:s10+$0x240] =	vst v0  }
0xa5: {  	[tilespmem:s10+$0x5240] =	vst v0  }
0xa6: {  	[tilespmem:s10+$0x250] =	vst v0  }
0xa7: {  	[tilespmem:s10+$0x5250] =	vst v0  }
0xa8: {  	[tilespmem:s10+$0x260] =	vst v0  }
0xa9: {  	[tilespmem:s10+$0x5260] =	vst v0  }
0xaa: {  	[tilespmem:s10+$0x270] =	vst v0  }
0xab: {  	[tilespmem:s10+$0x5270] =	vst v0  }
0xac: {  	[tilespmem:s10+$0x600] =	vst v0  }
0xad: {  	[tilespmem:s10+$0x5600] =	vst v0  }
0xae: {  	[tilespmem:s10+$0x610] =	vst v0  }
0xaf: {  	[tilespmem:s10+$0x5610] =	vst v0  }
0xb0: {  	[tilespmem:s10+$0x620] =	vst v0  }
0xb1: {  	[tilespmem:s10+$0x5620] =	vst v0  }
0xb2: {  	[tilespmem:s10+$0x630] =	vst v0  }
0xb3: {  	[tilespmem:s10+$0x5630] =	vst v0  }
0xb4: {  	[tilespmem:s10+$0x640] =	vst v0  }
0xb5: {  	[tilespmem:s10+$0x5640] =	vst v0  }
0xb6: {  	[tilespmem:s10+$0x650] =	vst v0  }
0xb7: {  	[tilespmem:s10+$0x5650] =	vst v0  }
0xb8: {  	[tilespmem:s10+$0x660] =	vst v0  }
0xb9: {  	[tilespmem:s10+$0x5660] =	vst v0  }
0xba: {  	[tilespmem:s10+$0x670] =	vst v0  }
0xbb: {  	[tilespmem:s10+$0x5670] =	vst v0  }
0xbc: {  	[tilespmem:s10+$0xA00] =	vst v0  }
0xbd: {  	[tilespmem:s10+$0x5A00] =	vst v0  }
0xbe: {  	[tilespmem:s10+$0xA10] =	vst v0  }
0xbf: {  	[tilespmem:s10+$0x5A10] =	vst v0  }
0xc0: {  	[tilespmem:s10+$0xA20] =	vst v0  }
0xc1: {  	[tilespmem:s10+$0x5A20] =	vst v0  }
0xc2: {  	[tilespmem:s10+$0xA30] =	vst v0  }
0xc3: {  	[tilespmem:s10+$0x5A30] =	vst v0  }
0xc4: {  	[tilespmem:s10+$0xA40] =	vst v0  }
0xc5: {  	[tilespmem:s10+$0x5A40] =	vst v0  }
0xc6: {  	[tilespmem:s10+$0xA50] =	vst v0  }
0xc7: {  	[tilespmem:s10+$0x5A50] =	vst v0  }
0xc8: {  	[tilespmem:s10+$0xA60] =	vst v0  }
0xc9: {  	[tilespmem:s10+$0x5A60] =	vst v0  }
0xca: {  	[tilespmem:s10+$0xA70] =	vst v0  }
0xcb: {  	[tilespmem:s10+$0x5A70] =	vst v0  }
0xcc: {  	[tilespmem:s10+$0xE00] =	vst v0  }
0xcd: {  	[tilespmem:s10+$0x5E00] =	vst v0  }
0xce: {  	[tilespmem:s10+$0xE10] =	vst v0  }
0xcf: {  	[tilespmem:s10+$0x5E10] =	vst v0  }
0xd0: {  	[tilespmem:s10+$0xE20] =	vst v0  }
0xd1: {  	[tilespmem:s10+$0x5E20] =	vst v0  }
0xd2: {  	[tilespmem:s10+$0xE30] =	vst v0  }
0xd3: {  	[tilespmem:s10+$0x5E30] =	vst v0  }
0xd4: {  	[tilespmem:s10+$0xE40] =	vst v0  }
0xd5: {  	[tilespmem:s10+$0x5E40] =	vst v0  }
0xd6: {  	[tilespmem:s10+$0xE50] =	vst v0  }
0xd7: {  	[tilespmem:s10+$0x5E50] =	vst v0  }
0xd8: {  	[tilespmem:s10+$0xE60] =	vst v0  }
0xd9: {  	[tilespmem:s10+$0x5E60] =	vst v0  }
0xda: {  	s9 =	simm.s32 $0x0;
	[tilespmem:s10+$0xE70] =	vst v0  }
0xdb: {  	s11 =	simm.s32 $0x0;
	s10 =	simm.s32 $0x10;
	v3 =	vld [tilespmem:s9+$0x0]  }
.LBB2_4:
0xdc: {  	p0 =	sne.s32 s10, $0x1F0;
	_ =	sdelay $0x1  }
0xdd: {  	v4 =	vmov s9  }
0xde: {  	v5 =	vor.u32 s9, v1;
	s9 =	smov.u32 s10;
	v4 =	vshll.u32 v4, $0x3  }
0xdf: {  	v5 =	vand.u32 $0x7F, v5;
	v4 =	vand.u32 $0xC00, v4;
	v6 =	vshll.u32 v3, $0x9  }
0xe0: {  	v4 =	vor.u32 v4, v5;
	v7 =	vshll.u32 v3, $0x7;
	v6 =	vand.u32 $0xFFFFF000, v6  }
0xe1: {  	vm0 =	vlt.u32 v3, $0x28;
	v3 =	vand.u32 $0x380, v7;
	v4 =	vor.u32 v6, v4  }
0xe2: {  	v3 =	vor.u32 v3, v4;
	_ =	sdelay $0x1  }
.Ltmp1:
0xe3: {  	(pc) =	sbr.rel @p0 .LBB2_4-.Ltmp1, $3  }
0xe4: {  	_ =	sdelay $0x1  }
0xe5: {  	s11 =	sadd.s32 $0x10, s11;
	[tilespmem:v3+s0+$0x0] =	vst.idx.msk vm0, v2  }
0xe6: {  	s10 =	sadd.s32 $0x10, s10;
	v3 =	vld [tilespmem:s11+$0x0]  }
0xe7: {  	_ =	sdelay $0x1  }
0xe8: {  	v4 =	vmov s9  }
0xe9: {  	v5 =	vor.u32 s9, v1;
	v4 =	vshll.u32 v4, $0x3  }
0xea: {  	v5 =	vand.u32 $0x7F, v5;
	v4 =	vand.u32 $0xC00, v4;
	v6 =	vshll.u32 v3, $0x9  }
0xeb: {  	v4 =	vor.u32 v4, v5;
	v7 =	vshll.u32 v3, $0x7;
	v6 =	vand.u32 $0xFFFFF000, v6  }
0xec: {  	vm0 =	vlt.u32 v3, $0x28;
	v3 =	vand.u32 $0x380, v7;
	v4 =	vor.u32 v6, v4  }
0xed: {  	v3 =	vor.u32 v3, v4;
	_ =	sdelay $0x4  }
0xee: {  	s9 =	simm.s32 $0x0;
	[tilespmem:v3+s0+$0x0] =	vst.idx.msk vm0, v2  }
0xef: {  	[hbm4b:s4+s1] =	stream.strided.scatter [tilespmem:s0], [sflag:$0x1], $0x5000, s3, s1, $0x38;
	[tilespmem:$0xA200] =	vst v63  }
0xf0: {  	s10 =	simm.s32 $0x10;
	s11 =	simm.s32 $0x0;
	v3 =	vld [tilespmem:s9+$0x0]  }
.LBB2_6:
0xf1: {  	p0 =	sne.s32 s10, $0x1F0;
	_ =	sdelay $0x2  }
0xf2: {  	v4 =	vmov s9  }
0xf3: {  	v4 =	vshll.u32 v4, $0x3;
	v5 =	vshll.u32 v3, $0x9  }
0xf4: {  	v4 =	vand.u32 $0xC00, v4;
	v6 =	vshll.u32 v3, $0x7;
	v5 =	vand.u32 $0xFFFFF000, v5  }
0xf5: {  	v7 =	vor.u32 s9, v1;
	s9 =	smov.u32 s10;
	v4 =	vor.u32 v4, v5;
	v5 =	vand.u32 $0x380, v6  }
0xf6: {  	v3 =	vadd.s32 $0xFFFFFFD8, v3;
	v6 =	vand.u32 $0x7F, v7;
	v4 =	vor.u32 v5, v4  }
0xf7: {  	vm0 =	vlt.u32 v3, $0x28;
	v3 =	vor.u32 v6, v4  }
0xf8: {  	v3 =	vadd.s32 $0xFFFFB000, v3;
	_ =	sdelay $0x1  }
.Ltmp2:
0xf9: {  	(pc) =	sbr.rel @p0 .LBB2_6-.Ltmp2, $3  }
0xfa: {  	_ =	sdelay $0x1  }
0xfb: {  	s11 =	sadd.s32 $0x10, s11;
	[tilespmem:v3+s5+$0x0] =	vst.idx.msk vm0, v2  }
0xfc: {  	s10 =	sadd.s32 $0x10, s10;
	v3 =	vld [tilespmem:s11+$0x0]  }
0xfd: {  	_ =	sdelay $0x2  }
0xfe: {  	v4 =	vmov s9  }
0xff: {  	v4 =	vshll.u32 v4, $0x3;
	v5 =	vshll.u32 v3, $0x9  }
0x100: {  	v4 =	vand.u32 $0xC00, v4;
	v6 =	vshll.u32 v3, $0x7;
	v5 =	vand.u32 $0xFFFFF000, v5  }
0x101: {  	v7 =	vor.u32 s9, v1;
	v4 =	vor.u32 v4, v5;
	v5 =	vand.u32 $0x380, v6  }
0x102: {  	v61 =	vand.u32 $0x7F, v7;
	v3 =	vadd.s32 $0xFFFFFFD8, v3;
	v4 =	vor.u32 v5, v4  }
0x103: {  	vm0 =	vlt.u32 v3, $0x28;
	v3 =	vor.u32 v61, v4  }
0x104: {  	v3 =	vadd.s32 $0xFFFFB000, v3;
	_ =	sdelay $0x4  }
0x105: {  	s13 =	rddreg [dreg:$0x4];
	[tilespmem:v3+s5+$0x0] =	vst.idx.msk vm0, v2  }
0x106: {  	[hbm4b:s13+s1] =	stream.strided.scatter [tilespmem:s5], [sflag:$0x2], $0x5000, s3, s1, $0x38;
	[tilespmem:$0xA200] =	vst v63  }
0x107: {  	_ =	swait.ge [sflag:s6], $0x5000  }
0x108: {  	[sflag:s6] =	ssyncset.done $0x0  }
0x109: {  	s9 =	simm.s32 $0x0;
	[sflag:s6] =	ssyncadd.s32 $0xFFFFB000  }
0x10a: {  	v3 =	vld [tilespmem:s9+$0x0];
	_ =	sdelay $0x2  }
0x10b: {  	v5 =	vor.u32 s9, v1;
	v4 =	vmov s9  }
0x10c: {  	v5 =	vand.u32 $0x7F, v5;
	v4 =	vshll.u32 v4, $0x3  }
0x10d: {  	v4 =	vand.u32 $0xC00, v4;
	v62 =	vshll.u32 v3, $0x7;
	v63 =	vshll.u32 v3, $0x9  }
0x10e: {  	v8 =	vor.u32 v4, v5;
	v6 =	vand.u32 $0x380, v62;
	v7 =	vand.u32 $0xFFFFF000, v63  }
0x10f: {  	vm1 =	vlt.u32 v3, $0x28;
	v8 =	vor.u32 v6, v8;
	v6 =	vor.u32 v6, v7  }
0x110: {  	v3 =	vadd.s32 $0xFFFFFFB0, v3;
	v8 =	vor.u32 v7, v8;
	v4 =	vor.u32 v4, v6  }
0x111: {  	vm0 =	vlt.u32 v3, $0x28;
	v4 =	vor.u32 v5, v4  }
0x112: {  	v3 =	vadd.s32 $0xFFFF6000, v4;
	_ =	sdelay $0x2  }
0x113: {  	s10 =	simm.s32 $0x10;
	[tilespmem:v8+s0+$0x0] =	vst.idx.msk vm1, v0  }
.LBB2_8:
0x114: {  	p0 =	sne.s32 s10, $0x1F0  }
0x115: {  	[tilespmem:v3+s0+$0x0] =	vst.idx.msk vm0, v2;
	s9 =	sadd.s32 $0x10, s9;
	s11 =	smov.u32 s10;
	s10 =	sadd.s32 $0x10, s10  }
0x116: {  	v3 =	vld [tilespmem:s9+$0x0];
	_ =	sdelay $0x2  }
0x117: {  	v4 =	vmov s11  }
0x118: {  	v5 =	vor.u32 s11, v1;
	v4 =	vshll.u32 v4, $0x3  }
0x119: {  	v5 =	vand.u32 $0x7F, v5;
	v6 =	vshll.u32 v3, $0x9;
	v7 =	vshll.u32 v3, $0x7  }
0x11a: {  	v4 =	vand.u32 $0xC00, v4;
	v6 =	vand.u32 $0xFFFFF000, v6;
	v7 =	vand.u32 $0x380, v7  }
0x11b: {  	v8 =	vor.u32 v4, v5;
	vm1 =	vlt.u32 v3, $0x28;
	v9 =	vor.u32 v7, v6  }
0x11c: {  	v3 =	vadd.s32 $0xFFFFFFB0, v3;
	v7 =	vor.u32 v7, v8;
	v4 =	vor.u32 v4, v9  }
0x11d: {  	vm0 =	vlt.u32 v3, $0x28;
	v6 =	vor.u32 v6, v7;
	v3 =	vor.u32 v5, v4  }
.Ltmp3:
0x11e: {  	v3 =	vadd.s32 $0xFFFF6000, v3;
	(pc) =	sbr.rel @p0 .LBB2_8-.Ltmp3, $2  }
0x11f: {  	_ =	sdelay $0x2  }
0x120: {  	[tilespmem:v6+s0+$0x0] =	vst.idx.msk vm1, v0  }
0x121: {  	_ =	sdelay $0x4  }
0x122: {  	[tilespmem:v3+s0+$0x0] =	vst.idx.msk vm0, v2;
	s9 =	rddreg [dreg:$0x5]  }
0x123: {  	[hbm4b:s9+s1] =	stream.strided.scatter [tilespmem:s0], [sflag:$0x1], $0x5000, s3, s1, $0x38;
	[tilespmem:$0xA200] =	vst v63  }
0x124: {  	_ =	swait.ge [sflag:s7], $0x5000  }
0x125: {  	[sflag:s7] =	ssyncset.done $0x0  }
0x126: {  	s9 =	simm.s32 $0x0;
	[sflag:s7] =	ssyncadd.s32 $0xFFFFB000  }
0x127: {  	v3 =	vld [tilespmem:s9+$0x0]  }
0x128: {  	s10 =	simm.s32 $0x10;
	s11 =	simm.s32 $0x0  }
.LBB2_10:
0x129: {  	p0 =	sne.s32 s10, $0x1F0;
	_ =	sdelay $0x1  }
0x12a: {  	v4 =	vmov s9  }
0x12b: {  	v5 =	vshll.u32 v3, $0x9;
	v6 =	vshll.u32 v3, $0x7;
	v7 =	vadd.s32 $0xFFFFFF88, v3  }
0x12c: {  	v4 =	vshll.u32 v4, $0x3;
	v5 =	vand.u32 $0xFFFFF000, v5;
	v6 =	vand.u32 $0x380, v6  }
0x12d: {  	v8 =	vor.u32 s9, v1;
	s9 =	smov.u32 s10;
	v4 =	vand.u32 $0xC00, v4;
	v5 =	vor.u32 v6, v5  }
0x12e: {  	v3 =	vadd.s32 $0xFFFFFFD8, v3;
	v6 =	vand.u32 $0x7F, v8;
	v4 =	vor.u32 v4, v5  }
0x12f: {  	vm0 =	vlt.u32 v3, $0x28;
	v3 =	vor.u32 v6, v4  }
0x130: {  	vm1 =	vlt.u32 v7, $0x28;
	v4 =	vadd.s32 $0xFFFFB000, v3;
	v3 =	vadd.s32 $0xFFFF1000, v3;
	_ =	sdelay $0x3  }
.Ltmp4:
0x131: {  	(pc) =	sbr.rel @p0 .LBB2_10-.Ltmp4, $4  }
0x132: {  	[tilespmem:v4+s5+$0x0] =	vst.idx.msk vm0, v0  }
0x133: {  	s11 =	sadd.s32 $0x10, s11;
	[tilespmem:v3+s5+$0x0] =	vst.idx.msk vm1, v2  }
0x134: {  	v3 =	vld [tilespmem:s11+$0x0]  }
0x135: {  	s10 =	sadd.s32 $0x10, s10  }
0x136: {  	_ =	sdelay $0x2  }
0x137: {  	v4 =	vmov s9;
	v5 =	vshll.u32 v3, $0x9;
	v6 =	vshll.u32 v3, $0x7  }
0x138: {  	v4 =	vshll.u32 v4, $0x3;
	v5 =	vand.u32 $0xFFFFF000, v5;
	v6 =	vand.u32 $0x380, v6  }
0x139: {  	v7 =	vor.u32 s9, v1;
	v4 =	vand.u32 $0xC00, v4;
	v5 =	vor.u32 v6, v5  }
0x13a: {  	v7 =	vand.u32 $0x7F, v7;
	v63 =	vadd.s32 $0xFFFFFFD8, v3;
	v4 =	vor.u32 v4, v5  }
0x13b: {  	v3 =	vadd.s32 $0xFFFFFF88, v3;
	vm0 =	vlt.u32 v63, $0x28;
	v4 =	vor.u32 v7, v4  }
0x13c: {  	vm1 =	vlt.u32 v3, $0x28;
	v5 =	vadd.s32 $0xFFFFB000, v4  }
0x13d: {  	v3 =	vadd.s32 $0xFFFF1000, v4;
	_ =	sdelay $0x3  }
0x13e: {  	[tilespmem:v5+s5+$0x0] =	vst.idx.msk vm0, v0  }
0x13f: {  	s13 =	rddreg [dreg:$0x6];
	[tilespmem:v3+s5+$0x0] =	vst.idx.msk vm1, v2  }
0x140: {  	[hbm4b:s13+s1] =	stream.strided.scatter [tilespmem:s5], [sflag:$0x2], $0x5000, s3, s1, $0x38;
	[tilespmem:$0xA200] =	vst v63  }
0x141: {  	_ =	swait.ge [sflag:s6], $0x5000  }
0x142: {  	[sflag:s6] =	ssyncset.done $0x0  }
0x143: {  	s9 =	simm.s32 $0x0;
	[sflag:s6] =	ssyncadd.s32 $0xFFFFB000  }
0x144: {  	v3 =	vld [tilespmem:s9+$0x0]  }
0x145: {  	s10 =	simm.s32 $0x10;
	s11 =	simm.s32 $0x0  }
.LBB2_12:
0x146: {  	p0 =	sne.s32 s10, $0x1F0;
	_ =	sdelay $0x1  }
0x147: {  	v4 =	vmov s9  }
0x148: {  	v5 =	vshll.u32 v3, $0x9;
	v6 =	vshll.u32 v3, $0x7;
	v7 =	vadd.s32 $0xFFFFFF60, v3  }
0x149: {  	v4 =	vshll.u32 v4, $0x3;
	v5 =	vand.u32 $0xFFFFF000, v5;
	v6 =	vand.u32 $0x380, v6  }
0x14a: {  	v8 =	vor.u32 s9, v1;
	s9 =	smov.u32 s10;
	v4 =	vand.u32 $0xC00, v4;
	v5 =	vor.u32 v6, v5  }
0x14b: {  	v3 =	vadd.s32 $0xFFFFFFB0, v3;
	v6 =	vand.u32 $0x7F, v8;
	v4 =	vor.u32 v4, v5  }
0x14c: {  	vm0 =	vlt.u32 v3, $0x28;
	v3 =	vor.u32 v6, v4  }
0x14d: {  	vm1 =	vlt.u32 v7, $0x28;
	v4 =	vadd.s32 $0xFFFF6000, v3;
	v3 =	vadd.s32 $0xFFFEC000, v3;
	_ =	sdelay $0x3  }
.Ltmp5:
0x14e: {  	(pc) =	sbr.rel @p0 .LBB2_12-.Ltmp5, $4  }
0x14f: {  	[tilespmem:v4+s0+$0x0] =	vst.idx.msk vm0, v0  }
0x150: {  	s11 =	sadd.s32 $0x10, s11;
	[tilespmem:v3+s0+$0x0] =	vst.idx.msk vm1, v2  }
0x151: {  	v3 =	vld [tilespmem:s11+$0x0]  }
0x152: {  	s10 =	sadd.s32 $0x10, s10  }
0x153: {  	_ =	sdelay $0x2  }
0x154: {  	v4 =	vmov s9;
	v5 =	vshll.u32 v3, $0x9;
	v6 =	vshll.u32 v3, $0x7  }
0x155: {  	v4 =	vshll.u32 v4, $0x3;
	v5 =	vand.u32 $0xFFFFF000, v5;
	v6 =	vand.u32 $0x380, v6  }
0x156: {  	v7 =	vor.u32 s9, v1;
	v4 =	vand.u32 $0xC00, v4;
	v5 =	vor.u32 v6, v5  }
0x157: {  	v7 =	vand.u32 $0x7F, v7;
	v63 =	vadd.s32 $0xFFFFFFB0, v3;
	v4 =	vor.u32 v4, v5  }
0x158: {  	v3 =	vadd.s32 $0xFFFFFF60, v3;
	vm0 =	vlt.u32 v63, $0x28;
	v4 =	vor.u32 v7, v4  }
0x159: {  	vm1 =	vlt.u32 v3, $0x28;
	v5 =	vadd.s32 $0xFFFF6000, v4  }
0x15a: {  	v3 =	vadd.s32 $0xFFFEC000, v4;
	_ =	sdelay $0x3  }
0x15b: {  	[tilespmem:v5+s0+$0x0] =	vst.idx.msk vm0, v0  }
0x15c: {  	s13 =	rddreg [dreg:$0x7];
	[tilespmem:v3+s0+$0x0] =	vst.idx.msk vm1, v2  }
0x15d: {  	[hbm4b:s13+s1] =	stream.strided.scatter [tilespmem:s0], [sflag:$0x1], $0x5000, s3, s1, $0x38;
	[tilespmem:$0xA200] =	vst v63  }
0x15e: {  	_ =	swait.ge [sflag:s7], $0x5000  }
0x15f: {  	[sflag:s7] =	ssyncset.done $0x0  }
0x160: {  	s9 =	simm.s32 $0x0;
	[sflag:s7] =	ssyncadd.s32 $0xFFFFB000  }
0x161: {  	v3 =	vld [tilespmem:s9+$0x0]  }
0x162: {  	s10 =	simm.s32 $0x10;
	s11 =	simm.s32 $0x0  }
.LBB2_14:
0x163: {  	p0 =	sne.s32 s10, $0x1F0;
	_ =	sdelay $0x1  }
0x164: {  	v4 =	vmov s9  }
0x165: {  	v5 =	vshll.u32 v3, $0x9;
	v6 =	vshll.u32 v3, $0x7;
	v7 =	vadd.s32 $0xFFFFFF38, v3  }
0x166: {  	v4 =	vshll.u32 v4, $0x3;
	v5 =	vand.u32 $0xFFFFF000, v5;
	v6 =	vand.u32 $0x380, v6  }
0x167: {  	v8 =	vor.u32 s9, v1;
	s9 =	smov.u32 s10;
	v4 =	vand.u32 $0xC00, v4;
	v5 =	vor.u32 v6, v5  }
0x168: {  	v3 =	vadd.s32 $0xFFFFFF88, v3;
	v6 =	vand.u32 $0x7F, v8;
	v4 =	vor.u32 v4, v5  }
0x169: {  	vm0 =	vlt.u32 v3, $0x28;
	v3 =	vor.u32 v6, v4  }
0x16a: {  	vm1 =	vlt.u32 v7, $0x28;
	v4 =	vadd.s32 $0xFFFF1000, v3;
	v3 =	vadd.s32 $0xFFFE7000, v3;
	_ =	sdelay $0x3  }
.Ltmp6:
0x16b: {  	(pc) =	sbr.rel @p0 .LBB2_14-.Ltmp6, $4  }
0x16c: {  	[tilespmem:v4+s5+$0x0] =	vst.idx.msk vm0, v0  }
0x16d: {  	s11 =	sadd.s32 $0x10, s11;
	[tilespmem:v3+s5+$0x0] =	vst.idx.msk vm1, v2  }
0x16e: {  	v3 =	vld [tilespmem:s11+$0x0]  }
0x16f: {  	s10 =	sadd.s32 $0x10, s10  }
0x170: {  	_ =	sdelay $0x2  }
0x171: {  	v4 =	vmov s9;
	v5 =	vshll.u32 v3, $0x9;
	v6 =	vshll.u32 v3, $0x7  }
0x172: {  	v4 =	vshll.u32 v4, $0x3;
	v5 =	vand.u32 $0xFFFFF000, v5;
	v6 =	vand.u32 $0x380, v6  }
0x173: {  	v7 =	vor.u32 s9, v1;
	v4 =	vand.u32 $0xC00, v4;
	v5 =	vor.u32 v6, v5  }
0x174: {  	v7 =	vand.u32 $0x7F, v7;
	v63 =	vadd.s32 $0xFFFFFF88, v3;
	v4 =	vor.u32 v4, v5  }
0x175: {  	v3 =	vadd.s32 $0xFFFFFF38, v3;
	vm0 =	vlt.u32 v63, $0x28;
	v4 =	vor.u32 v7, v4  }
0x176: {  	vm1 =	vlt.u32 v3, $0x28;
	v5 =	vadd.s32 $0xFFFF1000, v4  }
0x177: {  	v3 =	vadd.s32 $0xFFFE7000, v4;
	_ =	sdelay $0x3  }
0x178: {  	[tilespmem:v5+s5+$0x0] =	vst.idx.msk vm0, v0  }
0x179: {  	s13 =	rddreg [dreg:$0x8];
	[tilespmem:v3+s5+$0x0] =	vst.idx.msk vm1, v2  }
0x17a: {  	[hbm4b:s13+s1] =	stream.strided.scatter [tilespmem:s5], [sflag:$0x2], $0x5000, s3, s1, $0x38;
	[tilespmem:$0xA200] =	vst v63  }
0x17b: {  	_ =	swait.ge [sflag:s6], $0x5000  }
0x17c: {  	[sflag:s6] =	ssyncset.done $0x0  }
0x17d: {  	s9 =	simm.s32 $0x0;
	[sflag:s6] =	ssyncadd.s32 $0xFFFFB000  }
0x17e: {  	v3 =	vld [tilespmem:s9+$0x0]  }
0x17f: {  	s10 =	simm.s32 $0x10;
	s11 =	simm.s32 $0x0  }
.LBB2_16:
0x180: {  	p0 =	sne.s32 s10, $0x1F0;
	_ =	sdelay $0x1  }
0x181: {  	v4 =	vmov s9  }
0x182: {  	v5 =	vshll.u32 v3, $0x9;
	v6 =	vshll.u32 v3, $0x7;
	v7 =	vadd.s32 $0xFFFFFF10, v3  }
0x183: {  	v4 =	vshll.u32 v4, $0x3;
	v5 =	vand.u32 $0xFFFFF000, v5;
	v6 =	vand.u32 $0x380, v6  }
0x184: {  	v8 =	vor.u32 s9, v1;
	s9 =	smov.u32 s10;
	v4 =	vand.u32 $0xC00, v4;
	v5 =	vor.u32 v6, v5  }
0x185: {  	v3 =	vadd.s32 $0xFFFFFF60, v3;
	v6 =	vand.u32 $0x7F, v8;
	v4 =	vor.u32 v4, v5  }
0x186: {  	vm0 =	vlt.u32 v3, $0x28;
	v3 =	vor.u32 v6, v4  }
0x187: {  	vm1 =	vlt.u32 v7, $0x28;
	v4 =	vadd.s32 $0xFFFEC000, v3;
	v3 =	vadd.s32 $0xFFFE2000, v3;
	_ =	sdelay $0x3  }
.Ltmp7:
0x188: {  	(pc) =	sbr.rel @p0 .LBB2_16-.Ltmp7, $4  }
0x189: {  	[tilespmem:v4+s0+$0x0] =	vst.idx.msk vm0, v0  }
0x18a: {  	s11 =	sadd.s32 $0x10, s11;
	[tilespmem:v3+s0+$0x0] =	vst.idx.msk vm1, v2  }
0x18b: {  	v3 =	vld [tilespmem:s11+$0x0]  }
0x18c: {  	s10 =	sadd.s32 $0x10, s10  }
0x18d: {  	_ =	sdelay $0x2  }
0x18e: {  	v4 =	vmov s9;
	v5 =	vshll.u32 v3, $0x9;
	v6 =	vshll.u32 v3, $0x7  }
0x18f: {  	v4 =	vshll.u32 v4, $0x3;
	v5 =	vand.u32 $0xFFFFF000, v5;
	v6 =	vand.u32 $0x380, v6  }
0x190: {  	v7 =	vor.u32 s9, v1;
	v4 =	vand.u32 $0xC00, v4;
	v5 =	vor.u32 v6, v5  }
0x191: {  	v7 =	vand.u32 $0x7F, v7;
	v63 =	vadd.s32 $0xFFFFFF60, v3;
	v4 =	vor.u32 v4, v5  }
0x192: {  	v3 =	vadd.s32 $0xFFFFFF10, v3;
	vm0 =	vlt.u32 v63, $0x28;
	v4 =	vor.u32 v7, v4  }
0x193: {  	vm1 =	vlt.u32 v3, $0x28;
	v5 =	vadd.s32 $0xFFFEC000, v4  }
0x194: {  	v3 =	vadd.s32 $0xFFFE2000, v4;
	_ =	sdelay $0x3  }
0x195: {  	[tilespmem:v5+s0+$0x0] =	vst.idx.msk vm0, v0  }
0x196: {  	s13 =	rddreg [dreg:$0x9];
	[tilespmem:v3+s0+$0x0] =	vst.idx.msk vm1, v2  }
0x197: {  	[hbm4b:s13+s1] =	stream.strided.scatter [tilespmem:s0], [sflag:$0x1], $0x5000, s3, s1, $0x38;
	[tilespmem:$0xA200] =	vst v63  }
0x198: {  	_ =	swait.ge [sflag:s7], $0x5000  }
0x199: {  	[sflag:s7] =	ssyncset.done $0x0  }
0x19a: {  	s9 =	simm.s32 $0x0;
	[sflag:s7] =	ssyncadd.s32 $0xFFFFB000  }
0x19b: {  	v3 =	vld [tilespmem:s9+$0x0]  }
0x19c: {  	s10 =	simm.s32 $0x10;
	s11 =	simm.s32 $0x0  }
.LBB2_18:
0x19d: {  	p0 =	sne.s32 s10, $0x1F0;
	_ =	sdelay $0x1  }
0x19e: {  	v4 =	vmov s9  }
0x19f: {  	v5 =	vshll.u32 v3, $0x9;
	v6 =	vshll.u32 v3, $0x7;
	v7 =	vadd.s32 $0xFFFFFEE8, v3  }
0x1a0: {  	v4 =	vshll.u32 v4, $0x3;
	v5 =	vand.u32 $0xFFFFF000, v5;
	v6 =	vand.u32 $0x380, v6  }
0x1a1: {  	v8 =	vor.u32 s9, v1;
	s9 =	smov.u32 s10;
	v4 =	vand.u32 $0xC00, v4;
	v5 =	vor.u32 v6, v5  }
0x1a2: {  	v3 =	vadd.s32 $0xFFFFFF38, v3;
	v6 =	vand.u32 $0x7F, v8;
	v4 =	vor.u32 v4, v5  }
0x1a3: {  	vm0 =	vlt.u32 v3, $0x28;
	v3 =	vor.u32 v6, v4  }
0x1a4: {  	vm1 =	vlt.u32 v7, $0x28;
	v4 =	vadd.s32 $0xFFFE7000, v3;
	v3 =	vadd.s32 $0xFFFDD000, v3;
	_ =	sdelay $0x3  }
.Ltmp8:
0x1a5: {  	(pc) =	sbr.rel @p0 .LBB2_18-.Ltmp8, $4  }
0x1a6: {  	[tilespmem:v4+s5+$0x0] =	vst.idx.msk vm0, v0  }
0x1a7: {  	s11 =	sadd.s32 $0x10, s11;
	[tilespmem:v3+s5+$0x0] =	vst.idx.msk vm1, v2  }
0x1a8: {  	v3 =	vld [tilespmem:s11+$0x0]  }
0x1a9: {  	s10 =	sadd.s32 $0x10, s10  }
0x1aa: {  	_ =	sdelay $0x2  }
0x1ab: {  	v4 =	vmov s9;
	v5 =	vshll.u32 v3, $0x9;
	v6 =	vshll.u32 v3, $0x7  }
0x1ac: {  	v4 =	vshll.u32 v4, $0x3;
	v5 =	vand.u32 $0xFFFFF000, v5;
	v6 =	vand.u32 $0x380, v6  }
0x1ad: {  	v7 =	vor.u32 s9, v1;
	v4 =	vand.u32 $0xC00, v4;
	v5 =	vor.u32 v6, v5  }
0x1ae: {  	v7 =	vand.u32 $0x7F, v7;
	v63 =	vadd.s32 $0xFFFFFF38, v3;
	v4 =	vor.u32 v4, v5  }
0x1af: {  	v3 =	vadd.s32 $0xFFFFFEE8, v3;
	vm0 =	vlt.u32 v63, $0x28;
	v4 =	vor.u32 v7, v4  }
0x1b0: {  	vm1 =	vlt.u32 v3, $0x28;
	v5 =	vadd.s32 $0xFFFE7000, v4  }
0x1b1: {  	v3 =	vadd.s32 $0xFFFDD000, v4;
	_ =	sdelay $0x3  }
0x1b2: {  	[tilespmem:v5+s5+$0x0] =	vst.idx.msk vm0, v0  }
0x1b3: {  	s13 =	rddreg [dreg:$0xa];
	[tilespmem:v3+s5+$0x0] =	vst.idx.msk vm1, v2  }
0x1b4: {  	[hbm4b:s13+s1] =	stream.strided.scatter [tilespmem:s5], [sflag:$0x2], $0x5000, s3, s1, $0x38;
	[tilespmem:$0xA200] =	vst v63  }
0x1b5: {  	_ =	swait.ge [sflag:s6], $0x5000  }
0x1b6: {  	[sflag:s6] =	ssyncset.done $0x0  }
0x1b7: {  	s9 =	simm.s32 $0x0;
	[sflag:s6] =	ssyncadd.s32 $0xFFFFB000  }
0x1b8: {  	v3 =	vld [tilespmem:s9+$0x0]  }
0x1b9: {  	s10 =	simm.s32 $0x10;
	s11 =	simm.s32 $0x0  }
.LBB2_20:
0x1ba: {  	p0 =	sne.s32 s10, $0x1F0;
	_ =	sdelay $0x1  }
0x1bb: {  	v4 =	vmov s9  }
0x1bc: {  	v5 =	vshll.u32 v3, $0x9;
	v6 =	vshll.u32 v3, $0x7;
	v7 =	vadd.s32 $0xFFFFFEC0, v3  }
0x1bd: {  	v4 =	vshll.u32 v4, $0x3;
	v5 =	vand.u32 $0xFFFFF000, v5;
	v6 =	vand.u32 $0x380, v6  }
0x1be: {  	v8 =	vor.u32 s9, v1;
	s9 =	smov.u32 s10;
	v4 =	vand.u32 $0xC00, v4;
	v5 =	vor.u32 v6, v5  }
0x1bf: {  	v3 =	vadd.s32 $0xFFFFFF10, v3;
	v6 =	vand.u32 $0x7F, v8;
	v4 =	vor.u32 v4, v5  }
0x1c0: {  	vm0 =	vlt.u32 v3, $0x28;
	v3 =	vor.u32 v6, v4  }
0x1c1: {  	vm1 =	vlt.u32 v7, $0x28;
	v4 =	vadd.s32 $0xFFFE2000, v3;
	v3 =	vadd.s32 $0xFFFD8000, v3;
	_ =	sdelay $0x3  }
.Ltmp9:
0x1c2: {  	(pc) =	sbr.rel @p0 .LBB2_20-.Ltmp9, $4  }
0x1c3: {  	[tilespmem:v4+s0+$0x0] =	vst.idx.msk vm0, v0  }
0x1c4: {  	s11 =	sadd.s32 $0x10, s11;
	[tilespmem:v3+s0+$0x0] =	vst.idx.msk vm1, v2  }
0x1c5: {  	v3 =	vld [tilespmem:s11+$0x0]  }
0x1c6: {  	s10 =	sadd.s32 $0x10, s10  }
0x1c7: {  	_ =	sdelay $0x2  }
0x1c8: {  	v4 =	vmov s9;
	v5 =	vshll.u32 v3, $0x9;
	v6 =	vshll.u32 v3, $0x7  }
0x1c9: {  	v4 =	vshll.u32 v4, $0x3;
	v5 =	vand.u32 $0xFFFFF000, v5;
	v6 =	vand.u32 $0x380, v6  }
0x1ca: {  	v7 =	vor.u32 s9, v1;
	v4 =	vand.u32 $0xC00, v4;
	v5 =	vor.u32 v6, v5  }
0x1cb: {  	v7 =	vand.u32 $0x7F, v7;
	v63 =	vadd.s32 $0xFFFFFF10, v3;
	v4 =	vor.u32 v4, v5  }
0x1cc: {  	v3 =	vadd.s32 $0xFFFFFEC0, v3;
	vm0 =	vlt.u32 v63, $0x28;
	v4 =	vor.u32 v7, v4  }
0x1cd: {  	vm1 =	vlt.u32 v3, $0x28;
	v5 =	vadd.s32 $0xFFFE2000, v4  }
0x1ce: {  	v3 =	vadd.s32 $0xFFFD8000, v4;
	_ =	sdelay $0x3  }
0x1cf: {  	[tilespmem:v5+s0+$0x0] =	vst.idx.msk vm0, v0  }
0x1d0: {  	s13 =	rddreg [dreg:$0xb];
	[tilespmem:v3+s0+$0x0] =	vst.idx.msk vm1, v2  }
0x1d1: {  	[hbm4b:s13+s1] =	stream.strided.scatter [tilespmem:s0], [sflag:$0x1], $0x5000, s3, s1, $0x38;
	[tilespmem:$0xA200] =	vst v63  }
0x1d2: {  	_ =	swait.ge [sflag:s7], $0x5000  }
0x1d3: {  	[sflag:s7] =	ssyncset.done $0x0  }
0x1d4: {  	s9 =	simm.s32 $0x0;
	[sflag:s7] =	ssyncadd.s32 $0xFFFFB000  }
0x1d5: {  	v3 =	vld [tilespmem:s9+$0x0]  }
0x1d6: {  	s10 =	simm.s32 $0x10;
	s11 =	simm.s32 $0x0  }
.LBB2_22:
0x1d7: {  	p0 =	sne.s32 s10, $0x1F0;
	_ =	sdelay $0x1  }
0x1d8: {  	v4 =	vmov s9  }
0x1d9: {  	v5 =	vshll.u32 v3, $0x9;
	v6 =	vshll.u32 v3, $0x7;
	v7 =	vadd.s32 $0xFFFFFE98, v3  }
0x1da: {  	v4 =	vshll.u32 v4, $0x3;
	v5 =	vand.u32 $0xFFFFF000, v5;
	v6 =	vand.u32 $0x380, v6  }
0x1db: {  	v8 =	vor.u32 s9, v1;
	s9 =	smov.u32 s10;
	v4 =	vand.u32 $0xC00, v4;
	v5 =	vor.u32 v6, v5  }
0x1dc: {  	v3 =	vadd.s32 $0xFFFFFEE8, v3;
	v6 =	vand.u32 $0x7F, v8;
	v4 =	vor.u32 v4, v5  }
0x1dd: {  	vm0 =	vlt.u32 v3, $0x28;
	v3 =	vor.u32 v6, v4  }
0x1de: {  	vm1 =	vlt.u32 v7, $0x28;
	v4 =	vadd.s32 $0xFFFDD000, v3;
	v3 =	vadd.s32 $0xFFFD3000, v3;
	_ =	sdelay $0x3  }
.Ltmp10:
0x1df: {  	(pc) =	sbr.rel @p0 .LBB2_22-.Ltmp10, $4  }
0x1e0: {  	[tilespmem:v4+s5+$0x0] =	vst.idx.msk vm0, v0  }
0x1e1: {  	s11 =	sadd.s32 $0x10, s11;
	[tilespmem:v3+s5+$0x0] =	vst.idx.msk vm1, v2  }
0x1e2: {  	v3 =	vld [tilespmem:s11+$0x0]  }
0x1e3: {  	s10 =	sadd.s32 $0x10, s10  }
0x1e4: {  	_ =	sdelay $0x2  }
0x1e5: {  	v4 =	vmov s9;
	v5 =	vshll.u32 v3, $0x9;
	v6 =	vshll.u32 v3, $0x7  }
0x1e6: {  	v4 =	vshll.u32 v4, $0x3;
	v5 =	vand.u32 $0xFFFFF000, v5;
	v6 =	vand.u32 $0x380, v6  }
0x1e7: {  	v7 =	vor.u32 s9, v1;
	v4 =	vand.u32 $0xC00, v4;
	v5 =	vor.u32 v6, v5  }
0x1e8: {  	v7 =	vand.u32 $0x7F, v7;
	v63 =	vadd.s32 $0xFFFFFEE8, v3;
	v4 =	vor.u32 v4, v5  }
0x1e9: {  	v3 =	vadd.s32 $0xFFFFFE98, v3;
	vm0 =	vlt.u32 v63, $0x28;
	v4 =	vor.u32 v7, v4  }
0x1ea: {  	vm1 =	vlt.u32 v3, $0x28;
	v5 =	vadd.s32 $0xFFFDD000, v4  }
0x1eb: {  	v3 =	vadd.s32 $0xFFFD3000, v4;
	_ =	sdelay $0x3  }
0x1ec: {  	[tilespmem:v5+s5+$0x0] =	vst.idx.msk vm0, v0  }
0x1ed: {  	s13 =	rddreg [dreg:$0xc];
	[tilespmem:v3+s5+$0x0] =	vst.idx.msk vm1, v2  }
0x1ee: {  	[hbm4b:s13+s1] =	stream.strided.scatter [tilespmem:s5], [sflag:$0x2], $0x5000, s3, s1, $0x38;
	[tilespmem:$0xA200] =	vst v63  }
0x1ef: {  	_ =	swait.ge [sflag:s6], $0x5000  }
0x1f0: {  	[sflag:s6] =	ssyncset.done $0x0  }
0x1f1: {  	s9 =	simm.s32 $0x0;
	[sflag:s6] =	ssyncadd.s32 $0xFFFFB000  }
0x1f2: {  	v3 =	vld [tilespmem:s9+$0x0]  }
0x1f3: {  	s10 =	simm.s32 $0x10;
	s11 =	simm.s32 $0x0  }
.LBB2_24:
0x1f4: {  	p0 =	sne.s32 s10, $0x1F0;
	_ =	sdelay $0x1  }
0x1f5: {  	v4 =	vmov s9  }
0x1f6: {  	v5 =	vshll.u32 v3, $0x9;
	v6 =	vshll.u32 v3, $0x7;
	v7 =	vadd.s32 $0xFFFFFE70, v3  }
0x1f7: {  	v4 =	vshll.u32 v4, $0x3;
	v5 =	vand.u32 $0xFFFFF000, v5;
	v6 =	vand.u32 $0x380, v6  }
0x1f8: {  	v8 =	vor.u32 s9, v1;
	s9 =	smov.u32 s10;
	v4 =	vand.u32 $0xC00, v4;
	v5 =	vor.u32 v6, v5  }
0x1f9: {  	v3 =	vadd.s32 $0xFFFFFEC0, v3;
	v6 =	vand.u32 $0x7F, v8;
	v4 =	vor.u32 v4, v5  }
0x1fa: {  	vm0 =	vlt.u32 v3, $0x28;
	v3 =	vor.u32 v6, v4  }
0x1fb: {  	vm1 =	vlt.u32 v7, $0x28;
	v4 =	vadd.s32 $0xFFFD8000, v3;
	v3 =	vadd.s32 $0xFFFCE000, v3;
	_ =	sdelay $0x3  }
.Ltmp11:
0x1fc: {  	(pc) =	sbr.rel @p0 .LBB2_24-.Ltmp11, $4  }
0x1fd: {  	[tilespmem:v4+s0+$0x0] =	vst.idx.msk vm0, v0  }
0x1fe: {  	s11 =	sadd.s32 $0x10, s11;
	[tilespmem:v3+s0+$0x0] =	vst.idx.msk vm1, v2  }
0x1ff: {  	v3 =	vld [tilespmem:s11+$0x0]  }
0x200: {  	s10 =	sadd.s32 $0x10, s10  }
0x201: {  	_ =	sdelay $0x2  }
0x202: {  	v4 =	vmov s9;
	v5 =	vshll.u32 v3, $0x9;
	v6 =	vshll.u32 v3, $0x7  }
0x203: {  	v4 =	vshll.u32 v4, $0x3;
	v5 =	vand.u32 $0xFFFFF000, v5;
	v6 =	vand.u32 $0x380, v6  }
0x204: {  	v7 =	vor.u32 s9, v1;
	v4 =	vand.u32 $0xC00, v4;
	v5 =	vor.u32 v6, v5  }
0x205: {  	v7 =	vand.u32 $0x7F, v7;
	v63 =	vadd.s32 $0xFFFFFEC0, v3;
	v4 =	vor.u32 v4, v5  }
0x206: {  	v3 =	vadd.s32 $0xFFFFFE70, v3;
	vm0 =	vlt.u32 v63, $0x28;
	v4 =	vor.u32 v7, v4  }
0x207: {  	vm1 =	vlt.u32 v3, $0x28;
	v5 =	vadd.s32 $0xFFFD8000, v4  }
0x208: {  	v3 =	vadd.s32 $0xFFFCE000, v4;
	_ =	sdelay $0x3  }
0x209: {  	[tilespmem:v5+s0+$0x0] =	vst.idx.msk vm0, v0  }
0x20a: {  	[tilespmem:v3+s0+$0x0] =	vst.idx.msk vm1, v2  }
0x20b: {  	[hbm4b:s14+s1] =	stream.strided.scatter [tilespmem:s0], [sflag:$0x1], $0x5000, s3, s1, $0x38;
	[tilespmem:$0xA200] =	vst v63  }
0x20c: {  	_ =	swait.ge [sflag:s7], $0x5000  }
0x20d: {  	[sflag:s7] =	ssyncset.done $0x0  }
0x20e: {  	s9 =	simm.s32 $0x0;
	[sflag:s7] =	ssyncadd.s32 $0xFFFFB000  }
0x20f: {  	v3 =	vld [tilespmem:s9+$0x0]  }
0x210: {  	s10 =	simm.s32 $0x10;
	s11 =	simm.s32 $0x0  }
.LBB2_26:
0x211: {  	p0 =	sne.s32 s10, $0x1F0;
	_ =	sdelay $0x1  }
0x212: {  	v4 =	vmov s9  }
0x213: {  	v5 =	vshll.u32 v3, $0x9;
	v6 =	vshll.u32 v3, $0x7;
	v7 =	vadd.s32 $0xFFFFFE48, v3  }
0x214: {  	v4 =	vshll.u32 v4, $0x3;
	v5 =	vand.u32 $0xFFFFF000, v5;
	v6 =	vand.u32 $0x380, v6  }
0x215: {  	v8 =	vor.u32 s9, v1;
	s9 =	smov.u32 s10;
	v4 =	vand.u32 $0xC00, v4;
	v5 =	vor.u32 v6, v5  }
0x216: {  	v3 =	vadd.s32 $0xFFFFFE98, v3;
	v6 =	vand.u32 $0x7F, v8;
	v4 =	vor.u32 v4, v5  }
0x217: {  	vm0 =	vlt.u32 v3, $0x28;
	v3 =	vor.u32 v6, v4  }
0x218: {  	vm1 =	vlt.u32 v7, $0x28;
	v4 =	vadd.s32 $0xFFFD3000, v3;
	v3 =	vadd.s32 $0xFFFC9000, v3;
	_ =	sdelay $0x3  }
.Ltmp12:
0x219: {  	(pc) =	sbr.rel @p0 .LBB2_26-.Ltmp12, $4  }
0x21a: {  	[tilespmem:v4+s5+$0x0] =	vst.idx.msk vm0, v0  }
0x21b: {  	s11 =	sadd.s32 $0x10, s11;
	[tilespmem:v3+s5+$0x0] =	vst.idx.msk vm1, v2  }
0x21c: {  	v3 =	vld [tilespmem:s11+$0x0]  }
0x21d: {  	s10 =	sadd.s32 $0x10, s10  }
0x21e: {  	_ =	sdelay $0x2  }
0x21f: {  	v4 =	vmov s9;
	v5 =	vshll.u32 v3, $0x9;
	v6 =	vshll.u32 v3, $0x7  }
0x220: {  	v4 =	vshll.u32 v4, $0x3;
	v5 =	vand.u32 $0xFFFFF000, v5;
	v6 =	vand.u32 $0x380, v6  }
0x221: {  	v7 =	vor.u32 s9, v1;
	v4 =	vand.u32 $0xC00, v4;
	v5 =	vor.u32 v6, v5  }
0x222: {  	v7 =	vand.u32 $0x7F, v7;
	v63 =	vadd.s32 $0xFFFFFE98, v3;
	v4 =	vor.u32 v4, v5  }
0x223: {  	v3 =	vadd.s32 $0xFFFFFE48, v3;
	vm0 =	vlt.u32 v63, $0x28;
	v4 =	vor.u32 v7, v4  }
0x224: {  	vm1 =	vlt.u32 v3, $0x28;
	v5 =	vadd.s32 $0xFFFD3000, v4  }
0x225: {  	v3 =	vadd.s32 $0xFFFC9000, v4;
	_ =	sdelay $0x3  }
0x226: {  	[tilespmem:v5+s5+$0x0] =	vst.idx.msk vm0, v0  }
0x227: {  	[tilespmem:v3+s5+$0x0] =	vst.idx.msk vm1, v2  }
0x228: {  	[hbm4b:s15+s1] =	stream.strided.scatter [tilespmem:s5], [sflag:$0x2], $0x5000, s3, s1, $0x38;
	[tilespmem:$0xA200] =	vst v63  }
0x229: {  	_ =	swait.ge [sflag:s6], $0x5000  }
0x22a: {  	[sflag:s6] =	ssyncset.done $0x0  }
0x22b: {  	s9 =	simm.s32 $0x0;
	[sflag:s6] =	ssyncadd.s32 $0xFFFFB000  }
0x22c: {  	v3 =	vld [tilespmem:s9+$0x0]  }
0x22d: {  	s10 =	simm.s32 $0x10;
	s11 =	simm.s32 $0x0  }
.LBB2_28:
0x22e: {  	p0 =	sne.s32 s10, $0x1F0;
	_ =	sdelay $0x1  }
0x22f: {  	v4 =	vmov s9  }
0x230: {  	v5 =	vshll.u32 v3, $0x9;
	v6 =	vshll.u32 v3, $0x7;
	v7 =	vadd.s32 $0xFFFFFE20, v3  }
0x231: {  	v4 =	vshll.u32 v4, $0x3;
	v5 =	vand.u32 $0xFFFFF000, v5;
	v6 =	vand.u32 $0x380, v6  }
0x232: {  	v8 =	vor.u32 s9, v1;
	s9 =	smov.u32 s10;
	v4 =	vand.u32 $0xC00, v4;
	v5 =	vor.u32 v6, v5  }
0x233: {  	v3 =	vadd.s32 $0xFFFFFE70, v3;
	v6 =	vand.u32 $0x7F, v8;
	v4 =	vor.u32 v4, v5  }
0x234: {  	vm0 =	vlt.u32 v3, $0x28;
	v3 =	vor.u32 v6, v4  }
0x235: {  	vm1 =	vlt.u32 v7, $0x28;
	v4 =	vadd.s32 $0xFFFCE000, v3;
	v3 =	vadd.s32 $0xFFFC4000, v3;
	_ =	sdelay $0x3  }
.Ltmp13:
0x236: {  	(pc) =	sbr.rel @p0 .LBB2_28-.Ltmp13, $4  }
0x237: {  	[tilespmem:v4+s0+$0x0] =	vst.idx.msk vm0, v0  }
0x238: {  	s11 =	sadd.s32 $0x10, s11;
	[tilespmem:v3+s0+$0x0] =	vst.idx.msk vm1, v2  }
0x239: {  	v3 =	vld [tilespmem:s11+$0x0]  }
0x23a: {  	s10 =	sadd.s32 $0x10, s10  }
0x23b: {  	_ =	sdelay $0x2  }
0x23c: {  	v4 =	vmov s9;
	v5 =	vshll.u32 v3, $0x9;
	v6 =	vshll.u32 v3, $0x7  }
0x23d: {  	v4 =	vshll.u32 v4, $0x3;
	v5 =	vand.u32 $0xFFFFF000, v5;
	v6 =	vand.u32 $0x380, v6  }
0x23e: {  	v7 =	vor.u32 s9, v1;
	v4 =	vand.u32 $0xC00, v4;
	v5 =	vor.u32 v6, v5  }
0x23f: {  	v7 =	vand.u32 $0x7F, v7;
	v63 =	vadd.s32 $0xFFFFFE70, v3;
	v4 =	vor.u32 v4, v5  }
0x240: {  	v3 =	vadd.s32 $0xFFFFFE20, v3;
	vm0 =	vlt.u32 v63, $0x28;
	v4 =	vor.u32 v7, v4  }
0x241: {  	vm1 =	vlt.u32 v3, $0x28;
	v5 =	vadd.s32 $0xFFFCE000, v4  }
0x242: {  	v3 =	vadd.s32 $0xFFFC4000, v4;
	_ =	sdelay $0x3  }
0x243: {  	[tilespmem:v5+s0+$0x0] =	vst.idx.msk vm0, v0  }
0x244: {  	[tilespmem:v3+s0+$0x0] =	vst.idx.msk vm1, v2  }
0x245: {  	[hbm4b:s16+s1] =	stream.strided.scatter [tilespmem:s0], [sflag:$0x1], $0x5000, s3, s1, $0x38;
	[tilespmem:$0xA200] =	vst v63  }
0x246: {  	_ =	swait.ge [sflag:s7], $0x5000  }
0x247: {  	[sflag:s7] =	ssyncset.done $0x0  }
0x248: {  	s9 =	simm.s32 $0x0;
	[sflag:s7] =	ssyncadd.s32 $0xFFFFB000  }
0x249: {  	v3 =	vld [tilespmem:s9+$0x0]  }
0x24a: {  	s10 =	simm.s32 $0x10;
	s11 =	simm.s32 $0x0  }
.LBB2_30:
0x24b: {  	p0 =	sne.s32 s10, $0x1F0;
	_ =	sdelay $0x1  }
0x24c: {  	v4 =	vmov s9  }
0x24d: {  	v5 =	vshll.u32 v3, $0x9;
	v6 =	vshll.u32 v3, $0x7;
	v7 =	vadd.s32 $0xFFFFFDF8, v3  }
0x24e: {  	v4 =	vshll.u32 v4, $0x3;
	v5 =	vand.u32 $0xFFFFF000, v5;
	v6 =	vand.u32 $0x380, v6  }
0x24f: {  	v8 =	vor.u32 s9, v1;
	s9 =	smov.u32 s10;
	v4 =	vand.u32 $0xC00, v4;
	v5 =	vor.u32 v6, v5  }
0x250: {  	v3 =	vadd.s32 $0xFFFFFE48, v3;
	v6 =	vand.u32 $0x7F, v8;
	v4 =	vor.u32 v4, v5  }
0x251: {  	vm0 =	vlt.u32 v3, $0x28;
	v3 =	vor.u32 v6, v4  }
0x252: {  	vm1 =	vlt.u32 v7, $0x28;
	v4 =	vadd.s32 $0xFFFC9000, v3;
	v3 =	vadd.s32 $0xFFFBF000, v3;
	_ =	sdelay $0x3  }
.Ltmp14:
0x253: {  	(pc) =	sbr.rel @p0 .LBB2_30-.Ltmp14, $4  }
0x254: {  	[tilespmem:v4+s5+$0x0] =	vst.idx.msk vm0, v0  }
0x255: {  	s11 =	sadd.s32 $0x10, s11;
	[tilespmem:v3+s5+$0x0] =	vst.idx.msk vm1, v2  }
0x256: {  	v3 =	vld [tilespmem:s11+$0x0]  }
0x257: {  	s10 =	sadd.s32 $0x10, s10  }
0x258: {  	_ =	sdelay $0x2  }
0x259: {  	v4 =	vmov s9;
	v5 =	vshll.u32 v3, $0x9;
	v6 =	vshll.u32 v3, $0x7  }
0x25a: {  	v4 =	vshll.u32 v4, $0x3;
	v5 =	vand.u32 $0xFFFFF000, v5;
	v6 =	vand.u32 $0x380, v6  }
0x25b: {  	v7 =	vor.u32 s9, v1;
	v4 =	vand.u32 $0xC00, v4;
	v5 =	vor.u32 v6, v5  }
0x25c: {  	v7 =	vand.u32 $0x7F, v7;
	v63 =	vadd.s32 $0xFFFFFE48, v3;
	v4 =	vor.u32 v4, v5  }
0x25d: {  	v3 =	vadd.s32 $0xFFFFFDF8, v3;
	vm0 =	vlt.u32 v63, $0x28;
	v4 =	vor.u32 v7, v4  }
0x25e: {  	vm1 =	vlt.u32 v3, $0x28;
	v5 =	vadd.s32 $0xFFFC9000, v4  }
0x25f: {  	v3 =	vadd.s32 $0xFFFBF000, v4;
	_ =	sdelay $0x3  }
0x260: {  	[tilespmem:v5+s5+$0x0] =	vst.idx.msk vm0, v0  }
0x261: {  	[tilespmem:v3+s5+$0x0] =	vst.idx.msk vm1, v2  }
0x262: {  	[hbm4b:s17+s1] =	stream.strided.scatter [tilespmem:s5], [sflag:$0x2], $0x5000, s3, s1, $0x38;
	[tilespmem:$0xA200] =	vst v63  }
0x263: {  	_ =	swait.ge [sflag:s6], $0x5000  }
0x264: {  	[sflag:s6] =	ssyncset.done $0x0  }
0x265: {  	s9 =	simm.s32 $0x0;
	[sflag:s6] =	ssyncadd.s32 $0xFFFFB000  }
0x266: {  	v3 =	vld [tilespmem:s9+$0x0]  }
0x267: {  	s10 =	simm.s32 $0x10;
	s11 =	simm.s32 $0x0  }
.LBB2_32:
0x268: {  	p0 =	sne.s32 s10, $0x1F0;
	_ =	sdelay $0x1  }
0x269: {  	v4 =	vmov s9  }
0x26a: {  	v5 =	vshll.u32 v3, $0x9;
	v6 =	vshll.u32 v3, $0x7;
	v7 =	vadd.s32 $0xFFFFFDD0, v3  }
0x26b: {  	v4 =	vshll.u32 v4, $0x3;
	v5 =	vand.u32 $0xFFFFF000, v5;
	v6 =	vand.u32 $0x380, v6  }
0x26c: {  	v8 =	vor.u32 s9, v1;
	s9 =	smov.u32 s10;
	v4 =	vand.u32 $0xC00, v4;
	v5 =	vor.u32 v6, v5  }
0x26d: {  	v3 =	vadd.s32 $0xFFFFFE20, v3;
	v6 =	vand.u32 $0x7F, v8;
	v4 =	vor.u32 v4, v5  }
0x26e: {  	vm0 =	vlt.u32 v3, $0x28;
	v3 =	vor.u32 v6, v4  }
0x26f: {  	vm1 =	vlt.u32 v7, $0x28;
	v4 =	vadd.s32 $0xFFFC4000, v3;
	v3 =	vadd.s32 $0xFFFBA000, v3;
	_ =	sdelay $0x3  }
.Ltmp15:
0x270: {  	(pc) =	sbr.rel @p0 .LBB2_32-.Ltmp15, $4  }
0x271: {  	[tilespmem:v4+s0+$0x0] =	vst.idx.msk vm0, v0  }
0x272: {  	s11 =	sadd.s32 $0x10, s11;
	[tilespmem:v3+s0+$0x0] =	vst.idx.msk vm1, v2  }
0x273: {  	v3 =	vld [tilespmem:s11+$0x0]  }
0x274: {  	s10 =	sadd.s32 $0x10, s10  }
0x275: {  	_ =	sdelay $0x2  }
0x276: {  	v4 =	vmov s9;
	v5 =	vshll.u32 v3, $0x9;
	v6 =	vshll.u32 v3, $0x7  }
0x277: {  	v4 =	vshll.u32 v4, $0x3;
	v5 =	vand.u32 $0xFFFFF000, v5;
	v6 =	vand.u32 $0x380, v6  }
0x278: {  	v7 =	vor.u32 s9, v1;
	v4 =	vand.u32 $0xC00, v4;
	v5 =	vor.u32 v6, v5  }
0x279: {  	v7 =	vand.u32 $0x7F, v7;
	v63 =	vadd.s32 $0xFFFFFE20, v3;
	v4 =	vor.u32 v4, v5  }
0x27a: {  	v3 =	vadd.s32 $0xFFFFFDD0, v3;
	vm0 =	vlt.u32 v63, $0x28;
	v4 =	vor.u32 v7, v4  }
0x27b: {  	vm1 =	vlt.u32 v3, $0x28;
	v5 =	vadd.s32 $0xFFFC4000, v4  }
0x27c: {  	v3 =	vadd.s32 $0xFFFBA000, v4;
	_ =	sdelay $0x3  }
0x27d: {  	[tilespmem:v5+s0+$0x0] =	vst.idx.msk vm0, v0  }
0x27e: {  	[tilespmem:v3+s0+$0x0] =	vst.idx.msk vm1, v2  }
0x27f: {  	[hbm4b:s18+s1] =	stream.strided.scatter [tilespmem:s0], [sflag:$0x1], $0x5000, s3, s1, $0x38;
	[tilespmem:$0xA200] =	vst v63  }
0x280: {  	_ =	swait.ge [sflag:s7], $0x5000  }
0x281: {  	[sflag:s7] =	ssyncset.done $0x0  }
0x282: {  	s9 =	simm.s32 $0x0;
	[sflag:s7] =	ssyncadd.s32 $0xFFFFB000  }
0x283: {  	v3 =	vld [tilespmem:s9+$0x0]  }
0x284: {  	s10 =	simm.s32 $0x10;
	s11 =	simm.s32 $0x0  }
.LBB2_34:
0x285: {  	p0 =	sne.s32 s10, $0x1F0;
	_ =	sdelay $0x1  }
0x286: {  	v4 =	vmov s9  }
0x287: {  	v5 =	vshll.u32 v3, $0x9;
	v6 =	vshll.u32 v3, $0x7;
	v7 =	vadd.s32 $0xFFFFFDA8, v3  }
0x288: {  	v4 =	vshll.u32 v4, $0x3;
	v5 =	vand.u32 $0xFFFFF000, v5;
	v6 =	vand.u32 $0x380, v6  }
0x289: {  	v8 =	vor.u32 s9, v1;
	s9 =	smov.u32 s10;
	v4 =	vand.u32 $0xC00, v4;
	v5 =	vor.u32 v6, v5  }
0x28a: {  	v3 =	vadd.s32 $0xFFFFFDF8, v3;
	v6 =	vand.u32 $0x7F, v8;
	v4 =	vor.u32 v4, v5  }
0x28b: {  	vm0 =	vlt.u32 v3, $0x28;
	v3 =	vor.u32 v6, v4  }
0x28c: {  	vm1 =	vlt.u32 v7, $0x28;
	v4 =	vadd.s32 $0xFFFBF000, v3;
	v3 =	vadd.s32 $0xFFFB5000, v3;
	_ =	sdelay $0x3  }
.Ltmp16:
0x28d: {  	(pc) =	sbr.rel @p0 .LBB2_34-.Ltmp16, $4  }
0x28e: {  	[tilespmem:v4+s5+$0x0] =	vst.idx.msk vm0, v0  }
0x28f: {  	s11 =	sadd.s32 $0x10, s11;
	[tilespmem:v3+s5+$0x0] =	vst.idx.msk vm1, v2  }
0x290: {  	v3 =	vld [tilespmem:s11+$0x0]  }
0x291: {  	s10 =	sadd.s32 $0x10, s10  }
0x292: {  	_ =	sdelay $0x2  }
0x293: {  	v4 =	vmov s9;
	v5 =	vshll.u32 v3, $0x9;
	v6 =	vshll.u32 v3, $0x7  }
0x294: {  	v4 =	vshll.u32 v4, $0x3;
	v5 =	vand.u32 $0xFFFFF000, v5;
	v6 =	vand.u32 $0x380, v6  }
0x295: {  	v7 =	vor.u32 s9, v1;
	v4 =	vand.u32 $0xC00, v4;
	v5 =	vor.u32 v6, v5  }
0x296: {  	v7 =	vand.u32 $0x7F, v7;
	v63 =	vadd.s32 $0xFFFFFDF8, v3;
	v4 =	vor.u32 v4, v5  }
0x297: {  	v3 =	vadd.s32 $0xFFFFFDA8, v3;
	vm0 =	vlt.u32 v63, $0x28;
	v4 =	vor.u32 v7, v4  }
0x298: {  	vm1 =	vlt.u32 v3, $0x28;
	v5 =	vadd.s32 $0xFFFBF000, v4  }
0x299: {  	v3 =	vadd.s32 $0xFFFB5000, v4;
	_ =	sdelay $0x3  }
0x29a: {  	[tilespmem:v5+s5+$0x0] =	vst.idx.msk vm0, v0  }
0x29b: {  	[tilespmem:v3+s5+$0x0] =	vst.idx.msk vm1, v2  }
0x29c: {  	[hbm4b:s19+s1] =	stream.strided.scatter [tilespmem:s5], [sflag:$0x2], $0x5000, s3, s1, $0x38;
	[tilespmem:$0xA200] =	vst v63  }
0x29d: {  	_ =	swait.ge [sflag:s6], $0x5000  }
0x29e: {  	[sflag:s6] =	ssyncset.done $0x0  }
0x29f: {  	s9 =	simm.s32 $0x0;
	[sflag:s6] =	ssyncadd.s32 $0xFFFFB000  }
0x2a0: {  	v3 =	vld [tilespmem:s9+$0x0]  }
0x2a1: {  	s10 =	simm.s32 $0x10;
	s11 =	simm.s32 $0x0  }
.LBB2_36:
0x2a2: {  	p0 =	sne.s32 s10, $0x1F0;
	_ =	sdelay $0x1  }
0x2a3: {  	v4 =	vmov s9  }
0x2a4: {  	v5 =	vshll.u32 v3, $0x9;
	v6 =	vshll.u32 v3, $0x7;
	v7 =	vadd.s32 $0xFFFFFD80, v3  }
0x2a5: {  	v4 =	vshll.u32 v4, $0x3;
	v5 =	vand.u32 $0xFFFFF000, v5;
	v6 =	vand.u32 $0x380, v6  }
0x2a6: {  	v8 =	vor.u32 s9, v1;
	s9 =	smov.u32 s10;
	v4 =	vand.u32 $0xC00, v4;
	v5 =	vor.u32 v6, v5  }
0x2a7: {  	v3 =	vadd.s32 $0xFFFFFDD0, v3;
	v6 =	vand.u32 $0x7F, v8;
	v4 =	vor.u32 v4, v5  }
0x2a8: {  	vm0 =	vlt.u32 v3, $0x28;
	v3 =	vor.u32 v6, v4  }
0x2a9: {  	vm1 =	vlt.u32 v7, $0x28;
	v4 =	vadd.s32 $0xFFFBA000, v3;
	v3 =	vadd.s32 $0xFFFB0000, v3;
	_ =	sdelay $0x3  }
.Ltmp17:
0x2aa: {  	(pc) =	sbr.rel @p0 .LBB2_36-.Ltmp17, $4  }
0x2ab: {  	[tilespmem:v4+s0+$0x0] =	vst.idx.msk vm0, v0  }
0x2ac: {  	s11 =	sadd.s32 $0x10, s11;
	[tilespmem:v3+s0+$0x0] =	vst.idx.msk vm1, v2  }
0x2ad: {  	v3 =	vld [tilespmem:s11+$0x0]  }
0x2ae: {  	s10 =	sadd.s32 $0x10, s10  }
0x2af: {  	_ =	sdelay $0x2  }
0x2b0: {  	v4 =	vmov s9;
	v5 =	vshll.u32 v3, $0x9;
	v6 =	vshll.u32 v3, $0x7  }
0x2b1: {  	v4 =	vshll.u32 v4, $0x3;
	v5 =	vand.u32 $0xFFFFF000, v5;
	v6 =	vand.u32 $0x380, v6  }
0x2b2: {  	v7 =	vor.u32 s9, v1;
	v4 =	vand.u32 $0xC00, v4;
	v5 =	vor.u32 v6, v5  }
0x2b3: {  	v7 =	vand.u32 $0x7F, v7;
	v63 =	vadd.s32 $0xFFFFFDD0, v3;
	v4 =	vor.u32 v4, v5  }
0x2b4: {  	v3 =	vadd.s32 $0xFFFFFD80, v3;
	vm0 =	vlt.u32 v63, $0x28;
	v4 =	vor.u32 v7, v4  }
0x2b5: {  	vm1 =	vlt.u32 v3, $0x28;
	v5 =	vadd.s32 $0xFFFBA000, v4  }
0x2b6: {  	v3 =	vadd.s32 $0xFFFB0000, v4;
	_ =	sdelay $0x3  }
0x2b7: {  	[tilespmem:v5+s0+$0x0] =	vst.idx.msk vm0, v0  }
0x2b8: {  	[tilespmem:v3+s0+$0x0] =	vst.idx.msk vm1, v2  }
0x2b9: {  	[hbm4b:s20+s1] =	stream.strided.scatter [tilespmem:s0], [sflag:$0x1], $0x5000, s3, s1, $0x38;
	[tilespmem:$0xA200] =	vst v63  }
0x2ba: {  	_ =	swait.ge [sflag:s7], $0x5000  }
0x2bb: {  	[sflag:s7] =	ssyncset.done $0x0  }
0x2bc: {  	s9 =	simm.s32 $0x0;
	[sflag:s7] =	ssyncadd.s32 $0xFFFFB000  }
0x2bd: {  	v3 =	vld [tilespmem:s9+$0x0]  }
0x2be: {  	s10 =	simm.s32 $0x10;
	s11 =	simm.s32 $0x0  }
.LBB2_38:
0x2bf: {  	p0 =	sne.s32 s10, $0x1F0;
	_ =	sdelay $0x1  }
0x2c0: {  	v4 =	vmov s9  }
0x2c1: {  	v5 =	vshll.u32 v3, $0x9;
	v6 =	vshll.u32 v3, $0x7;
	v7 =	vadd.s32 $0xFFFFFD58, v3  }
0x2c2: {  	v4 =	vshll.u32 v4, $0x3;
	v5 =	vand.u32 $0xFFFFF000, v5;
	v6 =	vand.u32 $0x380, v6  }
0x2c3: {  	v8 =	vor.u32 s9, v1;
	s9 =	smov.u32 s10;
	v4 =	vand.u32 $0xC00, v4;
	v5 =	vor.u32 v6, v5  }
0x2c4: {  	v3 =	vadd.s32 $0xFFFFFDA8, v3;
	v6 =	vand.u32 $0x7F, v8;
	v4 =	vor.u32 v4, v5  }
0x2c5: {  	vm0 =	vlt.u32 v3, $0x28;
	v3 =	vor.u32 v6, v4  }
0x2c6: {  	vm1 =	vlt.u32 v7, $0x28;
	v4 =	vadd.s32 $0xFFFB5000, v3;
	v3 =	vadd.s32 $0xFFFAB000, v3;
	_ =	sdelay $0x3  }
.Ltmp18:
0x2c7: {  	(pc) =	sbr.rel @p0 .LBB2_38-.Ltmp18, $4  }
0x2c8: {  	[tilespmem:v4+s5+$0x0] =	vst.idx.msk vm0, v0  }
0x2c9: {  	s11 =	sadd.s32 $0x10, s11;
	[tilespmem:v3+s5+$0x0] =	vst.idx.msk vm1, v2  }
0x2ca: {  	v3 =	vld [tilespmem:s11+$0x0]  }
0x2cb: {  	s10 =	sadd.s32 $0x10, s10  }
0x2cc: {  	_ =	sdelay $0x2  }
0x2cd: {  	v4 =	vmov s9;
	v5 =	vshll.u32 v3, $0x9;
	v6 =	vshll.u32 v3, $0x7  }
0x2ce: {  	v4 =	vshll.u32 v4, $0x3;
	v5 =	vand.u32 $0xFFFFF000, v5;
	v6 =	vand.u32 $0x380, v6  }
0x2cf: {  	v7 =	vor.u32 s9, v1;
	v4 =	vand.u32 $0xC00, v4;
	v5 =	vor.u32 v6, v5  }
0x2d0: {  	v7 =	vand.u32 $0x7F, v7;
	v63 =	vadd.s32 $0xFFFFFDA8, v3;
	v4 =	vor.u32 v4, v5  }
0x2d1: {  	v3 =	vadd.s32 $0xFFFFFD58, v3;
	vm0 =	vlt.u32 v63, $0x28;
	v4 =	vor.u32 v7, v4  }
0x2d2: {  	vm1 =	vlt.u32 v3, $0x28;
	v5 =	vadd.s32 $0xFFFB5000, v4  }
0x2d3: {  	v3 =	vadd.s32 $0xFFFAB000, v4;
	_ =	sdelay $0x3  }
0x2d4: {  	[tilespmem:v5+s5+$0x0] =	vst.idx.msk vm0, v0  }
0x2d5: {  	[tilespmem:v3+s5+$0x0] =	vst.idx.msk vm1, v2  }
0x2d6: {  	[hbm4b:s21+s1] =	stream.strided.scatter [tilespmem:s5], [sflag:$0x2], $0x5000, s3, s1, $0x38;
	[tilespmem:$0xA200] =	vst v63  }
0x2d7: {  	_ =	swait.ge [sflag:s6], $0x5000  }
0x2d8: {  	[sflag:s6] =	ssyncset.done $0x0  }
0x2d9: {  	s9 =	simm.s32 $0x0;
	[sflag:s6] =	ssyncadd.s32 $0xFFFFB000  }
0x2da: {  	v3 =	vld [tilespmem:s9+$0x0]  }
0x2db: {  	s10 =	simm.s32 $0x10;
	s11 =	simm.s32 $0x0  }
.LBB2_40:
0x2dc: {  	p0 =	sne.s32 s10, $0x1F0;
	_ =	sdelay $0x1  }
0x2dd: {  	v4 =	vmov s9  }
0x2de: {  	v5 =	vshll.u32 v3, $0x9;
	v6 =	vshll.u32 v3, $0x7;
	v7 =	vadd.s32 $0xFFFFFD30, v3  }
0x2df: {  	v4 =	vshll.u32 v4, $0x3;
	v5 =	vand.u32 $0xFFFFF000, v5;
	v6 =	vand.u32 $0x380, v6  }
0x2e0: {  	v8 =	vor.u32 s9, v1;
	s9 =	smov.u32 s10;
	v4 =	vand.u32 $0xC00, v4;
	v5 =	vor.u32 v6, v5  }
0x2e1: {  	v3 =	vadd.s32 $0xFFFFFD80, v3;
	v6 =	vand.u32 $0x7F, v8;
	v4 =	vor.u32 v4, v5  }
0x2e2: {  	vm0 =	vlt.u32 v3, $0x28;
	v3 =	vor.u32 v6, v4  }
0x2e3: {  	vm1 =	vlt.u32 v7, $0x28;
	v4 =	vadd.s32 $0xFFFB0000, v3;
	v3 =	vadd.s32 $0xFFFA6000, v3;
	_ =	sdelay $0x3  }
.Ltmp19:
0x2e4: {  	(pc) =	sbr.rel @p0 .LBB2_40-.Ltmp19, $4  }
0x2e5: {  	[tilespmem:v4+s0+$0x0] =	vst.idx.msk vm0, v0  }
0x2e6: {  	s11 =	sadd.s32 $0x10, s11;
	[tilespmem:v3+s0+$0x0] =	vst.idx.msk vm1, v2  }
0x2e7: {  	v3 =	vld [tilespmem:s11+$0x0]  }
0x2e8: {  	s10 =	sadd.s32 $0x10, s10  }
0x2e9: {  	_ =	sdelay $0x2  }
0x2ea: {  	v4 =	vmov s9;
	v5 =	vshll.u32 v3, $0x9;
	v6 =	vshll.u32 v3, $0x7  }
0x2eb: {  	v4 =	vshll.u32 v4, $0x3;
	v5 =	vand.u32 $0xFFFFF000, v5;
	v6 =	vand.u32 $0x380, v6  }
0x2ec: {  	v7 =	vor.u32 s9, v1;
	v4 =	vand.u32 $0xC00, v4;
	v5 =	vor.u32 v6, v5  }
0x2ed: {  	v7 =	vand.u32 $0x7F, v7;
	v63 =	vadd.s32 $0xFFFFFD80, v3;
	v4 =	vor.u32 v4, v5  }
0x2ee: {  	v3 =	vadd.s32 $0xFFFFFD30, v3;
	vm0 =	vlt.u32 v63, $0x28;
	v4 =	vor.u32 v7, v4  }
0x2ef: {  	vm1 =	vlt.u32 v3, $0x28;
	v5 =	vadd.s32 $0xFFFB0000, v4  }
0x2f0: {  	v3 =	vadd.s32 $0xFFFA6000, v4;
	_ =	sdelay $0x3  }
0x2f1: {  	[tilespmem:v5+s0+$0x0] =	vst.idx.msk vm0, v0  }
0x2f2: {  	[tilespmem:v3+s0+$0x0] =	vst.idx.msk vm1, v2  }
0x2f3: {  	[hbm4b:s22+s1] =	stream.strided.scatter [tilespmem:s0], [sflag:$0x1], $0x5000, s3, s1, $0x38;
	[tilespmem:$0xA200] =	vst v63  }
0x2f4: {  	_ =	swait.ge [sflag:s7], $0x5000  }
0x2f5: {  	[sflag:s7] =	ssyncset.done $0x0  }
0x2f6: {  	s9 =	simm.s32 $0x0;
	[sflag:s7] =	ssyncadd.s32 $0xFFFFB000  }
0x2f7: {  	v3 =	vld [tilespmem:s9+$0x0]  }
0x2f8: {  	s10 =	simm.s32 $0x10;
	s11 =	simm.s32 $0x0  }
.LBB2_42:
0x2f9: {  	p0 =	sne.s32 s10, $0x1F0;
	_ =	sdelay $0x1  }
0x2fa: {  	v4 =	vmov s9  }
0x2fb: {  	v5 =	vshll.u32 v3, $0x9;
	v6 =	vshll.u32 v3, $0x7;
	v7 =	vadd.s32 $0xFFFFFD08, v3  }
0x2fc: {  	v4 =	vshll.u32 v4, $0x3;
	v5 =	vand.u32 $0xFFFFF000, v5;
	v6 =	vand.u32 $0x380, v6  }
0x2fd: {  	v8 =	vor.u32 s9, v1;
	s9 =	smov.u32 s10;
	v4 =	vand.u32 $0xC00, v4;
	v5 =	vor.u32 v6, v5  }
0x2fe: {  	v3 =	vadd.s32 $0xFFFFFD58, v3;
	v6 =	vand.u32 $0x7F, v8;
	v4 =	vor.u32 v4, v5  }
0x2ff: {  	vm0 =	vlt.u32 v3, $0x28;
	v3 =	vor.u32 v6, v4  }
0x300: {  	vm1 =	vlt.u32 v7, $0x28;
	v4 =	vadd.s32 $0xFFFAB000, v3;
	v3 =	vadd.s32 $0xFFFA1000, v3;
	_ =	sdelay $0x3  }
.Ltmp20:
0x301: {  	(pc) =	sbr.rel @p0 .LBB2_42-.Ltmp20, $4  }
0x302: {  	[tilespmem:v4+s5+$0x0] =	vst.idx.msk vm0, v0  }
0x303: {  	s11 =	sadd.s32 $0x10, s11;
	[tilespmem:v3+s5+$0x0] =	vst.idx.msk vm1, v2  }
0x304: {  	v3 =	vld [tilespmem:s11+$0x0]  }
0x305: {  	s10 =	sadd.s32 $0x10, s10  }
0x306: {  	_ =	sdelay $0x2  }
0x307: {  	v4 =	vmov s9;
	v5 =	vshll.u32 v3, $0x9;
	v6 =	vshll.u32 v3, $0x7  }
0x308: {  	v4 =	vshll.u32 v4, $0x3;
	v5 =	vand.u32 $0xFFFFF000, v5;
	v6 =	vand.u32 $0x380, v6  }
0x309: {  	v7 =	vor.u32 s9, v1;
	v4 =	vand.u32 $0xC00, v4;
	v5 =	vor.u32 v6, v5  }
0x30a: {  	v7 =	vand.u32 $0x7F, v7;
	v63 =	vadd.s32 $0xFFFFFD58, v3;
	v4 =	vor.u32 v4, v5  }
0x30b: {  	v3 =	vadd.s32 $0xFFFFFD08, v3;
	vm0 =	vlt.u32 v63, $0x28;
	v4 =	vor.u32 v7, v4  }
0x30c: {  	vm1 =	vlt.u32 v3, $0x28;
	v5 =	vadd.s32 $0xFFFAB000, v4  }
0x30d: {  	v3 =	vadd.s32 $0xFFFA1000, v4;
	_ =	sdelay $0x3  }
0x30e: {  	[tilespmem:v5+s5+$0x0] =	vst.idx.msk vm0, v0  }
0x30f: {  	[tilespmem:v3+s5+$0x0] =	vst.idx.msk vm1, v2  }
0x310: {  	[hbm4b:s23+s1] =	stream.strided.scatter [tilespmem:s5], [sflag:$0x2], $0x5000, s3, s1, $0x38;
	[tilespmem:$0xA200] =	vst v63  }
0x311: {  	_ =	swait.ge [sflag:s6], $0x5000  }
0x312: {  	[sflag:s6] =	ssyncset.done $0x0  }
0x313: {  	s9 =	simm.s32 $0x0;
	[sflag:s6] =	ssyncadd.s32 $0xFFFFB000  }
0x314: {  	v3 =	vld [tilespmem:s9+$0x0]  }
0x315: {  	s10 =	simm.s32 $0x10;
	s11 =	simm.s32 $0x0  }
.LBB2_44:
0x316: {  	p0 =	sne.s32 s10, $0x1F0;
	_ =	sdelay $0x1  }
0x317: {  	v4 =	vmov s9  }
0x318: {  	v5 =	vshll.u32 v3, $0x9;
	v6 =	vshll.u32 v3, $0x7;
	v7 =	vadd.s32 $0xFFFFFCE0, v3  }
0x319: {  	v4 =	vshll.u32 v4, $0x3;
	v5 =	vand.u32 $0xFFFFF000, v5;
	v6 =	vand.u32 $0x380, v6  }
0x31a: {  	v8 =	vor.u32 s9, v1;
	s9 =	smov.u32 s10;
	v4 =	vand.u32 $0xC00, v4;
	v5 =	vor.u32 v6, v5  }
0x31b: {  	v3 =	vadd.s32 $0xFFFFFD30, v3;
	v6 =	vand.u32 $0x7F, v8;
	v4 =	vor.u32 v4, v5  }
0x31c: {  	vm0 =	vlt.u32 v3, $0x28;
	v3 =	vor.u32 v6, v4  }
0x31d: {  	vm1 =	vlt.u32 v7, $0x28;
	v4 =	vadd.s32 $0xFFFA6000, v3;
	v3 =	vadd.s32 $0xFFF9C000, v3;
	_ =	sdelay $0x3  }
.Ltmp21:
0x31e: {  	(pc) =	sbr.rel @p0 .LBB2_44-.Ltmp21, $4  }
0x31f: {  	[tilespmem:v4+s0+$0x0] =	vst.idx.msk vm0, v0  }
0x320: {  	s11 =	sadd.s32 $0x10, s11;
	[tilespmem:v3+s0+$0x0] =	vst.idx.msk vm1, v2  }
0x321: {  	v3 =	vld [tilespmem:s11+$0x0]  }
0x322: {  	s10 =	sadd.s32 $0x10, s10  }
0x323: {  	_ =	sdelay $0x2  }
0x324: {  	v4 =	vmov s9;
	v5 =	vshll.u32 v3, $0x9;
	v6 =	vshll.u32 v3, $0x7  }
0x325: {  	v4 =	vshll.u32 v4, $0x3;
	v5 =	vand.u32 $0xFFFFF000, v5;
	v6 =	vand.u32 $0x380, v6  }
0x326: {  	v7 =	vor.u32 s9, v1;
	v4 =	vand.u32 $0xC00, v4;
	v5 =	vor.u32 v6, v5  }
0x327: {  	v7 =	vand.u32 $0x7F, v7;
	v63 =	vadd.s32 $0xFFFFFD30, v3;
	v4 =	vor.u32 v4, v5  }
0x328: {  	v3 =	vadd.s32 $0xFFFFFCE0, v3;
	vm0 =	vlt.u32 v63, $0x28;
	v4 =	vor.u32 v7, v4  }
0x329: {  	vm1 =	vlt.u32 v3, $0x28;
	v5 =	vadd.s32 $0xFFFA6000, v4  }
0x32a: {  	v3 =	vadd.s32 $0xFFF9C000, v4;
	_ =	sdelay $0x3  }
0x32b: {  	[tilespmem:v5+s0+$0x0] =	vst.idx.msk vm0, v0  }
0x32c: {  	[tilespmem:v3+s0+$0x0] =	vst.idx.msk vm1, v2  }
0x32d: {  	[hbm4b:s24+s1] =	stream.strided.scatter [tilespmem:s0], [sflag:$0x1], $0x5000, s3, s1, $0x38;
	[tilespmem:$0xA200] =	vst v63  }
0x32e: {  	_ =	swait.ge [sflag:s7], $0x5000  }
0x32f: {  	[sflag:s7] =	ssyncset.done $0x0  }
0x330: {  	s9 =	simm.s32 $0x0;
	[sflag:s7] =	ssyncadd.s32 $0xFFFFB000  }
0x331: {  	v3 =	vld [tilespmem:s9+$0x0]  }
0x332: {  	s10 =	simm.s32 $0x10;
	s11 =	simm.s32 $0x0  }
.LBB2_46:
0x333: {  	p0 =	sne.s32 s10, $0x1F0;
	_ =	sdelay $0x1  }
0x334: {  	v4 =	vmov s9  }
0x335: {  	v5 =	vshll.u32 v3, $0x9;
	v6 =	vshll.u32 v3, $0x7;
	v7 =	vadd.s32 $0xFFFFFCB8, v3  }
0x336: {  	v4 =	vshll.u32 v4, $0x3;
	v5 =	vand.u32 $0xFFFFF000, v5;
	v6 =	vand.u32 $0x380, v6  }
0x337: {  	v8 =	vor.u32 s9, v1;
	s9 =	smov.u32 s10;
	v4 =	vand.u32 $0xC00, v4;
	v5 =	vor.u32 v6, v5  }
0x338: {  	v3 =	vadd.s32 $0xFFFFFD08, v3;
	v6 =	vand.u32 $0x7F, v8;
	v4 =	vor.u32 v4, v5  }
0x339: {  	vm0 =	vlt.u32 v3, $0x28;
	v3 =	vor.u32 v6, v4  }
0x33a: {  	vm1 =	vlt.u32 v7, $0x28;
	v4 =	vadd.s32 $0xFFFA1000, v3;
	v3 =	vadd.s32 $0xFFF97000, v3;
	_ =	sdelay $0x3  }
.Ltmp22:
0x33b: {  	(pc) =	sbr.rel @p0 .LBB2_46-.Ltmp22, $4  }
0x33c: {  	[tilespmem:v4+s5+$0x0] =	vst.idx.msk vm0, v0  }
0x33d: {  	s11 =	sadd.s32 $0x10, s11;
	[tilespmem:v3+s5+$0x0] =	vst.idx.msk vm1, v2  }
0x33e: {  	v3 =	vld [tilespmem:s11+$0x0]  }
0x33f: {  	s10 =	sadd.s32 $0x10, s10  }
0x340: {  	_ =	sdelay $0x2  }
0x341: {  	v4 =	vmov s9;
	v5 =	vshll.u32 v3, $0x9;
	v6 =	vshll.u32 v3, $0x7  }
0x342: {  	v4 =	vshll.u32 v4, $0x3;
	v5 =	vand.u32 $0xFFFFF000, v5;
	v6 =	vand.u32 $0x380, v6  }
0x343: {  	v7 =	vor.u32 s9, v1;
	v4 =	vand.u32 $0xC00, v4;
	v5 =	vor.u32 v6, v5  }
0x344: {  	v7 =	vand.u32 $0x7F, v7;
	v63 =	vadd.s32 $0xFFFFFD08, v3;
	v4 =	vor.u32 v4, v5  }
0x345: {  	v3 =	vadd.s32 $0xFFFFFCB8, v3;
	vm0 =	vlt.u32 v63, $0x28;
	v4 =	vor.u32 v7, v4  }
0x346: {  	vm1 =	vlt.u32 v3, $0x28;
	v5 =	vadd.s32 $0xFFFA1000, v4  }
0x347: {  	v3 =	vadd.s32 $0xFFF97000, v4;
	_ =	sdelay $0x3  }
0x348: {  	[tilespmem:v5+s5+$0x0] =	vst.idx.msk vm0, v0  }
0x349: {  	[tilespmem:v3+s5+$0x0] =	vst.idx.msk vm1, v2  }
0x34a: {  	[hbm4b:s26+s1] =	stream.strided.scatter [tilespmem:s5], [sflag:$0x2], $0x5000, s3, s1, $0x38;
	[tilespmem:$0xA200] =	vst v63  }
0x34b: {  	_ =	swait.ge [sflag:s6], $0x5000  }
0x34c: {  	[sflag:s6] =	ssyncset.done $0x0  }
0x34d: {  	s9 =	simm.s32 $0x0;
	[sflag:s6] =	ssyncadd.s32 $0xFFFFB000  }
0x34e: {  	v3 =	vld [tilespmem:s9+$0x0]  }
0x34f: {  	s10 =	simm.s32 $0x10;
	s11 =	simm.s32 $0x0  }
.LBB2_48:
0x350: {  	p0 =	sne.s32 s10, $0x1F0;
	_ =	sdelay $0x1  }
0x351: {  	v4 =	vmov s9  }
0x352: {  	v5 =	vshll.u32 v3, $0x9;
	v6 =	vshll.u32 v3, $0x7;
	v7 =	vadd.s32 $0xFFFFFC90, v3  }
0x353: {  	v4 =	vshll.u32 v4, $0x3;
	v5 =	vand.u32 $0xFFFFF000, v5;
	v6 =	vand.u32 $0x380, v6  }
0x354: {  	v8 =	vor.u32 s9, v1;
	s9 =	smov.u32 s10;
	v4 =	vand.u32 $0xC00, v4;
	v5 =	vor.u32 v6, v5  }
0x355: {  	v3 =	vadd.s32 $0xFFFFFCE0, v3;
	v6 =	vand.u32 $0x7F, v8;
	v4 =	vor.u32 v4, v5  }
0x356: {  	vm0 =	vlt.u32 v3, $0x28;
	v3 =	vor.u32 v6, v4  }
0x357: {  	vm1 =	vlt.u32 v7, $0x28;
	v4 =	vadd.s32 $0xFFF9C000, v3;
	v3 =	vadd.s32 $0xFFF92000, v3;
	_ =	sdelay $0x3  }
.Ltmp23:
0x358: {  	(pc) =	sbr.rel @p0 .LBB2_48-.Ltmp23, $4  }
0x359: {  	[tilespmem:v4+s0+$0x0] =	vst.idx.msk vm0, v0  }
0x35a: {  	s11 =	sadd.s32 $0x10, s11;
	[tilespmem:v3+s0+$0x0] =	vst.idx.msk vm1, v2  }
0x35b: {  	v3 =	vld [tilespmem:s11+$0x0]  }
0x35c: {  	s10 =	sadd.s32 $0x10, s10  }
0x35d: {  	_ =	sdelay $0x2  }
0x35e: {  	v4 =	vmov s9;
	v5 =	vshll.u32 v3, $0x9;
	v6 =	vshll.u32 v3, $0x7  }
0x35f: {  	v4 =	vshll.u32 v4, $0x3;
	v5 =	vand.u32 $0xFFFFF000, v5;
	v6 =	vand.u32 $0x380, v6  }
0x360: {  	v7 =	vor.u32 s9, v1;
	v4 =	vand.u32 $0xC00, v4;
	v5 =	vor.u32 v6, v5  }
0x361: {  	v7 =	vand.u32 $0x7F, v7;
	v63 =	vadd.s32 $0xFFFFFCE0, v3;
	v4 =	vor.u32 v4, v5  }
0x362: {  	v3 =	vadd.s32 $0xFFFFFC90, v3;
	vm0 =	vlt.u32 v63, $0x28;
	v4 =	vor.u32 v7, v4  }
0x363: {  	vm1 =	vlt.u32 v3, $0x28;
	v5 =	vadd.s32 $0xFFF9C000, v4  }
0x364: {  	v3 =	vadd.s32 $0xFFF92000, v4;
	_ =	sdelay $0x3  }
0x365: {  	[tilespmem:v5+s0+$0x0] =	vst.idx.msk vm0, v0  }
0x366: {  	[tilespmem:v3+s0+$0x0] =	vst.idx.msk vm1, v2  }
0x367: {  	[hbm4b:s28+s1] =	stream.strided.scatter [tilespmem:s0], [sflag:$0x1], $0x5000, s3, s1, $0x38;
	[tilespmem:$0xA200] =	vst v63  }
0x368: {  	_ =	swait.ge [sflag:s7], $0x5000  }
0x369: {  	[sflag:s7] =	ssyncset.done $0x0  }
0x36a: {  	s9 =	simm.s32 $0x0;
	[sflag:s7] =	ssyncadd.s32 $0xFFFFB000  }
0x36b: {  	v3 =	vld [tilespmem:s9+$0x0]  }
0x36c: {  	s10 =	simm.s32 $0x10;
	s11 =	simm.s32 $0x0  }
.LBB2_50:
0x36d: {  	p0 =	sne.s32 s10, $0x1F0;
	_ =	sdelay $0x1  }
0x36e: {  	v4 =	vmov s9  }
0x36f: {  	v5 =	vshll.u32 v3, $0x9;
	v6 =	vshll.u32 v3, $0x7;
	v7 =	vadd.s32 $0xFFFFFC68, v3  }
0x370: {  	v4 =	vshll.u32 v4, $0x3;
	v5 =	vand.u32 $0xFFFFF000, v5;
	v6 =	vand.u32 $0x380, v6  }
0x371: {  	v8 =	vor.u32 s9, v1;
	s9 =	smov.u32 s10;
	v4 =	vand.u32 $0xC00, v4;
	v5 =	vor.u32 v6, v5  }
0x372: {  	v3 =	vadd.s32 $0xFFFFFCB8, v3;
	v6 =	vand.u32 $0x7F, v8;
	v4 =	vor.u32 v4, v5  }
0x373: {  	vm0 =	vlt.u32 v3, $0x28;
	v3 =	vor.u32 v6, v4  }
0x374: {  	vm1 =	vlt.u32 v7, $0x28;
	v4 =	vadd.s32 $0xFFF97000, v3;
	v3 =	vadd.s32 $0xFFF8D000, v3;
	_ =	sdelay $0x3  }
.Ltmp24:
0x375: {  	(pc) =	sbr.rel @p0 .LBB2_50-.Ltmp24, $4  }
0x376: {  	[tilespmem:v4+s5+$0x0] =	vst.idx.msk vm0, v0  }
0x377: {  	s11 =	sadd.s32 $0x10, s11;
	[tilespmem:v3+s5+$0x0] =	vst.idx.msk vm1, v2  }
0x378: {  	v3 =	vld [tilespmem:s11+$0x0]  }
0x379: {  	s10 =	sadd.s32 $0x10, s10  }
0x37a: {  	_ =	sdelay $0x2  }
0x37b: {  	v4 =	vmov s9;
	v5 =	vshll.u32 v3, $0x9;
	v6 =	vshll.u32 v3, $0x7  }
0x37c: {  	v4 =	vshll.u32 v4, $0x3;
	v5 =	vand.u32 $0xFFFFF000, v5;
	v6 =	vand.u32 $0x380, v6  }
0x37d: {  	v7 =	vor.u32 s9, v1;
	v4 =	vand.u32 $0xC00, v4;
	v5 =	vor.u32 v6, v5  }
0x37e: {  	v7 =	vand.u32 $0x7F, v7;
	v63 =	vadd.s32 $0xFFFFFCB8, v3;
	v4 =	vor.u32 v4, v5  }
0x37f: {  	v3 =	vadd.s32 $0xFFFFFC68, v3;
	vm0 =	vlt.u32 v63, $0x28;
	v4 =	vor.u32 v7, v4  }
0x380: {  	vm1 =	vlt.u32 v3, $0x28;
	v5 =	vadd.s32 $0xFFF97000, v4  }
0x381: {  	v3 =	vadd.s32 $0xFFF8D000, v4;
	_ =	sdelay $0x3  }
0x382: {  	[tilespmem:v5+s5+$0x0] =	vst.idx.msk vm0, v0  }
0x383: {  	[tilespmem:v3+s5+$0x0] =	vst.idx.msk vm1, v2  }
0x384: {  	[hbm4b:s29+s1] =	stream.strided.scatter [tilespmem:s5], [sflag:$0x2], $0x5000, s3, s1, $0x38;
	[tilespmem:$0xA200] =	vst v63  }
0x385: {  	_ =	swait.ge [sflag:s6], $0x5000  }
0x386: {  	[sflag:s6] =	ssyncset.done $0x0  }
0x387: {  	s9 =	simm.s32 $0x0;
	[sflag:s6] =	ssyncadd.s32 $0xFFFFB000  }
0x388: {  	v3 =	vld [tilespmem:s9+$0x0]  }
0x389: {  	s10 =	simm.s32 $0x10;
	s11 =	simm.s32 $0x0  }
.LBB2_52:
0x38a: {  	p0 =	sne.s32 s10, $0x1F0;
	_ =	sdelay $0x1  }
0x38b: {  	v4 =	vmov s9  }
0x38c: {  	v5 =	vshll.u32 v3, $0x9;
	v6 =	vshll.u32 v3, $0x7;
	v7 =	vadd.s32 $0xFFFFFC40, v3  }
0x38d: {  	v4 =	vshll.u32 v4, $0x3;
	v5 =	vand.u32 $0xFFFFF000, v5;
	v6 =	vand.u32 $0x380, v6  }
0x38e: {  	v8 =	vor.u32 s9, v1;
	s9 =	smov.u32 s10;
	v4 =	vand.u32 $0xC00, v4;
	v5 =	vor.u32 v6, v5  }
0x38f: {  	v3 =	vadd.s32 $0xFFFFFC90, v3;
	v6 =	vand.u32 $0x7F, v8;
	v4 =	vor.u32 v4, v5  }
0x390: {  	vm0 =	vlt.u32 v3, $0x28;
	v3 =	vor.u32 v6, v4  }
0x391: {  	vm1 =	vlt.u32 v7, $0x28;
	v4 =	vadd.s32 $0xFFF92000, v3;
	v3 =	vadd.s32 $0xFFF88000, v3;
	_ =	sdelay $0x3  }
.Ltmp25:
0x392: {  	(pc) =	sbr.rel @p0 .LBB2_52-.Ltmp25, $4  }
0x393: {  	[tilespmem:v4+s0+$0x0] =	vst.idx.msk vm0, v0  }
0x394: {  	s11 =	sadd.s32 $0x10, s11;
	[tilespmem:v3+s0+$0x0] =	vst.idx.msk vm1, v2  }
0x395: {  	v3 =	vld [tilespmem:s11+$0x0]  }
0x396: {  	s10 =	sadd.s32 $0x10, s10  }
0x397: {  	_ =	sdelay $0x2  }
0x398: {  	v4 =	vmov s9;
	v5 =	vshll.u32 v3, $0x9;
	v6 =	vshll.u32 v3, $0x7  }
0x399: {  	v4 =	vshll.u32 v4, $0x3;
	v5 =	vand.u32 $0xFFFFF000, v5;
	v6 =	vand.u32 $0x380, v6  }
0x39a: {  	v7 =	vor.u32 s9, v1;
	v4 =	vand.u32 $0xC00, v4;
	v5 =	vor.u32 v6, v5  }
0x39b: {  	v7 =	vand.u32 $0x7F, v7;
	v62 =	vadd.s32 $0xFFFFFC90, v3;
	v4 =	vor.u32 v4, v5  }
0x39c: {  	v3 =	vadd.s32 $0xFFFFFC40, v3;
	vm0 =	vlt.u32 v62, $0x28;
	v4 =	vor.u32 v7, v4  }
0x39d: {  	vm1 =	vlt.u32 v3, $0x28;
	v63 =	vadd.s32 $0xFFF92000, v4  }
0x39e: {  	v3 =	vadd.s32 $0xFFF88000, v4;
	_ =	sdelay $0x3  }
0x39f: {  	[tilespmem:v63+s0+$0x0] =	vst.idx.msk vm0, v0  }
0x3a0: {  	s8 =	sadd.s32 $0x1, s8;
	[tilespmem:v3+s0+$0x0] =	vst.idx.msk vm1, v2  }
0x3a1: {  	[hbm4b:s30+s1] =	stream.strided.scatter [tilespmem:s0], [sflag:$0x1], $0x5000, s3, s1, $0x38;
	[tilespmem:$0xA200] =	vst v63  }
0x3a2: {  	p0 =	sne.s32 s8, s25;
	_ =	swait.ge [sflag:s6], $0x5000  }
.Ltmp26:
0x3a3: {  	[sflag:s6] =	ssyncset.done $0x0;
	(pc) =	sbr.rel @p0 .LBB2_1-.Ltmp26, $4  }
0x3a4: {  	[sflag:s6] =	ssyncadd.s32 $0xFFFFB000  }
0x3a5: {  	_ =	swait.ge [sflag:s7], $0x5000  }
0x3a6: {  	[sflag:s7] =	ssyncset.done $0x0  }
0x3a7: {  	[sflag:s7] =	ssyncadd.s32 $0xFFFFB000  }
0x3a8: {  	_ =	sfence.sel $0x180000  }
0x3a9: {  	[bflag:$0x0] =	sbarrier.arrive $0xFFFF  }
0x3aa: {  	_ =	strace $0x90000047  }
0x3ab: {  	s0 =	stileid.u32;
	[bflag:$0x2] =	sbarrier.arrive $0xFFFF  }
0x3ac: {  	p0 =	sne.s32 s0, $0x0;
	s0 =	rddreg [dreg:$0x2]  }
0x3ad: {  	s0 =	sadd.s32 @!p0 $0x100000, s0  }
0x3ae: {  	[sflag:s0] =	ssyncadd.tile.s32 @!p0 $0x1;
	_ =	shalt  }
.Lfunc_end2:
_tile_overlayer_lowered:
.L_overlay_start_2:
0x3af: {  	(tag) =	ssettag $0x2  }
0x3b0: {  	s0 =	rddreg [dreg:$0x0];
	s2 =	stileid.u32  }
0x3b1: {  	s1 =	rddreg [dreg:$0x1];
	p0 =	sne.s32 s2, $0x0  }
0x3b2: {  	s3 =	rddreg [dreg:$0x2];
	[bflag:$0x3] =	sbarrier.arrive $0xFFFF;
	s2 =	simm.s32 @!p0 $0x1C03  }
0x3b3: {  	[timem:s3], [sflag:s2] =	dma.local @!p0 [hbm:s0], s1  }
0x3b4: {  	s0 =	simm.s32 @!p0 $0x3  }
0x3b5: {  	_ =	swait.ge @!p0 [sflag:s0], s1  }
0x3b6: {  	s1 =	ssub.s32 @!p0 $0x0, s1;
	[sflag:s0] =	ssyncset.done @!p0 $0x0  }
0x3b7: {  	[sflag:s0] =	ssyncadd.s32 @!p0 s1  }
0x3b8: {  	[bflag:$0x3] =	sbarrier.arrive $0xFFFF  }
0x3b9: {  	_ =	shalt  }

</sc_bundles>
